<compile_context>
chip_gen: v7x
topology: tpu7x:2x2x1
jax: 0.10.2.dev20260603
libtpu: 0.0.44.dev20260713+nightly
codegen_flags: <defaults>
</compile_context>

<pallas_src>
import functools

import jax
import jax.numpy as jnp
from jax import lax
from jax.experimental import pallas as pl
from jax.experimental.pallas import tpu as pltpu
from jax.experimental.pallas import tpu_sc as plsc

D_MODEL = 64
SEQ_L = 200
NUM_CORES = 2
NUM_SUBCORES = 16
NUM_WORKERS = NUM_CORES * NUM_SUBCORES
LANES = 16
CHUNK = 200
NBUF = 4
ROW_UNROLL = 4


def _build(num_rows):
    rows_per_w = num_rows // NUM_WORKERS
    n_chunks = rows_per_w // CHUNK
    n_rounds = n_chunks // NBUF
    assert rows_per_w % CHUNK == 0 and rows_per_w % SEQ_L == 0
    assert n_chunks % NBUF == 0

    mesh = plsc.VectorSubcoreMesh(core_axis_name="c", subcore_axis_name="s")

    @functools.partial(
        pl.kernel,
        mesh=mesh,
        out_type=jax.ShapeDtypeStruct((num_rows, D_MODEL), jnp.float32),
        compiler_params=pltpu.CompilerParams(use_tc_tiling_on_sc=False),
        scratch_types=[
            pltpu.VMEM((rows_per_w,), jnp.int32),
            pltpu.VMEM((SEQ_L, D_MODEL), jnp.float32),
            pltpu.VMEM((NBUF, CHUNK, D_MODEL), jnp.float32),
            pltpu.VMEM((NBUF, CHUNK, D_MODEL), jnp.float32),
            pltpu.SemaphoreType.DMA((NBUF,)),
            pltpu.SemaphoreType.DMA((NBUF,)),
        ],
    )
    def emb_kernel(tokens_hbm, temb_hbm, pemb_hbm, out_hbm,
                   idx_v, pos_v, gbuf, sbuf, gsem, ssem):
        wid = lax.axis_index("s") * NUM_CORES + lax.axis_index("c")
        base = wid * rows_per_w
        pltpu.sync_copy(tokens_hbm.at[pl.ds(base, rows_per_w)], idx_v)
        pltpu.sync_copy(pemb_hbm.at[pl.ds(0, SEQ_L)], pos_v)

        def start_gather(k, b):
            pltpu.async_copy(
                temb_hbm.at[idx_v.at[pl.ds(k * CHUNK, CHUNK)]],
                gbuf.at[b], gsem.at[b])

        for b in range(NBUF):
            start_gather(b, b)

        def round_body(r, carry):
            for b in range(NBUF):
                k = r * NBUF + b
                pltpu.make_async_copy(
                    temb_hbm.at[idx_v.at[pl.ds(0, CHUNK)]], gbuf.at[b], gsem.at[b]
                ).wait()
                @pl.when(r > 0)
                def _():
                    pltpu.make_async_copy(
                        sbuf.at[b], out_hbm.at[pl.ds(0, CHUNK)], ssem.at[b]
                    ).wait()

                def row_body(i, c2):
                    for u in range(ROW_UNROLL):
                        rr = i * ROW_UNROLL + u
                        for cc in range(D_MODEL // LANES):
                            sl = pl.ds(cc * LANES, LANES)
                            sbuf[b, rr, sl] = gbuf[b, rr, sl] + pos_v[rr, sl]
                    return c2

                lax.fori_loop(0, CHUNK // ROW_UNROLL, row_body, 0)

                @pl.when(r < n_rounds - 1)
                def _():
                    start_gather(k + NBUF, b)
                pltpu.async_copy(
                    sbuf.at[b], out_hbm.at[pl.ds(base + k * CHUNK, CHUNK)],
                    ssem.at[b])
            return carry

        lax.fori_loop(0, n_rounds, round_body, 0)

        for b in range(NBUF):
            pltpu.make_async_copy(
                sbuf.at[b], out_hbm.at[pl.ds(0, CHUNK)], ssem.at[b]
            ).wait()

    return emb_kernel


def kernel(tokens, token_emb, pos_emb):
    b, l = tokens.shape
    tokens_flat = tokens.reshape(-1).astype(jnp.int32)
    emb = _build(b * l)
    out = emb(tokens_flat, token_emb, pos_emb)
    return out.reshape(b, l, D_MODEL)

# --- scband reference (transcript-rebuilt; emitter-appended) ---
"""Pipeline reference for scband-sanskrit-embeddings-71640054497314 (READ-ONLY COPY).

The authoritative reference and input builder live on the scoring server;
editing this copy changes nothing except your own understanding.
"""

import jax, jax.numpy as jnp
import numpy as np

VOCAB = 1000000
D_MODEL = 64
MAX_SEQ_LEN = 512
B, L = 1024, 200

def _xavier(key, shape):
    fan_in, fan_out = shape[1], shape[0]
    limit = float(np.sqrt(6.0 / (fan_in + fan_out)))
    return jax.random.uniform(key, shape, dtype=jnp.float32, minval=-limit, maxval=limit)

def setup_inputs(seed: int = 0) -> dict:
    key = jax.random.key(seed)
    k_tok, k_temb, k_pemb = jax.random.split(key, 3)
    tokens = jax.random.randint(k_tok, (B, L), 0, VOCAB, dtype=jnp.int64) if jax.config.jax_enable_x64 else jax.random.randint(k_tok, (B, L), 0, VOCAB).astype(jnp.int32)
    token_emb = _xavier(k_temb, (VOCAB, D_MODEL))
    pos_emb = _xavier(k_pemb, (MAX_SEQ_LEN, D_MODEL))
    return {"tokens": tokens, "token_emb": token_emb, "pos_emb": pos_emb}

def reference(tokens, token_emb, pos_emb):
    Bc, Lc = tokens.shape
    positions = jnp.arange(Lc)
    tok = jnp.take(token_emb, tokens, axis=0)          # [B, L, D]
    pos = jnp.take(pos_emb, positions, axis=0)[None]   # [1, L, D]
    return tok + pos

if __name__ == "__main__":
    import jax
    _d = setup_inputs()
    print(jax.jit(kernel)(*tuple(_d.values())))

</pallas_src>

<mosaic_0001>
#map = affine_map<(d0, d1) -> (0)>
#map1 = affine_map<(d0, d1) -> (0, 0)>
module attributes {stable_mosaic.version = 14 : i64} {
  func.func @emb_kernel(%arg0: i32, %arg1: i32, %arg2: memref<204800xi32, #tpu.memory_space<hbm>>, %arg3: memref<1000000x64xf32, #tpu.memory_space<hbm>>, %arg4: memref<512x64xf32, #tpu.memory_space<hbm>>, %arg5: memref<204800x64xf32, #tpu.memory_space<hbm>>, %arg6: memref<6400xi32, #tpu.memory_space<vmem>>, %arg7: memref<200x64xf32, #tpu.memory_space<vmem>>, %arg8: memref<4x200x64xf32, #tpu.memory_space<vmem>>, %arg9: memref<4x200x64xf32, #tpu.memory_space<vmem>>, %arg10: memref<4x!tpu.dma_semaphore, #tpu.memory_space<semaphore_mem>>, %arg11: memref<4x!tpu.dma_semaphore, #tpu.memory_space<semaphore_mem>>) attributes {dimension_semantics = [#tpu.dimension_semantics<core_parallel>, #tpu.dimension_semantics<subcore_parallel>], iteration_bounds = array<i64: 2, 16>, scalar_prefetch = 0 : i64, scratch_operands = 6 : i64, tpu.core_type = #tpu.core_type<sc_vector_subcore>, window_params = [{transform_indices = #map}, {transform_indices = #map1}, {transform_indices = #map1}, {transform_indices = #map1}]} {
    %mul3A = arith.constant 2 : i32
    %mul3A_0 = arith.muli %arg1, %mul3A : i32
    %add3A = arith.addi %mul3A_0, %arg0 : i32
    %mul3A_1 = arith.constant 6400 : i32
    %mul3A_2 = arith.muli %add3A, %mul3A_1 : i32
    "tpu.region"() ({
      %run_scoped3A = tpu.sem_alloc : memref<!tpu.dma_semaphore, #tpu.memory_space<semaphore_mem>>
      %dma_start3A_130 = tpu.memref_slice %arg2[%mul3A_2] : memref<204800xi32, #tpu.memory_space<hbm>> -> memref<6400xi32, #tpu.memory_space<hbm>>
      %dma_start3A_131 = tpu.memref_slice %arg2[%mul3A_2] : memref<204800xi32, #tpu.memory_space<hbm>> -> memref<6400xi32, #tpu.memory_space<hbm>>
      tpu.enqueue_dma source(%dma_start3A_131 : memref<6400xi32, #tpu.memory_space<hbm>>) target(%arg6 : memref<6400xi32, #tpu.memory_space<vmem>>) target_semaphore(%run_scoped3A : memref<!tpu.dma_semaphore, #tpu.memory_space<semaphore_mem>>)
      %dma_wait3A_132 = tpu.memref_slice %arg2[%mul3A_2] : memref<204800xi32, #tpu.memory_space<hbm>> -> memref<6400xi32, #tpu.memory_space<hbm>>
      %dma_wait3A_133 = tpu.memref_slice %arg2[%mul3A_2] : memref<204800xi32, #tpu.memory_space<hbm>> -> memref<6400xi32, #tpu.memory_space<hbm>>
      tpu.wait_dma2 semaphore(%run_scoped3A : memref<!tpu.dma_semaphore, #tpu.memory_space<semaphore_mem>>) src(%dma_wait3A_133 : memref<6400xi32, #tpu.memory_space<hbm>>) dst(%arg6 : memref<6400xi32, #tpu.memory_space<vmem>>)
      tpu.yield
    }) : () -> ()
    "tpu.region"() ({
      %run_scoped3A = tpu.sem_alloc : memref<!tpu.dma_semaphore, #tpu.memory_space<semaphore_mem>>
      %dma_start3A_130 = arith.constant 0 : i32
      %dma_start3A_131 = arith.constant 0 : i32
      %dma_start3A_132 = tpu.memref_slice %arg4[%dma_start3A_130, %dma_start3A_131] : memref<512x64xf32, #tpu.memory_space<hbm>> -> memref<200x64xf32, #tpu.memory_space<hbm>>
      %dma_start3A_133 = arith.constant 0 : i32
      %dma_start3A_134 = arith.constant 0 : i32
      %dma_start3A_135 = tpu.memref_slice %arg4[%dma_start3A_133, %dma_start3A_134] : memref<512x64xf32, #tpu.memory_space<hbm>> -> memref<200x64xf32, #tpu.memory_space<hbm>>
      tpu.enqueue_dma source(%dma_start3A_135 : memref<200x64xf32, #tpu.memory_space<hbm>>) target(%arg7 : memref<200x64xf32, #tpu.memory_space<vmem>>) target_semaphore(%run_scoped3A : memref<!tpu.dma_semaphore, #tpu.memory_space<semaphore_mem>>)
      %dma_wait3A_136 = arith.constant 0 : i32
      %dma_wait3A_137 = arith.constant 0 : i32
      %dma_wait3A_138 = tpu.memref_slice %arg4[%dma_wait3A_136, %dma_wait3A_137] : memref<512x64xf32, #tpu.memory_space<hbm>> -> memref<200x64xf32, #tpu.memory_space<hbm>>
      %dma_wait3A_139 = arith.constant 0 : i32
      %dma_wait3A_140 = arith.constant 0 : i32
      %dma_wait3A_141 = tpu.memref_slice %arg4[%dma_wait3A_139, %dma_wait3A_140] : memref<512x64xf32, #tpu.memory_space<hbm>> -> memref<200x64xf32, #tpu.memory_space<hbm>>
      tpu.wait_dma2 semaphore(%run_scoped3A : memref<!tpu.dma_semaphore, #tpu.memory_space<semaphore_mem>>) src(%dma_wait3A_141 : memref<200x64xf32, #tpu.memory_space<hbm>>) dst(%arg7 : memref<200x64xf32, #tpu.memory_space<vmem>>)
      tpu.yield
    }) : () -> ()
    %dma_start3A = arith.constant 0 : i32
    %dma_start3A_3 = arith.constant 0 : i32
    %dma_start3A_4 = arith.constant 0 : i32
    %dma_start3A_5 = arith.constant 0 : i32
    %dma_start3A_6 = tpu.memref_slice %arg8[%dma_start3A, %dma_start3A_4, %dma_start3A_5] : memref<4x200x64xf32, #tpu.memory_space<vmem>> -> memref<1x200x64xf32, #tpu.memory_space<vmem>>
    %dma_start3A_7 = tpu.memref_squeeze %dma_start3A_6 : memref<1x200x64xf32, #tpu.memory_space<vmem>> -> memref<200x64xf32, #tpu.memory_space<vmem>>
    %dma_start3A_8 = arith.constant 0 : i32
    %dma_start3A_9 = tpu.memref_slice %arg6[%dma_start3A_8] : memref<6400xi32, #tpu.memory_space<vmem>> -> memref<200xi32, #tpu.memory_space<vmem>>
    %dma_start3A_10 = arith.constant 0 : i32
    %dma_start3A_11 = arith.constant 0 : i32
    %dma_start3A_12 = tpu.memref_slice %arg3[%dma_start3A_10, %dma_start3A_11] : memref<1000000x64xf32, #tpu.memory_space<hbm>> -> memref<1000000x64xf32, #tpu.memory_space<hbm>>
    %dma_start3A_13 = tpu.memref_slice %arg10[%dma_start3A_3] : memref<4x!tpu.dma_semaphore, #tpu.memory_space<semaphore_mem>> -> memref<1x!tpu.dma_semaphore, #tpu.memory_space<semaphore_mem>>
    %dma_start3A_14 = tpu.memref_squeeze %dma_start3A_13 : memref<1x!tpu.dma_semaphore, #tpu.memory_space<semaphore_mem>> -> memref<!tpu.dma_semaphore, #tpu.memory_space<semaphore_mem>>
    tpu.enqueue_indirect_dma source(%dma_start3A_12 : memref<1000000x64xf32, #tpu.memory_space<hbm>>) target(%dma_start3A_7 : memref<200x64xf32, #tpu.memory_space<vmem>>) offsets(%dma_start3A_9 : memref<200xi32, #tpu.memory_space<vmem>>) semaphore(%dma_start3A_14 : memref<!tpu.dma_semaphore, #tpu.memory_space<semaphore_mem>>)
    %dma_start3A_15 = arith.constant 1 : i32
    %dma_start3A_16 = arith.constant 1 : i32
    %dma_start3A_17 = arith.constant 0 : i32
    %dma_start3A_18 = arith.constant 0 : i32
    %dma_start3A_19 = tpu.memref_slice %arg8[%dma_start3A_15, %dma_start3A_17, %dma_start3A_18] : memref<4x200x64xf32, #tpu.memory_space<vmem>> -> memref<1x200x64xf32, #tpu.memory_space<vmem>>
    %dma_start3A_20 = tpu.memref_squeeze %dma_start3A_19 : memref<1x200x64xf32, #tpu.memory_space<vmem>> -> memref<200x64xf32, #tpu.memory_space<vmem>>
    %dma_start3A_21 = arith.constant 200 : i32
    %dma_start3A_22 = tpu.memref_slice %arg6[%dma_start3A_21] : memref<6400xi32, #tpu.memory_space<vmem>> -> memref<200xi32, #tpu.memory_space<vmem>>
    %dma_start3A_23 = arith.constant 0 : i32
    %dma_start3A_24 = arith.constant 0 : i32
    %dma_start3A_25 = tpu.memref_slice %arg3[%dma_start3A_23, %dma_start3A_24] : memref<1000000x64xf32, #tpu.memory_space<hbm>> -> memref<1000000x64xf32, #tpu.memory_space<hbm>>
    %dma_start3A_26 = tpu.memref_slice %arg10[%dma_start3A_16] : memref<4x!tpu.dma_semaphore, #tpu.memory_space<semaphore_mem>> -> memref<1x!tpu.dma_semaphore, #tpu.memory_space<semaphore_mem>>
    %dma_start3A_27 = tpu.memref_squeeze %dma_start3A_26 : memref<1x!tpu.dma_semaphore, #tpu.memory_space<semaphore_mem>> -> memref<!tpu.dma_semaphore, #tpu.memory_space<semaphore_mem>>
    tpu.enqueue_indirect_dma source(%dma_start3A_25 : memref<1000000x64xf32, #tpu.memory_space<hbm>>) target(%dma_start3A_20 : memref<200x64xf32, #tpu.memory_space<vmem>>) offsets(%dma_start3A_22 : memref<200xi32, #tpu.memory_space<vmem>>) semaphore(%dma_start3A_27 : memref<!tpu.dma_semaphore, #tpu.memory_space<semaphore_mem>>)
    %dma_start3A_28 = arith.constant 2 : i32
    %dma_start3A_29 = arith.constant 2 : i32
    %dma_start3A_30 = arith.constant 0 : i32
    %dma_start3A_31 = arith.constant 0 : i32
    %dma_start3A_32 = tpu.memref_slice %arg8[%dma_start3A_28, %dma_start3A_30, %dma_start3A_31] : memref<4x200x64xf32, #tpu.memory_space<vmem>> -> memref<1x200x64xf32, #tpu.memory_space<vmem>>
    %dma_start3A_33 = tpu.memref_squeeze %dma_start3A_32 : memref<1x200x64xf32, #tpu.memory_space<vmem>> -> memref<200x64xf32, #tpu.memory_space<vmem>>
    %dma_start3A_34 = arith.constant 400 : i32
    %dma_start3A_35 = tpu.memref_slice %arg6[%dma_start3A_34] : memref<6400xi32, #tpu.memory_space<vmem>> -> memref<200xi32, #tpu.memory_space<vmem>>
    %dma_start3A_36 = arith.constant 0 : i32
    %dma_start3A_37 = arith.constant 0 : i32
    %dma_start3A_38 = tpu.memref_slice %arg3[%dma_start3A_36, %dma_start3A_37] : memref<1000000x64xf32, #tpu.memory_space<hbm>> -> memref<1000000x64xf32, #tpu.memory_space<hbm>>
    %dma_start3A_39 = tpu.memref_slice %arg10[%dma_start3A_29] : memref<4x!tpu.dma_semaphore, #tpu.memory_space<semaphore_mem>> -> memref<1x!tpu.dma_semaphore, #tpu.memory_space<semaphore_mem>>
    %dma_start3A_40 = tpu.memref_squeeze %dma_start3A_39 : memref<1x!tpu.dma_semaphore, #tpu.memory_space<semaphore_mem>> -> memref<!tpu.dma_semaphore, #tpu.memory_space<semaphore_mem>>
    tpu.enqueue_indirect_dma source(%dma_start3A_38 : memref<1000000x64xf32, #tpu.memory_space<hbm>>) target(%dma_start3A_33 : memref<200x64xf32, #tpu.memory_space<vmem>>) offsets(%dma_start3A_35 : memref<200xi32, #tpu.memory_space<vmem>>) semaphore(%dma_start3A_40 : memref<!tpu.dma_semaphore, #tpu.memory_space<semaphore_mem>>)
    %dma_start3A_41 = arith.constant 3 : i32
    %dma_start3A_42 = arith.constant 3 : i32
    %dma_start3A_43 = arith.constant 0 : i32
    %dma_start3A_44 = arith.constant 0 : i32
    %dma_start3A_45 = tpu.memref_slice %arg8[%dma_start3A_41, %dma_start3A_43, %dma_start3A_44] : memref<4x200x64xf32, #tpu.memory_space<vmem>> -> memref<1x200x64xf32, #tpu.memory_space<vmem>>
    %dma_start3A_46 = tpu.memref_squeeze %dma_start3A_45 : memref<1x200x64xf32, #tpu.memory_space<vmem>> -> memref<200x64xf32, #tpu.memory_space<vmem>>
    %dma_start3A_47 = arith.constant 600 : i32
    %dma_start3A_48 = tpu.memref_slice %arg6[%dma_start3A_47] : memref<6400xi32, #tpu.memory_space<vmem>> -> memref<200xi32, #tpu.memory_space<vmem>>
    %dma_start3A_49 = arith.constant 0 : i32
    %dma_start3A_50 = arith.constant 0 : i32
    %dma_start3A_51 = tpu.memref_slice %arg3[%dma_start3A_49, %dma_start3A_50] : memref<1000000x64xf32, #tpu.memory_space<hbm>> -> memref<1000000x64xf32, #tpu.memory_space<hbm>>
    %dma_start3A_52 = tpu.memref_slice %arg10[%dma_start3A_42] : memref<4x!tpu.dma_semaphore, #tpu.memory_space<semaphore_mem>> -> memref<1x!tpu.dma_semaphore, #tpu.memory_space<semaphore_mem>>
    %dma_start3A_53 = tpu.memref_squeeze %dma_start3A_52 : memref<1x!tpu.dma_semaphore, #tpu.memory_space<semaphore_mem>> -> memref<!tpu.dma_semaphore, #tpu.memory_space<semaphore_mem>>
    tpu.enqueue_indirect_dma source(%dma_start3A_51 : memref<1000000x64xf32, #tpu.memory_space<hbm>>) target(%dma_start3A_46 : memref<200x64xf32, #tpu.memory_space<vmem>>) offsets(%dma_start3A_48 : memref<200xi32, #tpu.memory_space<vmem>>) semaphore(%dma_start3A_53 : memref<!tpu.dma_semaphore, #tpu.memory_space<semaphore_mem>>)
    %scan3A = arith.constant 0 : i32
    %scan3A_54 = arith.constant 0 : i32
    %scan3A_55 = arith.constant 8 : i32
    %scan3A_56 = arith.addi %scan3A_54, %scan3A_55 : i32
    %scan3A_57 = arith.constant 1 : i32
    scf.for %scan3A_130 = %scan3A_54 to %scan3A_56 step %scan3A_57  : i32 {
      %mul3A_131 = arith.constant 4 : i32
      %mul3A_132 = arith.muli %scan3A_130, %mul3A_131 : i32
      %add3A_133 = arith.constant 0 : i32
      %add3A_134 = arith.addi %mul3A_132, %add3A_133 : i32
      %dma_wait3A_135 = arith.constant 0 : i32
      %dma_wait3A_136 = arith.constant 0 : i32
      %dma_wait3A_137 = arith.constant 0 : i32
      %dma_wait3A_138 = arith.constant 0 : i32
      %dma_wait3A_139 = tpu.memref_slice %arg8[%dma_wait3A_135, %dma_wait3A_137, %dma_wait3A_138] : memref<4x200x64xf32, #tpu.memory_space<vmem>> -> memref<1x200x64xf32, #tpu.memory_space<vmem>>
      %dma_wait3A_140 = tpu.memref_squeeze %dma_wait3A_139 : memref<1x200x64xf32, #tpu.memory_space<vmem>> -> memref<200x64xf32, #tpu.memory_space<vmem>>
      %dma_wait3A_141 = arith.constant 0 : i32
      %dma_wait3A_142 = tpu.memref_slice %arg6[%dma_wait3A_141] : memref<6400xi32, #tpu.memory_space<vmem>> -> memref<200xi32, #tpu.memory_space<vmem>>
      %dma_wait3A_143 = arith.constant 0 : i32
      %dma_wait3A_144 = arith.constant 0 : i32
      %dma_wait3A_145 = tpu.memref_slice %arg3[%dma_wait3A_143, %dma_wait3A_144] : memref<1000000x64xf32, #tpu.memory_space<hbm>> -> memref<1000000x64xf32, #tpu.memory_space<hbm>>
      %dma_wait3A_146 = tpu.memref_slice %arg10[%dma_wait3A_136] : memref<4x!tpu.dma_semaphore, #tpu.memory_space<semaphore_mem>> -> memref<1x!tpu.dma_semaphore, #tpu.memory_space<semaphore_mem>>
      %dma_wait3A_147 = tpu.memref_squeeze %dma_wait3A_146 : memref<1x!tpu.dma_semaphore, #tpu.memory_space<semaphore_mem>> -> memref<!tpu.dma_semaphore, #tpu.memory_space<semaphore_mem>>
      tpu.wait_indirect_dma semaphore(%dma_wait3A_147 : memref<!tpu.dma_semaphore, #tpu.memory_space<semaphore_mem>>) src(%dma_wait3A_145 : memref<1000000x64xf32, #tpu.memory_space<hbm>>) dst(%dma_wait3A_140 : memref<200x64xf32, #tpu.memory_space<vmem>>)
      %gt3A = arith.constant 0 : i32
      %gt3A_148 = arith.cmpi sgt, %scan3A_130, %gt3A : i32
      %convert_element_type3A = arith.extui %gt3A_148 : i1 to i32
      %cond3A = arith.constant 0 : i32
      %cond3A_149 = arith.cmpi ne, %convert_element_type3A, %cond3A : i32
      scf.if %cond3A_149 {
        %dma_wait3A_335 = arith.constant 0 : i32
        %dma_wait3A_336 = arith.constant 0 : i32
        %dma_wait3A_337 = arith.constant 0 : i32
        %dma_wait3A_338 = arith.constant 0 : i32
        %dma_wait3A_339 = tpu.memref_slice %arg9[%dma_wait3A_335, %dma_wait3A_337, %dma_wait3A_338] : memref<4x200x64xf32, #tpu.memory_space<vmem>> -> memref<1x200x64xf32, #tpu.memory_space<vmem>>
        %dma_wait3A_340 = tpu.memref_squeeze %dma_wait3A_339 : memref<1x200x64xf32, #tpu.memory_space<vmem>> -> memref<200x64xf32, #tpu.memory_space<vmem>>
        %dma_wait3A_341 = arith.constant 0 : i32
        %dma_wait3A_342 = arith.constant 0 : i32
        %dma_wait3A_343 = tpu.memref_slice %arg5[%dma_wait3A_341, %dma_wait3A_342] : memref<204800x64xf32, #tpu.memory_space<hbm>> -> memref<200x64xf32, #tpu.memory_space<hbm>>
        %dma_wait3A_344 = tpu.memref_slice %arg11[%dma_wait3A_336] : memref<4x!tpu.dma_semaphore, #tpu.memory_space<semaphore_mem>> -> memref<1x!tpu.dma_semaphore, #tpu.memory_space<semaphore_mem>>
        %dma_wait3A_345 = tpu.memref_squeeze %dma_wait3A_344 : memref<1x!tpu.dma_semaphore, #tpu.memory_space<semaphore_mem>> -> memref<!tpu.dma_semaphore, #tpu.memory_space<semaphore_mem>>
        %dma_wait3A_346 = arith.constant 0 : i32
        %dma_wait3A_347 = arith.constant 0 : i32
        %dma_wait3A_348 = tpu.memref_slice %arg5[%dma_wait3A_346, %dma_wait3A_347] : memref<204800x64xf32, #tpu.memory_space<hbm>> -> memref<200x64xf32, #tpu.memory_space<hbm>>
        %dma_wait3A_349 = arith.constant 0 : i32
        %dma_wait3A_350 = arith.constant 0 : i32
        %dma_wait3A_351 = tpu.memref_slice %arg9[%dma_wait3A_335, %dma_wait3A_349, %dma_wait3A_350] : memref<4x200x64xf32, #tpu.memory_space<vmem>> -> memref<1x200x64xf32, #tpu.memory_space<vmem>>
        %dma_wait3A_352 = tpu.memref_squeeze %dma_wait3A_351 : memref<1x200x64xf32, #tpu.memory_space<vmem>> -> memref<200x64xf32, #tpu.memory_space<vmem>>
        tpu.wait_dma2 semaphore(%dma_wait3A_345 : memref<!tpu.dma_semaphore, #tpu.memory_space<semaphore_mem>>) src(%dma_wait3A_352 : memref<200x64xf32, #tpu.memory_space<vmem>>) dst(%dma_wait3A_348 : memref<200x64xf32, #tpu.memory_space<hbm>>)
      } else {
      }
      %scan3A_150 = arith.constant 0 : i32
      %scan3A_151 = arith.constant 0 : i32
      %scan3A_152 = arith.constant 50 : i32
      %scan3A_153 = arith.addi %scan3A_151, %scan3A_152 : i32
      %scan3A_154 = arith.constant 1 : i32
      scf.for %scan3A_335 = %scan3A_151 to %scan3A_153 step %scan3A_154  : i32 {
        %mul3A_336 = arith.constant 4 : i32
        %mul3A_337 = arith.muli %scan3A_335, %mul3A_336 : i32
        %add3A_338 = arith.constant 0 : i32
        %add3A_339 = arith.addi %mul3A_337, %add3A_338 : i32
        %get3A = arith.constant 0 : i32
        %get3A_340 = arith.index_cast %get3A : i32 to index
        %get3A_341 = arith.index_cast %add3A_339 : i32 to index
        %get3A_342 = arith.constant 0 : index
        %get3A_343 = tpu.vector_load %arg8[%get3A_340, %get3A_341, %get3A_342] {strides = array<i32>} : memref<4x200x64xf32, #tpu.memory_space<vmem>>, vector<1x1x16xf32>,
        %get3A_344 = vector.shape_cast %get3A_343 : vector<1x1x16xf32> to vector<16xf32>
        %get3A_345 = arith.index_cast %add3A_339 : i32 to index
        %get3A_346 = arith.constant 0 : index
        %get3A_347 = tpu.vector_load %arg7[%get3A_345, %get3A_346] {strides = array<i32>} : memref<200x64xf32, #tpu.memory_space<vmem>>, vector<1x16xf32>,
        %get3A_348 = vector.shape_cast %get3A_347 : vector<1x16xf32> to vector<16xf32>
        %add3A_349 = arith.addf %get3A_344, %get3A_348 : vector<16xf32>
        %swap3A = arith.constant 0 : i32
        %swap3A_350 = arith.index_cast %swap3A : i32 to index
        %swap3A_351 = arith.index_cast %add3A_339 : i32 to index
        %swap3A_352 = arith.constant 0 : index
        %swap3A_353 = tpu.vector_load %arg9[%swap3A_350, %swap3A_351, %swap3A_352] {strides = array<i32>} : memref<4x200x64xf32, #tpu.memory_space<vmem>>, vector<1x1x16xf32>,
        %swap3A_354 = vector.shape_cast %swap3A_353 : vector<1x1x16xf32> to vector<16xf32>
        %swap3A_355 = vector.shape_cast %add3A_349 : vector<16xf32> to vector<1x1x16xf32>
        tpu.vector_store %arg9[%swap3A_350, %swap3A_351, %swap3A_352], %swap3A_355 {strides = array<i32>} : memref<4x200x64xf32, #tpu.memory_space<vmem>>, vector<1x1x16xf32>,
        %get3A_356 = arith.constant 0 : i32
        %get3A_357 = arith.index_cast %get3A_356 : i32 to index
        %get3A_358 = arith.index_cast %add3A_339 : i32 to index
        %get3A_359 = arith.constant 16 : index
        %get3A_360 = tpu.vector_load %arg8[%get3A_357, %get3A_358, %get3A_359] {strides = array<i32>} : memref<4x200x64xf32, #tpu.memory_space<vmem>>, vector<1x1x16xf32>,
        %get3A_361 = vector.shape_cast %get3A_360 : vector<1x1x16xf32> to vector<16xf32>
        %get3A_362 = arith.index_cast %add3A_339 : i32 to index
        %get3A_363 = arith.constant 16 : index
        %get3A_364 = tpu.vector_load %arg7[%get3A_362, %get3A_363] {strides = array<i32>} : memref<200x64xf32, #tpu.memory_space<vmem>>, vector<1x16xf32>,
        %get3A_365 = vector.shape_cast %get3A_364 : vector<1x16xf32> to vector<16xf32>
        %add3A_366 = arith.addf %get3A_361, %get3A_365 : vector<16xf32>
        %swap3A_367 = arith.constant 0 : i32
        %swap3A_368 = arith.index_cast %swap3A_367 : i32 to index
        %swap3A_369 = arith.index_cast %add3A_339 : i32 to index
        %swap3A_370 = arith.constant 16 : index
        %swap3A_371 = tpu.vector_load %arg9[%swap3A_368, %swap3A_369, %swap3A_370] {strides = array<i32>} : memref<4x200x64xf32, #tpu.memory_space<vmem>>, vector<1x1x16xf32>,
        %swap3A_372 = vector.shape_cast %swap3A_371 : vector<1x1x16xf32> to vector<16xf32>
        %swap3A_373 = vector.shape_cast %add3A_366 : vector<16xf32> to vector<1x1x16xf32>
        tpu.vector_store %arg9[%swap3A_368, %swap3A_369, %swap3A_370], %swap3A_373 {strides = array<i32>} : memref<4x200x64xf32, #tpu.memory_space<vmem>>, vector<1x1x16xf32>,
        %get3A_374 = arith.constant 0 : i32
        %get3A_375 = arith.index_cast %get3A_374 : i32 to index
        %get3A_376 = arith.index_cast %add3A_339 : i32 to index
        %get3A_377 = arith.constant 32 : index
        %get3A_378 = tpu.vector_load %arg8[%get3A_375, %get3A_376, %get3A_377] {strides = array<i32>} : memref<4x200x64xf32, #tpu.memory_space<vmem>>, vector<1x1x16xf32>,
        %get3A_379 = vector.shape_cast %get3A_378 : vector<1x1x16xf32> to vector<16xf32>
        %get3A_380 = arith.index_cast %add3A_339 : i32 to index
        %get3A_381 = arith.constant 32 : index
        %get3A_382 = tpu.vector_load %arg7[%get3A_380, %get3A_381] {strides = array<i32>} : memref<200x64xf32, #tpu.memory_space<vmem>>, vector<1x16xf32>,
        %get3A_383 = vector.shape_cast %get3A_382 : vector<1x16xf32> to vector<16xf32>
        %add3A_384 = arith.addf %get3A_379, %get3A_383 : vector<16xf32>
        %swap3A_385 = arith.constant 0 : i32
        %swap3A_386 = arith.index_cast %swap3A_385 : i32 to index
        %swap3A_387 = arith.index_cast %add3A_339 : i32 to index
        %swap3A_388 = arith.constant 32 : index
        %swap3A_389 = tpu.vector_load %arg9[%swap3A_386, %swap3A_387, %swap3A_388] {strides = array<i32>} : memref<4x200x64xf32, #tpu.memory_space<vmem>>, vector<1x1x16xf32>,
        %swap3A_390 = vector.shape_cast %swap3A_389 : vector<1x1x16xf32> to vector<16xf32>
        %swap3A_391 = vector.shape_cast %add3A_384 : vector<16xf32> to vector<1x1x16xf32>
        tpu.vector_store %arg9[%swap3A_386, %swap3A_387, %swap3A_388], %swap3A_391 {strides = array<i32>} : memref<4x200x64xf32, #tpu.memory_space<vmem>>, vector<1x1x16xf32>,
        %get3A_392 = arith.constant 0 : i32
        %get3A_393 = arith.index_cast %get3A_392 : i32 to index
        %get3A_394 = arith.index_cast %add3A_339 : i32 to index
        %get3A_395 = arith.constant 48 : index
        %get3A_396 = tpu.vector_load %arg8[%get3A_393, %get3A_394, %get3A_395] {strides = array<i32>} : memref<4x200x64xf32, #tpu.memory_space<vmem>>, vector<1x1x16xf32>,
        %get3A_397 = vector.shape_cast %get3A_396 : vector<1x1x16xf32> to vector<16xf32>
        %get3A_398 = arith.index_cast %add3A_339 : i32 to index
        %get3A_399 = arith.constant 48 : index
        %get3A_400 = tpu.vector_load %arg7[%get3A_398, %get3A_399] {strides = array<i32>} : memref<200x64xf32, #tpu.memory_space<vmem>>, vector<1x16xf32>,
        %get3A_401 = vector.shape_cast %get3A_400 : vector<1x16xf32> to vector<16xf32>
        %add3A_402 = arith.addf %get3A_397, %get3A_401 : vector<16xf32>
        %swap3A_403 = arith.constant 0 : i32
        %swap3A_404 = arith.index_cast %swap3A_403 : i32 to index
        %swap3A_405 = arith.index_cast %add3A_339 : i32 to index
        %swap3A_406 = arith.constant 48 : index
        %swap3A_407 = tpu.vector_load %arg9[%swap3A_404, %swap3A_405, %swap3A_406] {strides = array<i32>} : memref<4x200x64xf32, #tpu.memory_space<vmem>>, vector<1x1x16xf32>,
        %swap3A_408 = vector.shape_cast %swap3A_407 : vector<1x1x16xf32> to vector<16xf32>
        %swap3A_409 = vector.shape_cast %add3A_402 : vector<16xf32> to vector<1x1x16xf32>
        tpu.vector_store %arg9[%swap3A_404, %swap3A_405, %swap3A_406], %swap3A_409 {strides = array<i32>} : memref<4x200x64xf32, #tpu.memory_space<vmem>>, vector<1x1x16xf32>,
        %mul3A_410 = arith.constant 4 : i32
        %mul3A_411 = arith.muli %scan3A_335, %mul3A_410 : i32
        %add3A_412 = arith.constant 1 : i32
        %add3A_413 = arith.addi %mul3A_411, %add3A_412 : i32
        %get3A_414 = arith.constant 0 : i32
        %get3A_415 = arith.index_cast %get3A_414 : i32 to index
        %get3A_416 = arith.index_cast %add3A_413 : i32 to index
        %get3A_417 = arith.constant 0 : index
        %get3A_418 = tpu.vector_load %arg8[%get3A_415, %get3A_416, %get3A_417] {strides = array<i32>} : memref<4x200x64xf32, #tpu.memory_space<vmem>>, vector<1x1x16xf32>,
        %get3A_419 = vector.shape_cast %get3A_418 : vector<1x1x16xf32> to vector<16xf32>
        %get3A_420 = arith.index_cast %add3A_413 : i32 to index
        %get3A_421 = arith.constant 0 : index
        %get3A_422 = tpu.vector_load %arg7[%get3A_420, %get3A_421] {strides = array<i32>} : memref<200x64xf32, #tpu.memory_space<vmem>>, vector<1x16xf32>,
        %get3A_423 = vector.shape_cast %get3A_422 : vector<1x16xf32> to vector<16xf32>
        %add3A_424 = arith.addf %get3A_419, %get3A_423 : vector<16xf32>
        %swap3A_425 = arith.constant 0 : i32
        %swap3A_426 = arith.index_cast %swap3A_425 : i32 to index
        %swap3A_427 = arith.index_cast %add3A_413 : i32 to index
        %swap3A_428 = arith.constant 0 : index
        %swap3A_429 = tpu.vector_load %arg9[%swap3A_426, %swap3A_427, %swap3A_428] {strides = array<i32>} : memref<4x200x64xf32, #tpu.memory_space<vmem>>, vector<1x1x16xf32>,
        %swap3A_430 = vector.shape_cast %swap3A_429 : vector<1x1x16xf32> to vector<16xf32>
        %swap3A_431 = vector.shape_cast %add3A_424 : vector<16xf32> to vector<1x1x16xf32>
        tpu.vector_store %arg9[%swap3A_426, %swap3A_427, %swap3A_428], %swap3A_431 {strides = array<i32>} : memref<4x200x64xf32, #tpu.memory_space<vmem>>, vector<1x1x16xf32>,
        %get3A_432 = arith.constant 0 : i32
        %get3A_433 = arith.index_cast %get3A_432 : i32 to index
        %get3A_434 = arith.index_cast %add3A_413 : i32 to index
        %get3A_435 = arith.constant 16 : index
        %get3A_436 = tpu.vector_load %arg8[%get3A_433, %get3A_434, %get3A_435] {strides = array<i32>} : memref<4x200x64xf32, #tpu.memory_space<vmem>>, vector<1x1x16xf32>,
        %get3A_437 = vector.shape_cast %get3A_436 : vector<1x1x16xf32> to vector<16xf32>
        %get3A_438 = arith.index_cast %add3A_413 : i32 to index
        %get3A_439 = arith.constant 16 : index
        %get3A_440 = tpu.vector_load %arg7[%get3A_438, %get3A_439] {strides = array<i32>} : memref<200x64xf32, #tpu.memory_space<vmem>>, vector<1x16xf32>,
        %get3A_441 = vector.shape_cast %get3A_440 : vector<1x16xf32> to vector<16xf32>
        %add3A_442 = arith.addf %get3A_437, %get3A_441 : vector<16xf32>
        %swap3A_443 = arith.constant 0 : i32
        %swap3A_444 = arith.index_cast %swap3A_443 : i32 to index
        %swap3A_445 = arith.index_cast %add3A_413 : i32 to index
        %swap3A_446 = arith.constant 16 : index
        %swap3A_447 = tpu.vector_load %arg9[%swap3A_444, %swap3A_445, %swap3A_446] {strides = array<i32>} : memref<4x200x64xf32, #tpu.memory_space<vmem>>, vector<1x1x16xf32>,
        %swap3A_448 = vector.shape_cast %swap3A_447 : vector<1x1x16xf32> to vector<16xf32>
        %swap3A_449 = vector.shape_cast %add3A_442 : vector<16xf32> to vector<1x1x16xf32>
        tpu.vector_store %arg9[%swap3A_444, %swap3A_445, %swap3A_446], %swap3A_449 {strides = array<i32>} : memref<4x200x64xf32, #tpu.memory_space<vmem>>, vector<1x1x16xf32>,
        %get3A_450 = arith.constant 0 : i32
        %get3A_451 = arith.index_cast %get3A_450 : i32 to index
        %get3A_452 = arith.index_cast %add3A_413 : i32 to index
        %get3A_453 = arith.constant 32 : index
        %get3A_454 = tpu.vector_load %arg8[%get3A_451, %get3A_452, %get3A_453] {strides = array<i32>} : memref<4x200x64xf32, #tpu.memory_space<vmem>>, vector<1x1x16xf32>,
        %get3A_455 = vector.shape_cast %get3A_454 : vector<1x1x16xf32> to vector<16xf32>
        %get3A_456 = arith.index_cast %add3A_413 : i32 to index
        %get3A_457 = arith.constant 32 : index
        %get3A_458 = tpu.vector_load %arg7[%get3A_456, %get3A_457] {strides = array<i32>} : memref<200x64xf32, #tpu.memory_space<vmem>>, vector<1x16xf32>,
        %get3A_459 = vector.shape_cast %get3A_458 : vector<1x16xf32> to vector<16xf32>
        %add3A_460 = arith.addf %get3A_455, %get3A_459 : vector<16xf32>
        %swap3A_461 = arith.constant 0 : i32
        %swap3A_462 = arith.index_cast %swap3A_461 : i32 to index
        %swap3A_463 = arith.index_cast %add3A_413 : i32 to index
        %swap3A_464 = arith.constant 32 : index
        %swap3A_465 = tpu.vector_load %arg9[%swap3A_462, %swap3A_463, %swap3A_464] {strides = array<i32>} : memref<4x200x64xf32, #tpu.memory_space<vmem>>, vector<1x1x16xf32>,
        %swap3A_466 = vector.shape_cast %swap3A_465 : vector<1x1x16xf32> to vector<16xf32>
        %swap3A_467 = vector.shape_cast %add3A_460 : vector<16xf32> to vector<1x1x16xf32>
        tpu.vector_store %arg9[%swap3A_462, %swap3A_463, %swap3A_464], %swap3A_467 {strides = array<i32>} : memref<4x200x64xf32, #tpu.memory_space<vmem>>, vector<1x1x16xf32>,
        %get3A_468 = arith.constant 0 : i32
        %get3A_469 = arith.index_cast %get3A_468 : i32 to index
        %get3A_470 = arith.index_cast %add3A_413 : i32 to index
        %get3A_471 = arith.constant 48 : index
        %get3A_472 = tpu.vector_load %arg8[%get3A_469, %get3A_470, %get3A_471] {strides = array<i32>} : memref<4x200x64xf32, #tpu.memory_space<vmem>>, vector<1x1x16xf32>,
        %get3A_473 = vector.shape_cast %get3A_472 : vector<1x1x16xf32> to vector<16xf32>
        %get3A_474 = arith.index_cast %add3A_413 : i32 to index
        %get3A_475 = arith.constant 48 : index
        %get3A_476 = tpu.vector_load %arg7[%get3A_474, %get3A_475] {strides = array<i32>} : memref<200x64xf32, #tpu.memory_space<vmem>>, vector<1x16xf32>,
        %get3A_477 = vector.shape_cast %get3A_476 : vector<1x16xf32> to vector<16xf32>
        %add3A_478 = arith.addf %get3A_473, %get3A_477 : vector<16xf32>
        %swap3A_479 = arith.constant 0 : i32
        %swap3A_480 = arith.index_cast %swap3A_479 : i32 to index
        %swap3A_481 = arith.index_cast %add3A_413 : i32 to index
        %swap3A_482 = arith.constant 48 : index
        %swap3A_483 = tpu.vector_load %arg9[%swap3A_480, %swap3A_481, %swap3A_482] {strides = array<i32>} : memref<4x200x64xf32, #tpu.memory_space<vmem>>, vector<1x1x16xf32>,
        %swap3A_484 = vector.shape_cast %swap3A_483 : vector<1x1x16xf32> to vector<16xf32>
        %swap3A_485 = vector.shape_cast %add3A_478 : vector<16xf32> to vector<1x1x16xf32>
        tpu.vector_store %arg9[%swap3A_480, %swap3A_481, %swap3A_482], %swap3A_485 {strides = array<i32>} : memref<4x200x64xf32, #tpu.memory_space<vmem>>, vector<1x1x16xf32>,
        %mul3A_486 = arith.constant 4 : i32
        %mul3A_487 = arith.muli %scan3A_335, %mul3A_486 : i32
        %add3A_488 = arith.constant 2 : i32
        %add3A_489 = arith.addi %mul3A_487, %add3A_488 : i32
        %get3A_490 = arith.constant 0 : i32
        %get3A_491 = arith.index_cast %get3A_490 : i32 to index
        %get3A_492 = arith.index_cast %add3A_489 : i32 to index
        %get3A_493 = arith.constant 0 : index
        %get3A_494 = tpu.vector_load %arg8[%get3A_491, %get3A_492, %get3A_493] {strides = array<i32>} : memref<4x200x64xf32, #tpu.memory_space<vmem>>, vector<1x1x16xf32>,
        %get3A_495 = vector.shape_cast %get3A_494 : vector<1x1x16xf32> to vector<16xf32>
        %get3A_496 = arith.index_cast %add3A_489 : i32 to index
        %get3A_497 = arith.constant 0 : index
        %get3A_498 = tpu.vector_load %arg7[%get3A_496, %get3A_497] {strides = array<i32>} : memref<200x64xf32, #tpu.memory_space<vmem>>, vector<1x16xf32>,
        %get3A_499 = vector.shape_cast %get3A_498 : vector<1x16xf32> to vector<16xf32>
        %add3A_500 = arith.addf %get3A_495, %get3A_499 : vector<16xf32>
        %swap3A_501 = arith.constant 0 : i32
        %swap3A_502 = arith.index_cast %swap3A_501 : i32 to index
        %swap3A_503 = arith.index_cast %add3A_489 : i32 to index
        %swap3A_504 = arith.constant 0 : index
        %swap3A_505 = tpu.vector_load %arg9[%swap3A_502, %swap3A_503, %swap3A_504] {strides = array<i32>} : memref<4x200x64xf32, #tpu.memory_space<vmem>>, vector<1x1x16xf32>,
        %swap3A_506 = vector.shape_cast %swap3A_505 : vector<1x1x16xf32> to vector<16xf32>
        %swap3A_507 = vector.shape_cast %add3A_500 : vector<16xf32> to vector<1x1x16xf32>
        tpu.vector_store %arg9[%swap3A_502, %swap3A_503, %swap3A_504], %swap3A_507 {strides = array<i32>} : memref<4x200x64xf32, #tpu.memory_space<vmem>>, vector<1x1x16xf32>,
        %get3A_508 = arith.constant 0 : i32
        %get3A_509 = arith.index_cast %get3A_508 : i32 to index
        %get3A_510 = arith.index_cast %add3A_489 : i32 to index
        %get3A_511 = arith.constant 16 : index
        %get3A_512 = tpu.vector_load %arg8[%get3A_509, %get3A_510, %get3A_511] {strides = array<i32>} : memref<4x200x64xf32, #tpu.memory_space<vmem>>, vector<1x1x16xf32>,
        %get3A_513 = vector.shape_cast %get3A_512 : vector<1x1x16xf32> to vector<16xf32>
        %get3A_514 = arith.index_cast %add3A_489 : i32 to index
        %get3A_515 = arith.constant 16 : index
        %get3A_516 = tpu.vector_load %arg7[%get3A_514, %get3A_515] {strides = array<i32>} : memref<200x64xf32, #tpu.memory_space<vmem>>, vector<1x16xf32>,
        %get3A_517 = vector.shape_cast %get3A_516 : vector<1x16xf32> to vector<16xf32>
        %add3A_518 = arith.addf %get3A_513, %get3A_517 : vector<16xf32>
        %swap3A_519 = arith.constant 0 : i32
        %swap3A_520 = arith.index_cast %swap3A_519 : i32 to index
        %swap3A_521 = arith.index_cast %add3A_489 : i32 to index
        %swap3A_522 = arith.constant 16 : index
        %swap3A_523 = tpu.vector_load %arg9[%swap3A_520, %swap3A_521, %swap3A_522] {strides = array<i32>} : memref<4x200x64xf32, #tpu.memory_space<vmem>>, vector<1x1x16xf32>,
        %swap3A_524 = vector.shape_cast %swap3A_523 : vector<1x1x16xf32> to vector<16xf32>
        %swap3A_525 = vector.shape_cast %add3A_518 : vector<16xf32> to vector<1x1x16xf32>
        tpu.vector_store %arg9[%swap3A_520, %swap3A_521, %swap3A_522], %swap3A_525 {strides = array<i32>} : memref<4x200x64xf32, #tpu.memory_space<vmem>>, vector<1x1x16xf32>,
        %get3A_526 = arith.constant 0 : i32
        %get3A_527 = arith.index_cast %get3A_526 : i32 to index
        %get3A_528 = arith.index_cast %add3A_489 : i32 to index
        %get3A_529 = arith.constant 32 : index
        %get3A_530 = tpu.vector_load %arg8[%get3A_527, %get3A_528, %get3A_529] {strides = array<i32>} : memref<4x200x64xf32, #tpu.memory_space<vmem>>, vector<1x1x16xf32>,
        %get3A_531 = vector.shape_cast %get3A_530 : vector<1x1x16xf32> to vector<16xf32>
        %get3A_532 = arith.index_cast %add3A_489 : i32 to index
        %get3A_533 = arith.constant 32 : index
        %get3A_534 = tpu.vector_load %arg7[%get3A_532, %get3A_533] {strides = array<i32>} : memref<200x64xf32, #tpu.memory_space<vmem>>, vector<1x16xf32>,
        %get3A_535 = vector.shape_cast %get3A_534 : vector<1x16xf32> to vector<16xf32>
        %add3A_536 = arith.addf %get3A_531, %get3A_535 : vector<16xf32>
        %swap3A_537 = arith.constant 0 : i32
        %swap3A_538 = arith.index_cast %swap3A_537 : i32 to index
        %swap3A_539 = arith.index_cast %add3A_489 : i32 to index
        %swap3A_540 = arith.constant 32 : index
        %swap3A_541 = tpu.vector_load %arg9[%swap3A_538, %swap3A_539, %swap3A_540] {strides = array<i32>} : memref<4x200x64xf32, #tpu.memory_space<vmem>>, vector<1x1x16xf32>,
        %swap3A_542 = vector.shape_cast %swap3A_541 : vector<1x1x16xf32> to vector<16xf32>
        %swap3A_543 = vector.shape_cast %add3A_536 : vector<16xf32> to vector<1x1x16xf32>
        tpu.vector_store %arg9[%swap3A_538, %swap3A_539, %swap3A_540], %swap3A_543 {strides = array<i32>} : memref<4x200x64xf32, #tpu.memory_space<vmem>>, vector<1x1x16xf32>,
        %get3A_544 = arith.constant 0 : i32
        %get3A_545 = arith.index_cast %get3A_544 : i32 to index
        %get3A_546 = arith.index_cast %add3A_489 : i32 to index
        %get3A_547 = arith.constant 48 : index
        %get3A_548 = tpu.vector_load %arg8[%get3A_545, %get3A_546, %get3A_547] {strides = array<i32>} : memref<4x200x64xf32, #tpu.memory_space<vmem>>, vector<1x1x16xf32>,
        %get3A_549 = vector.shape_cast %get3A_548 : vector<1x1x16xf32> to vector<16xf32>
        %get3A_550 = arith.index_cast %add3A_489 : i32 to index
        %get3A_551 = arith.constant 48 : index
        %get3A_552 = tpu.vector_load %arg7[%get3A_550, %get3A_551] {strides = array<i32>} : memref<200x64xf32, #tpu.memory_space<vmem>>, vector<1x16xf32>,
        %get3A_553 = vector.shape_cast %get3A_552 : vector<1x16xf32> to vector<16xf32>
        %add3A_554 = arith.addf %get3A_549, %get3A_553 : vector<16xf32>
        %swap3A_555 = arith.constant 0 : i32
        %swap3A_556 = arith.index_cast %swap3A_555 : i32 to index
        %swap3A_557 = arith.index_cast %add3A_489 : i32 to index
        %swap3A_558 = arith.constant 48 : index
        %swap3A_559 = tpu.vector_load %arg9[%swap3A_556, %swap3A_557, %swap3A_558] {strides = array<i32>} : memref<4x200x64xf32, #tpu.memory_space<vmem>>, vector<1x1x16xf32>,
        %swap3A_560 = vector.shape_cast %swap3A_559 : vector<1x1x16xf32> to vector<16xf32>
        %swap3A_561 = vector.shape_cast %add3A_554 : vector<16xf32> to vector<1x1x16xf32>
        tpu.vector_store %arg9[%swap3A_556, %swap3A_557, %swap3A_558], %swap3A_561 {strides = array<i32>} : memref<4x200x64xf32, #tpu.memory_space<vmem>>, vector<1x1x16xf32>,
        %mul3A_562 = arith.constant 4 : i32
        %mul3A_563 = arith.muli %scan3A_335, %mul3A_562 : i32
        %add3A_564 = arith.constant 3 : i32
        %add3A_565 = arith.addi %mul3A_563, %add3A_564 : i32
        %get3A_566 = arith.constant 0 : i32
        %get3A_567 = arith.index_cast %get3A_566 : i32 to index
        %get3A_568 = arith.index_cast %add3A_565 : i32 to index
        %get3A_569 = arith.constant 0 : index
        %get3A_570 = tpu.vector_load %arg8[%get3A_567, %get3A_568, %get3A_569] {strides = array<i32>} : memref<4x200x64xf32, #tpu.memory_space<vmem>>, vector<1x1x16xf32>,
        %get3A_571 = vector.shape_cast %get3A_570 : vector<1x1x16xf32> to vector<16xf32>
        %get3A_572 = arith.index_cast %add3A_565 : i32 to index
        %get3A_573 = arith.constant 0 : index
        %get3A_574 = tpu.vector_load %arg7[%get3A_572, %get3A_573] {strides = array<i32>} : memref<200x64xf32, #tpu.memory_space<vmem>>, vector<1x16xf32>,
        %get3A_575 = vector.shape_cast %get3A_574 : vector<1x16xf32> to vector<16xf32>
        %add3A_576 = arith.addf %get3A_571, %get3A_575 : vector<16xf32>
        %swap3A_577 = arith.constant 0 : i32
        %swap3A_578 = arith.index_cast %swap3A_577 : i32 to index
        %swap3A_579 = arith.index_cast %add3A_565 : i32 to index
        %swap3A_580 = arith.constant 0 : index
        %swap3A_581 = tpu.vector_load %arg9[%swap3A_578, %swap3A_579, %swap3A_580] {strides = array<i32>} : memref<4x200x64xf32, #tpu.memory_space<vmem>>, vector<1x1x16xf32>,
        %swap3A_582 = vector.shape_cast %swap3A_581 : vector<1x1x16xf32> to vector<16xf32>
        %swap3A_583 = vector.shape_cast %add3A_576 : vector<16xf32> to vector<1x1x16xf32>
        tpu.vector_store %arg9[%swap3A_578, %swap3A_579, %swap3A_580], %swap3A_583 {strides = array<i32>} : memref<4x200x64xf32, #tpu.memory_space<vmem>>, vector<1x1x16xf32>,
        %get3A_584 = arith.constant 0 : i32
        %get3A_585 = arith.index_cast %get3A_584 : i32 to index
        %get3A_586 = arith.index_cast %add3A_565 : i32 to index
        %get3A_587 = arith.constant 16 : index
        %get3A_588 = tpu.vector_load %arg8[%get3A_585, %get3A_586, %get3A_587] {strides = array<i32>} : memref<4x200x64xf32, #tpu.memory_space<vmem>>, vector<1x1x16xf32>,
        %get3A_589 = vector.shape_cast %get3A_588 : vector<1x1x16xf32> to vector<16xf32>
        %get3A_590 = arith.index_cast %add3A_565 : i32 to index
        %get3A_591 = arith.constant 16 : index
        %get3A_592 = tpu.vector_load %arg7[%get3A_590, %get3A_591] {strides = array<i32>} : memref<200x64xf32, #tpu.memory_space<vmem>>, vector<1x16xf32>,
        %get3A_593 = vector.shape_cast %get3A_592 : vector<1x16xf32> to vector<16xf32>
        %add3A_594 = arith.addf %get3A_589, %get3A_593 : vector<16xf32>
        %swap3A_595 = arith.constant 0 : i32
        %swap3A_596 = arith.index_cast %swap3A_595 : i32 to index
        %swap3A_597 = arith.index_cast %add3A_565 : i32 to index
        %swap3A_598 = arith.constant 16 : index
        %swap3A_599 = tpu.vector_load %arg9[%swap3A_596, %swap3A_597, %swap3A_598] {strides = array<i32>} : memref<4x200x64xf32, #tpu.memory_space<vmem>>, vector<1x1x16xf32>,
        %swap3A_600 = vector.shape_cast %swap3A_599 : vector<1x1x16xf32> to vector<16xf32>
        %swap3A_601 = vector.shape_cast %add3A_594 : vector<16xf32> to vector<1x1x16xf32>
        tpu.vector_store %arg9[%swap3A_596, %swap3A_597, %swap3A_598], %swap3A_601 {strides = array<i32>} : memref<4x200x64xf32, #tpu.memory_space<vmem>>, vector<1x1x16xf32>,
        %get3A_602 = arith.constant 0 : i32
        %get3A_603 = arith.index_cast %get3A_602 : i32 to index
        %get3A_604 = arith.index_cast %add3A_565 : i32 to index
        %get3A_605 = arith.constant 32 : index
        %get3A_606 = tpu.vector_load %arg8[%get3A_603, %get3A_604, %get3A_605] {strides = array<i32>} : memref<4x200x64xf32, #tpu.memory_space<vmem>>, vector<1x1x16xf32>,
        %get3A_607 = vector.shape_cast %get3A_606 : vector<1x1x16xf32> to vector<16xf32>
        %get3A_608 = arith.index_cast %add3A_565 : i32 to index
        %get3A_609 = arith.constant 32 : index
        %get3A_610 = tpu.vector_load %arg7[%get3A_608, %get3A_609] {strides = array<i32>} : memref<200x64xf32, #tpu.memory_space<vmem>>, vector<1x16xf32>,
        %get3A_611 = vector.shape_cast %get3A_610 : vector<1x16xf32> to vector<16xf32>
        %add3A_612 = arith.addf %get3A_607, %get3A_611 : vector<16xf32>
        %swap3A_613 = arith.constant 0 : i32
        %swap3A_614 = arith.index_cast %swap3A_613 : i32 to index
        %swap3A_615 = arith.index_cast %add3A_565 : i32 to index
        %swap3A_616 = arith.constant 32 : index
        %swap3A_617 = tpu.vector_load %arg9[%swap3A_614, %swap3A_615, %swap3A_616] {strides = array<i32>} : memref<4x200x64xf32, #tpu.memory_space<vmem>>, vector<1x1x16xf32>,
        %swap3A_618 = vector.shape_cast %swap3A_617 : vector<1x1x16xf32> to vector<16xf32>
        %swap3A_619 = vector.shape_cast %add3A_612 : vector<16xf32> to vector<1x1x16xf32>
        tpu.vector_store %arg9[%swap3A_614, %swap3A_615, %swap3A_616], %swap3A_619 {strides = array<i32>} : memref<4x200x64xf32, #tpu.memory_space<vmem>>, vector<1x1x16xf32>,
        %get3A_620 = arith.constant 0 : i32
        %get3A_621 = arith.index_cast %get3A_620 : i32 to index
        %get3A_622 = arith.index_cast %add3A_565 : i32 to index
        %get3A_623 = arith.constant 48 : index
        %get3A_624 = tpu.vector_load %arg8[%get3A_621, %get3A_622, %get3A_623] {strides = array<i32>} : memref<4x200x64xf32, #tpu.memory_space<vmem>>, vector<1x1x16xf32>,
        %get3A_625 = vector.shape_cast %get3A_624 : vector<1x1x16xf32> to vector<16xf32>
        %get3A_626 = arith.index_cast %add3A_565 : i32 to index
        %get3A_627 = arith.constant 48 : index
        %get3A_628 = tpu.vector_load %arg7[%get3A_626, %get3A_627] {strides = array<i32>} : memref<200x64xf32, #tpu.memory_space<vmem>>, vector<1x16xf32>,
        %get3A_629 = vector.shape_cast %get3A_628 : vector<1x16xf32> to vector<16xf32>
        %add3A_630 = arith.addf %get3A_625, %get3A_629 : vector<16xf32>
        %swap3A_631 = arith.constant 0 : i32
        %swap3A_632 = arith.index_cast %swap3A_631 : i32 to index
        %swap3A_633 = arith.index_cast %add3A_565 : i32 to index
        %swap3A_634 = arith.constant 48 : index
        %swap3A_635 = tpu.vector_load %arg9[%swap3A_632, %swap3A_633, %swap3A_634] {strides = array<i32>} : memref<4x200x64xf32, #tpu.memory_space<vmem>>, vector<1x1x16xf32>,
        %swap3A_636 = vector.shape_cast %swap3A_635 : vector<1x1x16xf32> to vector<16xf32>
        %swap3A_637 = vector.shape_cast %add3A_630 : vector<16xf32> to vector<1x1x16xf32>
        tpu.vector_store %arg9[%swap3A_632, %swap3A_633, %swap3A_634], %swap3A_637 {strides = array<i32>} : memref<4x200x64xf32, #tpu.memory_space<vmem>>, vector<1x1x16xf32>,
      }
      %scan3A_155 = arith.constant 50 : i32
      %lt3A = arith.constant 7 : i32
      %lt3A_156 = arith.cmpi slt, %scan3A_130, %lt3A : i32
      %convert_element_type3A_157 = arith.extui %lt3A_156 : i1 to i32
      %cond3A_158 = arith.constant 0 : i32
      %cond3A_159 = arith.cmpi ne, %convert_element_type3A_157, %cond3A_158 : i32
      scf.if %cond3A_159 {
        %add3A_335 = arith.constant 4 : i32
        %add3A_336 = arith.addi %add3A_134, %add3A_335 : i32
        %mul3A_337 = arith.constant 200 : i32
        %mul3A_338 = arith.muli %add3A_336, %mul3A_337 : i32
        %dma_start3A_339 = arith.constant 0 : i32
        %dma_start3A_340 = arith.constant 0 : i32
        %dma_start3A_341 = arith.constant 0 : i32
        %dma_start3A_342 = arith.constant 0 : i32
        %dma_start3A_343 = tpu.memref_slice %arg8[%dma_start3A_339, %dma_start3A_341, %dma_start3A_342] : memref<4x200x64xf32, #tpu.memory_space<vmem>> -> memref<1x200x64xf32, #tpu.memory_space<vmem>>
        %dma_start3A_344 = tpu.memref_squeeze %dma_start3A_343 : memref<1x200x64xf32, #tpu.memory_space<vmem>> -> memref<200x64xf32, #tpu.memory_space<vmem>>
        %dma_start3A_345 = tpu.memref_slice %arg6[%mul3A_338] : memref<6400xi32, #tpu.memory_space<vmem>> -> memref<200xi32, #tpu.memory_space<vmem>>
        %dma_start3A_346 = arith.constant 0 : i32
        %dma_start3A_347 = arith.constant 0 : i32
        %dma_start3A_348 = tpu.memref_slice %arg3[%dma_start3A_346, %dma_start3A_347] : memref<1000000x64xf32, #tpu.memory_space<hbm>> -> memref<1000000x64xf32, #tpu.memory_space<hbm>>
        %dma_start3A_349 = tpu.memref_slice %arg10[%dma_start3A_340] : memref<4x!tpu.dma_semaphore, #tpu.memory_space<semaphore_mem>> -> memref<1x!tpu.dma_semaphore, #tpu.memory_space<semaphore_mem>>
        %dma_start3A_350 = tpu.memref_squeeze %dma_start3A_349 : memref<1x!tpu.dma_semaphore, #tpu.memory_space<semaphore_mem>> -> memref<!tpu.dma_semaphore, #tpu.memory_space<semaphore_mem>>
        tpu.enqueue_indirect_dma source(%dma_start3A_348 : memref<1000000x64xf32, #tpu.memory_space<hbm>>) target(%dma_start3A_344 : memref<200x64xf32, #tpu.memory_space<vmem>>) offsets(%dma_start3A_345 : memref<200xi32, #tpu.memory_space<vmem>>) semaphore(%dma_start3A_350 : memref<!tpu.dma_semaphore, #tpu.memory_space<semaphore_mem>>)
      } else {
      }
      %mul3A_160 = arith.constant 200 : i32
      %mul3A_161 = arith.muli %add3A_134, %mul3A_160 : i32
      %add3A_162 = arith.addi %mul3A_2, %mul3A_161 : i32
      %dma_start3A_163 = arith.constant 0 : i32
      %dma_start3A_164 = arith.constant 0 : i32
      %dma_start3A_165 = arith.constant 0 : i32
      %dma_start3A_166 = arith.constant 0 : i32
      %dma_start3A_167 = tpu.memref_slice %arg9[%dma_start3A_163, %dma_start3A_165, %dma_start3A_166] : memref<4x200x64xf32, #tpu.memory_space<vmem>> -> memref<1x200x64xf32, #tpu.memory_space<vmem>>
      %dma_start3A_168 = tpu.memref_squeeze %dma_start3A_167 : memref<1x200x64xf32, #tpu.memory_space<vmem>> -> memref<200x64xf32, #tpu.memory_space<vmem>>
      %dma_start3A_169 = arith.constant 0 : i32
      %dma_start3A_170 = tpu.memref_slice %arg5[%add3A_162, %dma_start3A_169] : memref<204800x64xf32, #tpu.memory_space<hbm>> -> memref<200x64xf32, #tpu.memory_space<hbm>>
      %dma_start3A_171 = tpu.memref_slice %arg11[%dma_start3A_164] : memref<4x!tpu.dma_semaphore, #tpu.memory_space<semaphore_mem>> -> memref<1x!tpu.dma_semaphore, #tpu.memory_space<semaphore_mem>>
      %dma_start3A_172 = tpu.memref_squeeze %dma_start3A_171 : memref<1x!tpu.dma_semaphore, #tpu.memory_space<semaphore_mem>> -> memref<!tpu.dma_semaphore, #tpu.memory_space<semaphore_mem>>
      %dma_start3A_173 = arith.constant 0 : i32
      %dma_start3A_174 = tpu.memref_slice %arg5[%add3A_162, %dma_start3A_173] : memref<204800x64xf32, #tpu.memory_space<hbm>> -> memref<200x64xf32, #tpu.memory_space<hbm>>
      %dma_start3A_175 = arith.constant 0 : i32
      %dma_start3A_176 = arith.constant 0 : i32
      %dma_start3A_177 = tpu.memref_slice %arg9[%dma_start3A_163, %dma_start3A_175, %dma_start3A_176] : memref<4x200x64xf32, #tpu.memory_space<vmem>> -> memref<1x200x64xf32, #tpu.memory_space<vmem>>
      %dma_start3A_178 = tpu.memref_squeeze %dma_start3A_177 : memref<1x200x64xf32, #tpu.memory_space<vmem>> -> memref<200x64xf32, #tpu.memory_space<vmem>>
      tpu.enqueue_dma source(%dma_start3A_178 : memref<200x64xf32, #tpu.memory_space<vmem>>) target(%dma_start3A_174 : memref<200x64xf32, #tpu.memory_space<hbm>>) target_semaphore(%dma_start3A_172 : memref<!tpu.dma_semaphore, #tpu.memory_space<semaphore_mem>>)
      %mul3A_179 = arith.constant 4 : i32
      %mul3A_180 = arith.muli %scan3A_130, %mul3A_179 : i32
      %add3A_181 = arith.constant 1 : i32
      %add3A_182 = arith.addi %mul3A_180, %add3A_181 : i32
      %dma_wait3A_183 = arith.constant 1 : i32
      %dma_wait3A_184 = arith.constant 1 : i32
      %dma_wait3A_185 = arith.constant 0 : i32
      %dma_wait3A_186 = arith.constant 0 : i32
      %dma_wait3A_187 = tpu.memref_slice %arg8[%dma_wait3A_183, %dma_wait3A_185, %dma_wait3A_186] : memref<4x200x64xf32, #tpu.memory_space<vmem>> -> memref<1x200x64xf32, #tpu.memory_space<vmem>>
      %dma_wait3A_188 = tpu.memref_squeeze %dma_wait3A_187 : memref<1x200x64xf32, #tpu.memory_space<vmem>> -> memref<200x64xf32, #tpu.memory_space<vmem>>
      %dma_wait3A_189 = arith.constant 0 : i32
      %dma_wait3A_190 = tpu.memref_slice %arg6[%dma_wait3A_189] : memref<6400xi32, #tpu.memory_space<vmem>> -> memref<200xi32, #tpu.memory_space<vmem>>
      %dma_wait3A_191 = arith.constant 0 : i32
      %dma_wait3A_192 = arith.constant 0 : i32
      %dma_wait3A_193 = tpu.memref_slice %arg3[%dma_wait3A_191, %dma_wait3A_192] : memref<1000000x64xf32, #tpu.memory_space<hbm>> -> memref<1000000x64xf32, #tpu.memory_space<hbm>>
      %dma_wait3A_194 = tpu.memref_slice %arg10[%dma_wait3A_184] : memref<4x!tpu.dma_semaphore, #tpu.memory_space<semaphore_mem>> -> memref<1x!tpu.dma_semaphore, #tpu.memory_space<semaphore_mem>>
      %dma_wait3A_195 = tpu.memref_squeeze %dma_wait3A_194 : memref<1x!tpu.dma_semaphore, #tpu.memory_space<semaphore_mem>> -> memref<!tpu.dma_semaphore, #tpu.memory_space<semaphore_mem>>
      tpu.wait_indirect_dma semaphore(%dma_wait3A_195 : memref<!tpu.dma_semaphore, #tpu.memory_space<semaphore_mem>>) src(%dma_wait3A_193 : memref<1000000x64xf32, #tpu.memory_space<hbm>>) dst(%dma_wait3A_188 : memref<200x64xf32, #tpu.memory_space<vmem>>)
      %gt3A_196 = arith.constant 0 : i32
      %gt3A_197 = arith.cmpi sgt, %scan3A_130, %gt3A_196 : i32
      %convert_element_type3A_198 = arith.extui %gt3A_197 : i1 to i32
      %cond3A_199 = arith.constant 0 : i32
      %cond3A_200 = arith.cmpi ne, %convert_element_type3A_198, %cond3A_199 : i32
      scf.if %cond3A_200 {
        %dma_wait3A_335 = arith.constant 1 : i32
        %dma_wait3A_336 = arith.constant 1 : i32
        %dma_wait3A_337 = arith.constant 0 : i32
        %dma_wait3A_338 = arith.constant 0 : i32
        %dma_wait3A_339 = tpu.memref_slice %arg9[%dma_wait3A_335, %dma_wait3A_337, %dma_wait3A_338] : memref<4x200x64xf32, #tpu.memory_space<vmem>> -> memref<1x200x64xf32, #tpu.memory_space<vmem>>
        %dma_wait3A_340 = tpu.memref_squeeze %dma_wait3A_339 : memref<1x200x64xf32, #tpu.memory_space<vmem>> -> memref<200x64xf32, #tpu.memory_space<vmem>>
        %dma_wait3A_341 = arith.constant 0 : i32
        %dma_wait3A_342 = arith.constant 0 : i32
        %dma_wait3A_343 = tpu.memref_slice %arg5[%dma_wait3A_341, %dma_wait3A_342] : memref<204800x64xf32, #tpu.memory_space<hbm>> -> memref<200x64xf32, #tpu.memory_space<hbm>>
        %dma_wait3A_344 = tpu.memref_slice %arg11[%dma_wait3A_336] : memref<4x!tpu.dma_semaphore, #tpu.memory_space<semaphore_mem>> -> memref<1x!tpu.dma_semaphore, #tpu.memory_space<semaphore_mem>>
        %dma_wait3A_345 = tpu.memref_squeeze %dma_wait3A_344 : memref<1x!tpu.dma_semaphore, #tpu.memory_space<semaphore_mem>> -> memref<!tpu.dma_semaphore, #tpu.memory_space<semaphore_mem>>
        %dma_wait3A_346 = arith.constant 0 : i32
        %dma_wait3A_347 = arith.constant 0 : i32
        %dma_wait3A_348 = tpu.memref_slice %arg5[%dma_wait3A_346, %dma_wait3A_347] : memref<204800x64xf32, #tpu.memory_space<hbm>> -> memref<200x64xf32, #tpu.memory_space<hbm>>
        %dma_wait3A_349 = arith.constant 0 : i32
        %dma_wait3A_350 = arith.constant 0 : i32
        %dma_wait3A_351 = tpu.memref_slice %arg9[%dma_wait3A_335, %dma_wait3A_349, %dma_wait3A_350] : memref<4x200x64xf32, #tpu.memory_space<vmem>> -> memref<1x200x64xf32, #tpu.memory_space<vmem>>
        %dma_wait3A_352 = tpu.memref_squeeze %dma_wait3A_351 : memref<1x200x64xf32, #tpu.memory_space<vmem>> -> memref<200x64xf32, #tpu.memory_space<vmem>>
        tpu.wait_dma2 semaphore(%dma_wait3A_345 : memref<!tpu.dma_semaphore, #tpu.memory_space<semaphore_mem>>) src(%dma_wait3A_352 : memref<200x64xf32, #tpu.memory_space<vmem>>) dst(%dma_wait3A_348 : memref<200x64xf32, #tpu.memory_space<hbm>>)
      } else {
      }
      %scan3A_201 = arith.constant 0 : i32
      %scan3A_202 = arith.constant 0 : i32
      %scan3A_203 = arith.constant 50 : i32
      %scan3A_204 = arith.addi %scan3A_202, %scan3A_203 : i32
      %scan3A_205 = arith.constant 1 : i32
      scf.for %scan3A_335 = %scan3A_202 to %scan3A_204 step %scan3A_205  : i32 {
        %mul3A_336 = arith.constant 4 : i32
        %mul3A_337 = arith.muli %scan3A_335, %mul3A_336 : i32
        %add3A_338 = arith.constant 0 : i32
        %add3A_339 = arith.addi %mul3A_337, %add3A_338 : i32
        %get3A = arith.constant 1 : i32
        %get3A_340 = arith.index_cast %get3A : i32 to index
        %get3A_341 = arith.index_cast %add3A_339 : i32 to index
        %get3A_342 = arith.constant 0 : index
        %get3A_343 = tpu.vector_load %arg8[%get3A_340, %get3A_341, %get3A_342] {strides = array<i32>} : memref<4x200x64xf32, #tpu.memory_space<vmem>>, vector<1x1x16xf32>,
        %get3A_344 = vector.shape_cast %get3A_343 : vector<1x1x16xf32> to vector<16xf32>
        %get3A_345 = arith.index_cast %add3A_339 : i32 to index
        %get3A_346 = arith.constant 0 : index
        %get3A_347 = tpu.vector_load %arg7[%get3A_345, %get3A_346] {strides = array<i32>} : memref<200x64xf32, #tpu.memory_space<vmem>>, vector<1x16xf32>,
        %get3A_348 = vector.shape_cast %get3A_347 : vector<1x16xf32> to vector<16xf32>
        %add3A_349 = arith.addf %get3A_344, %get3A_348 : vector<16xf32>
        %swap3A = arith.constant 1 : i32
        %swap3A_350 = arith.index_cast %swap3A : i32 to index
        %swap3A_351 = arith.index_cast %add3A_339 : i32 to index
        %swap3A_352 = arith.constant 0 : index
        %swap3A_353 = tpu.vector_load %arg9[%swap3A_350, %swap3A_351, %swap3A_352] {strides = array<i32>} : memref<4x200x64xf32, #tpu.memory_space<vmem>>, vector<1x1x16xf32>,
        %swap3A_354 = vector.shape_cast %swap3A_353 : vector<1x1x16xf32> to vector<16xf32>
        %swap3A_355 = vector.shape_cast %add3A_349 : vector<16xf32> to vector<1x1x16xf32>
        tpu.vector_store %arg9[%swap3A_350, %swap3A_351, %swap3A_352], %swap3A_355 {strides = array<i32>} : memref<4x200x64xf32, #tpu.memory_space<vmem>>, vector<1x1x16xf32>,
        %get3A_356 = arith.constant 1 : i32
        %get3A_357 = arith.index_cast %get3A_356 : i32 to index
        %get3A_358 = arith.index_cast %add3A_339 : i32 to index
        %get3A_359 = arith.constant 16 : index
        %get3A_360 = tpu.vector_load %arg8[%get3A_357, %get3A_358, %get3A_359] {strides = array<i32>} : memref<4x200x64xf32, #tpu.memory_space<vmem>>, vector<1x1x16xf32>,
        %get3A_361 = vector.shape_cast %get3A_360 : vector<1x1x16xf32> to vector<16xf32>
        %get3A_362 = arith.index_cast %add3A_339 : i32 to index
        %get3A_363 = arith.constant 16 : index
        %get3A_364 = tpu.vector_load %arg7[%get3A_362, %get3A_363] {strides = array<i32>} : memref<200x64xf32, #tpu.memory_space<vmem>>, vector<1x16xf32>,
        %get3A_365 = vector.shape_cast %get3A_364 : vector<1x16xf32> to vector<16xf32>
        %add3A_366 = arith.addf %get3A_361, %get3A_365 : vector<16xf32>
        %swap3A_367 = arith.constant 1 : i32
        %swap3A_368 = arith.index_cast %swap3A_367 : i32 to index
        %swap3A_369 = arith.index_cast %add3A_339 : i32 to index
        %swap3A_370 = arith.constant 16 : index
        %swap3A_371 = tpu.vector_load %arg9[%swap3A_368, %swap3A_369, %swap3A_370] {strides = array<i32>} : memref<4x200x64xf32, #tpu.memory_space<vmem>>, vector<1x1x16xf32>,
        %swap3A_372 = vector.shape_cast %swap3A_371 : vector<1x1x16xf32> to vector<16xf32>
        %swap3A_373 = vector.shape_cast %add3A_366 : vector<16xf32> to vector<1x1x16xf32>
        tpu.vector_store %arg9[%swap3A_368, %swap3A_369, %swap3A_370], %swap3A_373 {strides = array<i32>} : memref<4x200x64xf32, #tpu.memory_space<vmem>>, vector<1x1x16xf32>,
        %get3A_374 = arith.constant 1 : i32
        %get3A_375 = arith.index_cast %get3A_374 : i32 to index
        %get3A_376 = arith.index_cast %add3A_339 : i32 to index
        %get3A_377 = arith.constant 32 : index
        %get3A_378 = tpu.vector_load %arg8[%get3A_375, %get3A_376, %get3A_377] {strides = array<i32>} : memref<4x200x64xf32, #tpu.memory_space<vmem>>, vector<1x1x16xf32>,
        %get3A_379 = vector.shape_cast %get3A_378 : vector<1x1x16xf32> to vector<16xf32>
        %get3A_380 = arith.index_cast %add3A_339 : i32 to index
        %get3A_381 = arith.constant 32 : index
        %get3A_382 = tpu.vector_load %arg7[%get3A_380, %get3A_381] {strides = array<i32>} : memref<200x64xf32, #tpu.memory_space<vmem>>, vector<1x16xf32>,
        %get3A_383 = vector.shape_cast %get3A_382 : vector<1x16xf32> to vector<16xf32>
        %add3A_384 = arith.addf %get3A_379, %get3A_383 : vector<16xf32>
        %swap3A_385 = arith.constant 1 : i32
        %swap3A_386 = arith.index_cast %swap3A_385 : i32 to index
        %swap3A_387 = arith.index_cast %add3A_339 : i32 to index
        %swap3A_388 = arith.constant 32 : index
        %swap3A_389 = tpu.vector_load %arg9[%swap3A_386, %swap3A_387, %swap3A_388] {strides = array<i32>} : memref<4x200x64xf32, #tpu.memory_space<vmem>>, vector<1x1x16xf32>,
        %swap3A_390 = vector.shape_cast %swap3A_389 : vector<1x1x16xf32> to vector<16xf32>
        %swap3A_391 = vector.shape_cast %add3A_384 : vector<16xf32> to vector<1x1x16xf32>
        tpu.vector_store %arg9[%swap3A_386, %swap3A_387, %swap3A_388], %swap3A_391 {strides = array<i32>} : memref<4x200x64xf32, #tpu.memory_space<vmem>>, vector<1x1x16xf32>,
        %get3A_392 = arith.constant 1 : i32
        %get3A_393 = arith.index_cast %get3A_392 : i32 to index
        %get3A_394 = arith.index_cast %add3A_339 : i32 to index
        %get3A_395 = arith.constant 48 : index
        %get3A_396 = tpu.vector_load %arg8[%get3A_393, %get3A_394, %get3A_395] {strides = array<i32>} : memref<4x200x64xf32, #tpu.memory_space<vmem>>, vector<1x1x16xf32>,
        %get3A_397 = vector.shape_cast %get3A_396 : vector<1x1x16xf32> to vector<16xf32>
        %get3A_398 = arith.index_cast %add3A_339 : i32 to index
        %get3A_399 = arith.constant 48 : index
        %get3A_400 = tpu.vector_load %arg7[%get3A_398, %get3A_399] {strides = array<i32>} : memref<200x64xf32, #tpu.memory_space<vmem>>, vector<1x16xf32>,
        %get3A_401 = vector.shape_cast %get3A_400 : vector<1x16xf32> to vector<16xf32>
        %add3A_402 = arith.addf %get3A_397, %get3A_401 : vector<16xf32>
        %swap3A_403 = arith.constant 1 : i32
        %swap3A_404 = arith.index_cast %swap3A_403 : i32 to index
        %swap3A_405 = arith.index_cast %add3A_339 : i32 to index
        %swap3A_406 = arith.constant 48 : index
        %swap3A_407 = tpu.vector_load %arg9[%swap3A_404, %swap3A_405, %swap3A_406] {strides = array<i32>} : memref<4x200x64xf32, #tpu.memory_space<vmem>>, vector<1x1x16xf32>,
        %swap3A_408 = vector.shape_cast %swap3A_407 : vector<1x1x16xf32> to vector<16xf32>
        %swap3A_409 = vector.shape_cast %add3A_402 : vector<16xf32> to vector<1x1x16xf32>
        tpu.vector_store %arg9[%swap3A_404, %swap3A_405, %swap3A_406], %swap3A_409 {strides = array<i32>} : memref<4x200x64xf32, #tpu.memory_space<vmem>>, vector<1x1x16xf32>,
        %mul3A_410 = arith.constant 4 : i32
        %mul3A_411 = arith.muli %scan3A_335, %mul3A_410 : i32
        %add3A_412 = arith.constant 1 : i32
        %add3A_413 = arith.addi %mul3A_411, %add3A_412 : i32
        %get3A_414 = arith.constant 1 : i32
        %get3A_415 = arith.index_cast %get3A_414 : i32 to index
        %get3A_416 = arith.index_cast %add3A_413 : i32 to index
        %get3A_417 = arith.constant 0 : index
        %get3A_418 = tpu.vector_load %arg8[%get3A_415, %get3A_416, %get3A_417] {strides = array<i32>} : memref<4x200x64xf32, #tpu.memory_space<vmem>>, vector<1x1x16xf32>,
        %get3A_419 = vector.shape_cast %get3A_418 : vector<1x1x16xf32> to vector<16xf32>
        %get3A_420 = arith.index_cast %add3A_413 : i32 to index
        %get3A_421 = arith.constant 0 : index
        %get3A_422 = tpu.vector_load %arg7[%get3A_420, %get3A_421] {strides = array<i32>} : memref<200x64xf32, #tpu.memory_space<vmem>>, vector<1x16xf32>,
        %get3A_423 = vector.shape_cast %get3A_422 : vector<1x16xf32> to vector<16xf32>
        %add3A_424 = arith.addf %get3A_419, %get3A_423 : vector<16xf32>
        %swap3A_425 = arith.constant 1 : i32
        %swap3A_426 = arith.index_cast %swap3A_425 : i32 to index
        %swap3A_427 = arith.index_cast %add3A_413 : i32 to index
        %swap3A_428 = arith.constant 0 : index
        %swap3A_429 = tpu.vector_load %arg9[%swap3A_426, %swap3A_427, %swap3A_428] {strides = array<i32>} : memref<4x200x64xf32, #tpu.memory_space<vmem>>, vector<1x1x16xf32>,
        %swap3A_430 = vector.shape_cast %swap3A_429 : vector<1x1x16xf32> to vector<16xf32>
        %swap3A_431 = vector.shape_cast %add3A_424 : vector<16xf32> to vector<1x1x16xf32>
        tpu.vector_store %arg9[%swap3A_426, %swap3A_427, %swap3A_428], %swap3A_431 {strides = array<i32>} : memref<4x200x64xf32, #tpu.memory_space<vmem>>, vector<1x1x16xf32>,
        %get3A_432 = arith.constant 1 : i32
        %get3A_433 = arith.index_cast %get3A_432 : i32 to index
        %get3A_434 = arith.index_cast %add3A_413 : i32 to index
        %get3A_435 = arith.constant 16 : index
        %get3A_436 = tpu.vector_load %arg8[%get3A_433, %get3A_434, %get3A_435] {strides = array<i32>} : memref<4x200x64xf32, #tpu.memory_space<vmem>>, vector<1x1x16xf32>,
        %get3A_437 = vector.shape_cast %get3A_436 : vector<1x1x16xf32> to vector<16xf32>
        %get3A_438 = arith.index_cast %add3A_413 : i32 to index
        %get3A_439 = arith.constant 16 : index
        %get3A_440 = tpu.vector_load %arg7[%get3A_438, %get3A_439] {strides = array<i32>} : memref<200x64xf32, #tpu.memory_space<vmem>>, vector<1x16xf32>,
        %get3A_441 = vector.shape_cast %get3A_440 : vector<1x16xf32> to vector<16xf32>
        %add3A_442 = arith.addf %get3A_437, %get3A_441 : vector<16xf32>
        %swap3A_443 = arith.constant 1 : i32
        %swap3A_444 = arith.index_cast %swap3A_443 : i32 to index
        %swap3A_445 = arith.index_cast %add3A_413 : i32 to index
        %swap3A_446 = arith.constant 16 : index
        %swap3A_447 = tpu.vector_load %arg9[%swap3A_444, %swap3A_445, %swap3A_446] {strides = array<i32>} : memref<4x200x64xf32, #tpu.memory_space<vmem>>, vector<1x1x16xf32>,
        %swap3A_448 = vector.shape_cast %swap3A_447 : vector<1x1x16xf32> to vector<16xf32>
        %swap3A_449 = vector.shape_cast %add3A_442 : vector<16xf32> to vector<1x1x16xf32>
        tpu.vector_store %arg9[%swap3A_444, %swap3A_445, %swap3A_446], %swap3A_449 {strides = array<i32>} : memref<4x200x64xf32, #tpu.memory_space<vmem>>, vector<1x1x16xf32>,
        %get3A_450 = arith.constant 1 : i32
        %get3A_451 = arith.index_cast %get3A_450 : i32 to index
        %get3A_452 = arith.index_cast %add3A_413 : i32 to index
        %get3A_453 = arith.constant 32 : index
        %get3A_454 = tpu.vector_load %arg8[%get3A_451, %get3A_452, %get3A_453] {strides = array<i32>} : memref<4x200x64xf32, #tpu.memory_space<vmem>>, vector<1x1x16xf32>,
        %get3A_455 = vector.shape_cast %get3A_454 : vector<1x1x16xf32> to vector<16xf32>
        %get3A_456 = arith.index_cast %add3A_413 : i32 to index
        %get3A_457 = arith.constant 32 : index
        %get3A_458 = tpu.vector_load %arg7[%get3A_456, %get3A_457] {strides = array<i32>} : memref<200x64xf32, #tpu.memory_space<vmem>>, vector<1x16xf32>,
        %get3A_459 = vector.shape_cast %get3A_458 : vector<1x16xf32> to vector<16xf32>
        %add3A_460 = arith.addf %get3A_455, %get3A_459 : vector<16xf32>
        %swap3A_461 = arith.constant 1 : i32
        %swap3A_462 = arith.index_cast %swap3A_461 : i32 to index
        %swap3A_463 = arith.index_cast %add3A_413 : i32 to index
        %swap3A_464 = arith.constant 32 : index
        %swap3A_465 = tpu.vector_load %arg9[%swap3A_462, %swap3A_463, %swap3A_464] {strides = array<i32>} : memref<4x200x64xf32, #tpu.memory_space<vmem>>, vector<1x1x16xf32>,
        %swap3A_466 = vector.shape_cast %swap3A_465 : vector<1x1x16xf32> to vector<16xf32>
        %swap3A_467 = vector.shape_cast %add3A_460 : vector<16xf32> to vector<1x1x16xf32>
        tpu.vector_store %arg9[%swap3A_462, %swap3A_463, %swap3A_464], %swap3A_467 {strides = array<i32>} : memref<4x200x64xf32, #tpu.memory_space<vmem>>, vector<1x1x16xf32>,
        %get3A_468 = arith.constant 1 : i32
        %get3A_469 = arith.index_cast %get3A_468 : i32 to index
        %get3A_470 = arith.index_cast %add3A_413 : i32 to index
        %get3A_471 = arith.constant 48 : index
        %get3A_472 = tpu.vector_load %arg8[%get3A_469, %get3A_470, %get3A_471] {strides = array<i32>} : memref<4x200x64xf32, #tpu.memory_space<vmem>>, vector<1x1x16xf32>,
        %get3A_473 = vector.shape_cast %get3A_472 : vector<1x1x16xf32> to vector<16xf32>
        %get3A_474 = arith.index_cast %add3A_413 : i32 to index
        %get3A_475 = arith.constant 48 : index
        %get3A_476 = tpu.vector_load %arg7[%get3A_474, %get3A_475] {strides = array<i32>} : memref<200x64xf32, #tpu.memory_space<vmem>>, vector<1x16xf32>,
        %get3A_477 = vector.shape_cast %get3A_476 : vector<1x16xf32> to vector<16xf32>
        %add3A_478 = arith.addf %get3A_473, %get3A_477 : vector<16xf32>
        %swap3A_479 = arith.constant 1 : i32
        %swap3A_480 = arith.index_cast %swap3A_479 : i32 to index
        %swap3A_481 = arith.index_cast %add3A_413 : i32 to index
        %swap3A_482 = arith.constant 48 : index
        %swap3A_483 = tpu.vector_load %arg9[%swap3A_480, %swap3A_481, %swap3A_482] {strides = array<i32>} : memref<4x200x64xf32, #tpu.memory_space<vmem>>, vector<1x1x16xf32>,
        %swap3A_484 = vector.shape_cast %swap3A_483 : vector<1x1x16xf32> to vector<16xf32>
        %swap3A_485 = vector.shape_cast %add3A_478 : vector<16xf32> to vector<1x1x16xf32>
        tpu.vector_store %arg9[%swap3A_480, %swap3A_481, %swap3A_482], %swap3A_485 {strides = array<i32>} : memref<4x200x64xf32, #tpu.memory_space<vmem>>, vector<1x1x16xf32>,
        %mul3A_486 = arith.constant 4 : i32
        %mul3A_487 = arith.muli %scan3A_335, %mul3A_486 : i32
        %add3A_488 = arith.constant 2 : i32
        %add3A_489 = arith.addi %mul3A_487, %add3A_488 : i32
        %get3A_490 = arith.constant 1 : i32
        %get3A_491 = arith.index_cast %get3A_490 : i32 to index
        %get3A_492 = arith.index_cast %add3A_489 : i32 to index
        %get3A_493 = arith.constant 0 : index
        %get3A_494 = tpu.vector_load %arg8[%get3A_491, %get3A_492, %get3A_493] {strides = array<i32>} : memref<4x200x64xf32, #tpu.memory_space<vmem>>, vector<1x1x16xf32>,
        %get3A_495 = vector.shape_cast %get3A_494 : vector<1x1x16xf32> to vector<16xf32>
        %get3A_496 = arith.index_cast %add3A_489 : i32 to index
        %get3A_497 = arith.constant 0 : index
        %get3A_498 = tpu.vector_load %arg7[%get3A_496, %get3A_497] {strides = array<i32>} : memref<200x64xf32, #tpu.memory_space<vmem>>, vector<1x16xf32>,
        %get3A_499 = vector.shape_cast %get3A_498 : vector<1x16xf32> to vector<16xf32>
        %add3A_500 = arith.addf %get3A_495, %get3A_499 : vector<16xf32>
        %swap3A_501 = arith.constant 1 : i32
        %swap3A_502 = arith.index_cast %swap3A_501 : i32 to index
        %swap3A_503 = arith.index_cast %add3A_489 : i32 to index
        %swap3A_504 = arith.constant 0 : index
        %swap3A_505 = tpu.vector_load %arg9[%swap3A_502, %swap3A_503, %swap3A_504] {strides = array<i32>} : memref<4x200x64xf32, #tpu.memory_space<vmem>>, vector<1x1x16xf32>,
        %swap3A_506 = vector.shape_cast %swap3A_505 : vector<1x1x16xf32> to vector<16xf32>
        %swap3A_507 = vector.shape_cast %add3A_500 : vector<16xf32> to vector<1x1x16xf32>
        tpu.vector_store %arg9[%swap3A_502, %swap3A_503, %swap3A_504], %swap3A_507 {strides = array<i32>} : memref<4x200x64xf32, #tpu.memory_space<vmem>>, vector<1x1x16xf32>,
        %get3A_508 = arith.constant 1 : i32
        %get3A_509 = arith.index_cast %get3A_508 : i32 to index
        %get3A_510 = arith.index_cast %add3A_489 : i32 to index
        %get3A_511 = arith.constant 16 : index
        %get3A_512 = tpu.vector_load %arg8[%get3A_509, %get3A_510, %get3A_511] {strides = array<i32>} : memref<4x200x64xf32, #tpu.memory_space<vmem>>, vector<1x1x16xf32>,
        %get3A_513 = vector.shape_cast %get3A_512 : vector<1x1x16xf32> to vector<16xf32>
        %get3A_514 = arith.index_cast %add3A_489 : i32 to index
        %get3A_515 = arith.constant 16 : index
        %get3A_516 = tpu.vector_load %arg7[%get3A_514, %get3A_515] {strides = array<i32>} : memref<200x64xf32, #tpu.memory_space<vmem>>, vector<1x16xf32>,
        %get3A_517 = vector.shape_cast %get3A_516 : vector<1x16xf32> to vector<16xf32>
        %add3A_518 = arith.addf %get3A_513, %get3A_517 : vector<16xf32>
        %swap3A_519 = arith.constant 1 : i32
        %swap3A_520 = arith.index_cast %swap3A_519 : i32 to index
        %swap3A_521 = arith.index_cast %add3A_489 : i32 to index
        %swap3A_522 = arith.constant 16 : index
        %swap3A_523 = tpu.vector_load %arg9[%swap3A_520, %swap3A_521, %swap3A_522] {strides = array<i32>} : memref<4x200x64xf32, #tpu.memory_space<vmem>>, vector<1x1x16xf32>,
        %swap3A_524 = vector.shape_cast %swap3A_523 : vector<1x1x16xf32> to vector<16xf32>
        %swap3A_525 = vector.shape_cast %add3A_518 : vector<16xf32> to vector<1x1x16xf32>
        tpu.vector_store %arg9[%swap3A_520, %swap3A_521, %swap3A_522], %swap3A_525 {strides = array<i32>} : memref<4x200x64xf32, #tpu.memory_space<vmem>>, vector<1x1x16xf32>,
        %get3A_526 = arith.constant 1 : i32
        %get3A_527 = arith.index_cast %get3A_526 : i32 to index
        %get3A_528 = arith.index_cast %add3A_489 : i32 to index
        %get3A_529 = arith.constant 32 : index
        %get3A_530 = tpu.vector_load %arg8[%get3A_527, %get3A_528, %get3A_529] {strides = array<i32>} : memref<4x200x64xf32, #tpu.memory_space<vmem>>, vector<1x1x16xf32>,
        %get3A_531 = vector.shape_cast %get3A_530 : vector<1x1x16xf32> to vector<16xf32>
        %get3A_532 = arith.index_cast %add3A_489 : i32 to index
        %get3A_533 = arith.constant 32 : index
        %get3A_534 = tpu.vector_load %arg7[%get3A_532, %get3A_533] {strides = array<i32>} : memref<200x64xf32, #tpu.memory_space<vmem>>, vector<1x16xf32>,
        %get3A_535 = vector.shape_cast %get3A_534 : vector<1x16xf32> to vector<16xf32>
        %add3A_536 = arith.addf %get3A_531, %get3A_535 : vector<16xf32>
        %swap3A_537 = arith.constant 1 : i32
        %swap3A_538 = arith.index_cast %swap3A_537 : i32 to index
        %swap3A_539 = arith.index_cast %add3A_489 : i32 to index
        %swap3A_540 = arith.constant 32 : index
        %swap3A_541 = tpu.vector_load %arg9[%swap3A_538, %swap3A_539, %swap3A_540] {strides = array<i32>} : memref<4x200x64xf32, #tpu.memory_space<vmem>>, vector<1x1x16xf32>,
        %swap3A_542 = vector.shape_cast %swap3A_541 : vector<1x1x16xf32> to vector<16xf32>
        %swap3A_543 = vector.shape_cast %add3A_536 : vector<16xf32> to vector<1x1x16xf32>
        tpu.vector_store %arg9[%swap3A_538, %swap3A_539, %swap3A_540], %swap3A_543 {strides = array<i32>} : memref<4x200x64xf32, #tpu.memory_space<vmem>>, vector<1x1x16xf32>,
        %get3A_544 = arith.constant 1 : i32
        %get3A_545 = arith.index_cast %get3A_544 : i32 to index
        %get3A_546 = arith.index_cast %add3A_489 : i32 to index
        %get3A_547 = arith.constant 48 : index
        %get3A_548 = tpu.vector_load %arg8[%get3A_545, %get3A_546, %get3A_547] {strides = array<i32>} : memref<4x200x64xf32, #tpu.memory_space<vmem>>, vector<1x1x16xf32>,
        %get3A_549 = vector.shape_cast %get3A_548 : vector<1x1x16xf32> to vector<16xf32>
        %get3A_550 = arith.index_cast %add3A_489 : i32 to index
        %get3A_551 = arith.constant 48 : index
        %get3A_552 = tpu.vector_load %arg7[%get3A_550, %get3A_551] {strides = array<i32>} : memref<200x64xf32, #tpu.memory_space<vmem>>, vector<1x16xf32>,
        %get3A_553 = vector.shape_cast %get3A_552 : vector<1x16xf32> to vector<16xf32>
        %add3A_554 = arith.addf %get3A_549, %get3A_553 : vector<16xf32>
        %swap3A_555 = arith.constant 1 : i32
        %swap3A_556 = arith.index_cast %swap3A_555 : i32 to index
        %swap3A_557 = arith.index_cast %add3A_489 : i32 to index
        %swap3A_558 = arith.constant 48 : index
        %swap3A_559 = tpu.vector_load %arg9[%swap3A_556, %swap3A_557, %swap3A_558] {strides = array<i32>} : memref<4x200x64xf32, #tpu.memory_space<vmem>>, vector<1x1x16xf32>,
        %swap3A_560 = vector.shape_cast %swap3A_559 : vector<1x1x16xf32> to vector<16xf32>
        %swap3A_561 = vector.shape_cast %add3A_554 : vector<16xf32> to vector<1x1x16xf32>
        tpu.vector_store %arg9[%swap3A_556, %swap3A_557, %swap3A_558], %swap3A_561 {strides = array<i32>} : memref<4x200x64xf32, #tpu.memory_space<vmem>>, vector<1x1x16xf32>,
        %mul3A_562 = arith.constant 4 : i32
        %mul3A_563 = arith.muli %scan3A_335, %mul3A_562 : i32
        %add3A_564 = arith.constant 3 : i32
        %add3A_565 = arith.addi %mul3A_563, %add3A_564 : i32
        %get3A_566 = arith.constant 1 : i32
        %get3A_567 = arith.index_cast %get3A_566 : i32 to index
        %get3A_568 = arith.index_cast %add3A_565 : i32 to index
        %get3A_569 = arith.constant 0 : index
        %get3A_570 = tpu.vector_load %arg8[%get3A_567, %get3A_568, %get3A_569] {strides = array<i32>} : memref<4x200x64xf32, #tpu.memory_space<vmem>>, vector<1x1x16xf32>,
        %get3A_571 = vector.shape_cast %get3A_570 : vector<1x1x16xf32> to vector<16xf32>
        %get3A_572 = arith.index_cast %add3A_565 : i32 to index
        %get3A_573 = arith.constant 0 : index
        %get3A_574 = tpu.vector_load %arg7[%get3A_572, %get3A_573] {strides = array<i32>} : memref<200x64xf32, #tpu.memory_space<vmem>>, vector<1x16xf32>,
        %get3A_575 = vector.shape_cast %get3A_574 : vector<1x16xf32> to vector<16xf32>
        %add3A_576 = arith.addf %get3A_571, %get3A_575 : vector<16xf32>
        %swap3A_577 = arith.constant 1 : i32
        %swap3A_578 = arith.index_cast %swap3A_577 : i32 to index
        %swap3A_579 = arith.index_cast %add3A_565 : i32 to index
        %swap3A_580 = arith.constant 0 : index
        %swap3A_581 = tpu.vector_load %arg9[%swap3A_578, %swap3A_579, %swap3A_580] {strides = array<i32>} : memref<4x200x64xf32, #tpu.memory_space<vmem>>, vector<1x1x16xf32>,
        %swap3A_582 = vector.shape_cast %swap3A_581 : vector<1x1x16xf32> to vector<16xf32>
        %swap3A_583 = vector.shape_cast %add3A_576 : vector<16xf32> to vector<1x1x16xf32>
        tpu.vector_store %arg9[%swap3A_578, %swap3A_579, %swap3A_580], %swap3A_583 {strides = array<i32>} : memref<4x200x64xf32, #tpu.memory_space<vmem>>, vector<1x1x16xf32>,
        %get3A_584 = arith.constant 1 : i32
        %get3A_585 = arith.index_cast %get3A_584 : i32 to index
        %get3A_586 = arith.index_cast %add3A_565 : i32 to index
        %get3A_587 = arith.constant 16 : index
        %get3A_588 = tpu.vector_load %arg8[%get3A_585, %get3A_586, %get3A_587] {strides = array<i32>} : memref<4x200x64xf32, #tpu.memory_space<vmem>>, vector<1x1x16xf32>,
        %get3A_589 = vector.shape_cast %get3A_588 : vector<1x1x16xf32> to vector<16xf32>
        %get3A_590 = arith.index_cast %add3A_565 : i32 to index
        %get3A_591 = arith.constant 16 : index
        %get3A_592 = tpu.vector_load %arg7[%get3A_590, %get3A_591] {strides = array<i32>} : memref<200x64xf32, #tpu.memory_space<vmem>>, vector<1x16xf32>,
        %get3A_593 = vector.shape_cast %get3A_592 : vector<1x16xf32> to vector<16xf32>
        %add3A_594 = arith.addf %get3A_589, %get3A_593 : vector<16xf32>
        %swap3A_595 = arith.constant 1 : i32
        %swap3A_596 = arith.index_cast %swap3A_595 : i32 to index
        %swap3A_597 = arith.index_cast %add3A_565 : i32 to index
        %swap3A_598 = arith.constant 16 : index
        %swap3A_599 = tpu.vector_load %arg9[%swap3A_596, %swap3A_597, %swap3A_598] {strides = array<i32>} : memref<4x200x64xf32, #tpu.memory_space<vmem>>, vector<1x1x16xf32>,
        %swap3A_600 = vector.shape_cast %swap3A_599 : vector<1x1x16xf32> to vector<16xf32>
        %swap3A_601 = vector.shape_cast %add3A_594 : vector<16xf32> to vector<1x1x16xf32>
        tpu.vector_store %arg9[%swap3A_596, %swap3A_597, %swap3A_598], %swap3A_601 {strides = array<i32>} : memref<4x200x64xf32, #tpu.memory_space<vmem>>, vector<1x1x16xf32>,
        %get3A_602 = arith.constant 1 : i32
        %get3A_603 = arith.index_cast %get3A_602 : i32 to index
        %get3A_604 = arith.index_cast %add3A_565 : i32 to index
        %get3A_605 = arith.constant 32 : index
        %get3A_606 = tpu.vector_load %arg8[%get3A_603, %get3A_604, %get3A_605] {strides = array<i32>} : memref<4x200x64xf32, #tpu.memory_space<vmem>>, vector<1x1x16xf32>,
        %get3A_607 = vector.shape_cast %get3A_606 : vector<1x1x16xf32> to vector<16xf32>
        %get3A_608 = arith.index_cast %add3A_565 : i32 to index
        %get3A_609 = arith.constant 32 : index
        %get3A_610 = tpu.vector_load %arg7[%get3A_608, %get3A_609] {strides = array<i32>} : memref<200x64xf32, #tpu.memory_space<vmem>>, vector<1x16xf32>,
        %get3A_611 = vector.shape_cast %get3A_610 : vector<1x16xf32> to vector<16xf32>
        %add3A_612 = arith.addf %get3A_607, %get3A_611 : vector<16xf32>
        %swap3A_613 = arith.constant 1 : i32
        %swap3A_614 = arith.index_cast %swap3A_613 : i32 to index
        %swap3A_615 = arith.index_cast %add3A_565 : i32 to index
        %swap3A_616 = arith.constant 32 : index
        %swap3A_617 = tpu.vector_load %arg9[%swap3A_614, %swap3A_615, %swap3A_616] {strides = array<i32>} : memref<4x200x64xf32, #tpu.memory_space<vmem>>, vector<1x1x16xf32>,
        %swap3A_618 = vector.shape_cast %swap3A_617 : vector<1x1x16xf32> to vector<16xf32>
        %swap3A_619 = vector.shape_cast %add3A_612 : vector<16xf32> to vector<1x1x16xf32>
        tpu.vector_store %arg9[%swap3A_614, %swap3A_615, %swap3A_616], %swap3A_619 {strides = array<i32>} : memref<4x200x64xf32, #tpu.memory_space<vmem>>, vector<1x1x16xf32>,
        %get3A_620 = arith.constant 1 : i32
        %get3A_621 = arith.index_cast %get3A_620 : i32 to index
        %get3A_622 = arith.index_cast %add3A_565 : i32 to index
        %get3A_623 = arith.constant 48 : index
        %get3A_624 = tpu.vector_load %arg8[%get3A_621, %get3A_622, %get3A_623] {strides = array<i32>} : memref<4x200x64xf32, #tpu.memory_space<vmem>>, vector<1x1x16xf32>,
        %get3A_625 = vector.shape_cast %get3A_624 : vector<1x1x16xf32> to vector<16xf32>
        %get3A_626 = arith.index_cast %add3A_565 : i32 to index
        %get3A_627 = arith.constant 48 : index
        %get3A_628 = tpu.vector_load %arg7[%get3A_626, %get3A_627] {strides = array<i32>} : memref<200x64xf32, #tpu.memory_space<vmem>>, vector<1x16xf32>,
        %get3A_629 = vector.shape_cast %get3A_628 : vector<1x16xf32> to vector<16xf32>
        %add3A_630 = arith.addf %get3A_625, %get3A_629 : vector<16xf32>
        %swap3A_631 = arith.constant 1 : i32
        %swap3A_632 = arith.index_cast %swap3A_631 : i32 to index
        %swap3A_633 = arith.index_cast %add3A_565 : i32 to index
        %swap3A_634 = arith.constant 48 : index
        %swap3A_635 = tpu.vector_load %arg9[%swap3A_632, %swap3A_633, %swap3A_634] {strides = array<i32>} : memref<4x200x64xf32, #tpu.memory_space<vmem>>, vector<1x1x16xf32>,
        %swap3A_636 = vector.shape_cast %swap3A_635 : vector<1x1x16xf32> to vector<16xf32>
        %swap3A_637 = vector.shape_cast %add3A_630 : vector<16xf32> to vector<1x1x16xf32>
        tpu.vector_store %arg9[%swap3A_632, %swap3A_633, %swap3A_634], %swap3A_637 {strides = array<i32>} : memref<4x200x64xf32, #tpu.memory_space<vmem>>, vector<1x1x16xf32>,
      }
      %scan3A_206 = arith.constant 50 : i32
      %lt3A_207 = arith.constant 7 : i32
      %lt3A_208 = arith.cmpi slt, %scan3A_130, %lt3A_207 : i32
      %convert_element_type3A_209 = arith.extui %lt3A_208 : i1 to i32
      %cond3A_210 = arith.constant 0 : i32
      %cond3A_211 = arith.cmpi ne, %convert_element_type3A_209, %cond3A_210 : i32
      scf.if %cond3A_211 {
        %add3A_335 = arith.constant 4 : i32
        %add3A_336 = arith.addi %add3A_182, %add3A_335 : i32
        %mul3A_337 = arith.constant 200 : i32
        %mul3A_338 = arith.muli %add3A_336, %mul3A_337 : i32
        %dma_start3A_339 = arith.constant 1 : i32
        %dma_start3A_340 = arith.constant 1 : i32
        %dma_start3A_341 = arith.constant 0 : i32
        %dma_start3A_342 = arith.constant 0 : i32
        %dma_start3A_343 = tpu.memref_slice %arg8[%dma_start3A_339, %dma_start3A_341, %dma_start3A_342] : memref<4x200x64xf32, #tpu.memory_space<vmem>> -> memref<1x200x64xf32, #tpu.memory_space<vmem>>
        %dma_start3A_344 = tpu.memref_squeeze %dma_start3A_343 : memref<1x200x64xf32, #tpu.memory_space<vmem>> -> memref<200x64xf32, #tpu.memory_space<vmem>>
        %dma_start3A_345 = tpu.memref_slice %arg6[%mul3A_338] : memref<6400xi32, #tpu.memory_space<vmem>> -> memref<200xi32, #tpu.memory_space<vmem>>
        %dma_start3A_346 = arith.constant 0 : i32
        %dma_start3A_347 = arith.constant 0 : i32
        %dma_start3A_348 = tpu.memref_slice %arg3[%dma_start3A_346, %dma_start3A_347] : memref<1000000x64xf32, #tpu.memory_space<hbm>> -> memref<1000000x64xf32, #tpu.memory_space<hbm>>
        %dma_start3A_349 = tpu.memref_slice %arg10[%dma_start3A_340] : memref<4x!tpu.dma_semaphore, #tpu.memory_space<semaphore_mem>> -> memref<1x!tpu.dma_semaphore, #tpu.memory_space<semaphore_mem>>
        %dma_start3A_350 = tpu.memref_squeeze %dma_start3A_349 : memref<1x!tpu.dma_semaphore, #tpu.memory_space<semaphore_mem>> -> memref<!tpu.dma_semaphore, #tpu.memory_space<semaphore_mem>>
        tpu.enqueue_indirect_dma source(%dma_start3A_348 : memref<1000000x64xf32, #tpu.memory_space<hbm>>) target(%dma_start3A_344 : memref<200x64xf32, #tpu.memory_space<vmem>>) offsets(%dma_start3A_345 : memref<200xi32, #tpu.memory_space<vmem>>) semaphore(%dma_start3A_350 : memref<!tpu.dma_semaphore, #tpu.memory_space<semaphore_mem>>)
      } else {
      }
      %mul3A_212 = arith.constant 200 : i32
      %mul3A_213 = arith.muli %add3A_182, %mul3A_212 : i32
      %add3A_214 = arith.addi %mul3A_2, %mul3A_213 : i32
      %dma_start3A_215 = arith.constant 1 : i32
      %dma_start3A_216 = arith.constant 1 : i32
      %dma_start3A_217 = arith.constant 0 : i32
      %dma_start3A_218 = arith.constant 0 : i32
      %dma_start3A_219 = tpu.memref_slice %arg9[%dma_start3A_215, %dma_start3A_217, %dma_start3A_218] : memref<4x200x64xf32, #tpu.memory_space<vmem>> -> memref<1x200x64xf32, #tpu.memory_space<vmem>>
      %dma_start3A_220 = tpu.memref_squeeze %dma_start3A_219 : memref<1x200x64xf32, #tpu.memory_space<vmem>> -> memref<200x64xf32, #tpu.memory_space<vmem>>
      %dma_start3A_221 = arith.constant 0 : i32
      %dma_start3A_222 = tpu.memref_slice %arg5[%add3A_214, %dma_start3A_221] : memref<204800x64xf32, #tpu.memory_space<hbm>> -> memref<200x64xf32, #tpu.memory_space<hbm>>
      %dma_start3A_223 = tpu.memref_slice %arg11[%dma_start3A_216] : memref<4x!tpu.dma_semaphore, #tpu.memory_space<semaphore_mem>> -> memref<1x!tpu.dma_semaphore, #tpu.memory_space<semaphore_mem>>
      %dma_start3A_224 = tpu.memref_squeeze %dma_start3A_223 : memref<1x!tpu.dma_semaphore, #tpu.memory_space<semaphore_mem>> -> memref<!tpu.dma_semaphore, #tpu.memory_space<semaphore_mem>>
      %dma_start3A_225 = arith.constant 0 : i32
      %dma_start3A_226 = tpu.memref_slice %arg5[%add3A_214, %dma_start3A_225] : memref<204800x64xf32, #tpu.memory_space<hbm>> -> memref<200x64xf32, #tpu.memory_space<hbm>>
      %dma_start3A_227 = arith.constant 0 : i32
      %dma_start3A_228 = arith.constant 0 : i32
      %dma_start3A_229 = tpu.memref_slice %arg9[%dma_start3A_215, %dma_start3A_227, %dma_start3A_228] : memref<4x200x64xf32, #tpu.memory_space<vmem>> -> memref<1x200x64xf32, #tpu.memory_space<vmem>>
      %dma_start3A_230 = tpu.memref_squeeze %dma_start3A_229 : memref<1x200x64xf32, #tpu.memory_space<vmem>> -> memref<200x64xf32, #tpu.memory_space<vmem>>
      tpu.enqueue_dma source(%dma_start3A_230 : memref<200x64xf32, #tpu.memory_space<vmem>>) target(%dma_start3A_226 : memref<200x64xf32, #tpu.memory_space<hbm>>) target_semaphore(%dma_start3A_224 : memref<!tpu.dma_semaphore, #tpu.memory_space<semaphore_mem>>)
      %mul3A_231 = arith.constant 4 : i32
      %mul3A_232 = arith.muli %scan3A_130, %mul3A_231 : i32
      %add3A_233 = arith.constant 2 : i32
      %add3A_234 = arith.addi %mul3A_232, %add3A_233 : i32
      %dma_wait3A_235 = arith.constant 2 : i32
      %dma_wait3A_236 = arith.constant 2 : i32
      %dma_wait3A_237 = arith.constant 0 : i32
      %dma_wait3A_238 = arith.constant 0 : i32
      %dma_wait3A_239 = tpu.memref_slice %arg8[%dma_wait3A_235, %dma_wait3A_237, %dma_wait3A_238] : memref<4x200x64xf32, #tpu.memory_space<vmem>> -> memref<1x200x64xf32, #tpu.memory_space<vmem>>
      %dma_wait3A_240 = tpu.memref_squeeze %dma_wait3A_239 : memref<1x200x64xf32, #tpu.memory_space<vmem>> -> memref<200x64xf32, #tpu.memory_space<vmem>>
      %dma_wait3A_241 = arith.constant 0 : i32
      %dma_wait3A_242 = tpu.memref_slice %arg6[%dma_wait3A_241] : memref<6400xi32, #tpu.memory_space<vmem>> -> memref<200xi32, #tpu.memory_space<vmem>>
      %dma_wait3A_243 = arith.constant 0 : i32
      %dma_wait3A_244 = arith.constant 0 : i32
      %dma_wait3A_245 = tpu.memref_slice %arg3[%dma_wait3A_243, %dma_wait3A_244] : memref<1000000x64xf32, #tpu.memory_space<hbm>> -> memref<1000000x64xf32, #tpu.memory_space<hbm>>
      %dma_wait3A_246 = tpu.memref_slice %arg10[%dma_wait3A_236] : memref<4x!tpu.dma_semaphore, #tpu.memory_space<semaphore_mem>> -> memref<1x!tpu.dma_semaphore, #tpu.memory_space<semaphore_mem>>
      %dma_wait3A_247 = tpu.memref_squeeze %dma_wait3A_246 : memref<1x!tpu.dma_semaphore, #tpu.memory_space<semaphore_mem>> -> memref<!tpu.dma_semaphore, #tpu.memory_space<semaphore_mem>>
      tpu.wait_indirect_dma semaphore(%dma_wait3A_247 : memref<!tpu.dma_semaphore, #tpu.memory_space<semaphore_mem>>) src(%dma_wait3A_245 : memref<1000000x64xf32, #tpu.memory_space<hbm>>) dst(%dma_wait3A_240 : memref<200x64xf32, #tpu.memory_space<vmem>>)
      %gt3A_248 = arith.constant 0 : i32
      %gt3A_249 = arith.cmpi sgt, %scan3A_130, %gt3A_248 : i32
      %convert_element_type3A_250 = arith.extui %gt3A_249 : i1 to i32
      %cond3A_251 = arith.constant 0 : i32
      %cond3A_252 = arith.cmpi ne, %convert_element_type3A_250, %cond3A_251 : i32
      scf.if %cond3A_252 {
        %dma_wait3A_335 = arith.constant 2 : i32
        %dma_wait3A_336 = arith.constant 2 : i32
        %dma_wait3A_337 = arith.constant 0 : i32
        %dma_wait3A_338 = arith.constant 0 : i32
        %dma_wait3A_339 = tpu.memref_slice %arg9[%dma_wait3A_335, %dma_wait3A_337, %dma_wait3A_338] : memref<4x200x64xf32, #tpu.memory_space<vmem>> -> memref<1x200x64xf32, #tpu.memory_space<vmem>>
        %dma_wait3A_340 = tpu.memref_squeeze %dma_wait3A_339 : memref<1x200x64xf32, #tpu.memory_space<vmem>> -> memref<200x64xf32, #tpu.memory_space<vmem>>
        %dma_wait3A_341 = arith.constant 0 : i32
        %dma_wait3A_342 = arith.constant 0 : i32
        %dma_wait3A_343 = tpu.memref_slice %arg5[%dma_wait3A_341, %dma_wait3A_342] : memref<204800x64xf32, #tpu.memory_space<hbm>> -> memref<200x64xf32, #tpu.memory_space<hbm>>
        %dma_wait3A_344 = tpu.memref_slice %arg11[%dma_wait3A_336] : memref<4x!tpu.dma_semaphore, #tpu.memory_space<semaphore_mem>> -> memref<1x!tpu.dma_semaphore, #tpu.memory_space<semaphore_mem>>
        %dma_wait3A_345 = tpu.memref_squeeze %dma_wait3A_344 : memref<1x!tpu.dma_semaphore, #tpu.memory_space<semaphore_mem>> -> memref<!tpu.dma_semaphore, #tpu.memory_space<semaphore_mem>>
        %dma_wait3A_346 = arith.constant 0 : i32
        %dma_wait3A_347 = arith.constant 0 : i32
        %dma_wait3A_348 = tpu.memref_slice %arg5[%dma_wait3A_346, %dma_wait3A_347] : memref<204800x64xf32, #tpu.memory_space<hbm>> -> memref<200x64xf32, #tpu.memory_space<hbm>>
        %dma_wait3A_349 = arith.constant 0 : i32
        %dma_wait3A_350 = arith.constant 0 : i32
        %dma_wait3A_351 = tpu.memref_slice %arg9[%dma_wait3A_335, %dma_wait3A_349, %dma_wait3A_350] : memref<4x200x64xf32, #tpu.memory_space<vmem>> -> memref<1x200x64xf32, #tpu.memory_space<vmem>>
        %dma_wait3A_352 = tpu.memref_squeeze %dma_wait3A_351 : memref<1x200x64xf32, #tpu.memory_space<vmem>> -> memref<200x64xf32, #tpu.memory_space<vmem>>
        tpu.wait_dma2 semaphore(%dma_wait3A_345 : memref<!tpu.dma_semaphore, #tpu.memory_space<semaphore_mem>>) src(%dma_wait3A_352 : memref<200x64xf32, #tpu.memory_space<vmem>>) dst(%dma_wait3A_348 : memref<200x64xf32, #tpu.memory_space<hbm>>)
      } else {
      }
      %scan3A_253 = arith.constant 0 : i32
      %scan3A_254 = arith.constant 0 : i32
      %scan3A_255 = arith.constant 50 : i32
      %scan3A_256 = arith.addi %scan3A_254, %scan3A_255 : i32
      %scan3A_257 = arith.constant 1 : i32
      scf.for %scan3A_335 = %scan3A_254 to %scan3A_256 step %scan3A_257  : i32 {
        %mul3A_336 = arith.constant 4 : i32
        %mul3A_337 = arith.muli %scan3A_335, %mul3A_336 : i32
        %add3A_338 = arith.constant 0 : i32
        %add3A_339 = arith.addi %mul3A_337, %add3A_338 : i32
        %get3A = arith.constant 2 : i32
        %get3A_340 = arith.index_cast %get3A : i32 to index
        %get3A_341 = arith.index_cast %add3A_339 : i32 to index
        %get3A_342 = arith.constant 0 : index
        %get3A_343 = tpu.vector_load %arg8[%get3A_340, %get3A_341, %get3A_342] {strides = array<i32>} : memref<4x200x64xf32, #tpu.memory_space<vmem>>, vector<1x1x16xf32>,
        %get3A_344 = vector.shape_cast %get3A_343 : vector<1x1x16xf32> to vector<16xf32>
        %get3A_345 = arith.index_cast %add3A_339 : i32 to index
        %get3A_346 = arith.constant 0 : index
        %get3A_347 = tpu.vector_load %arg7[%get3A_345, %get3A_346] {strides = array<i32>} : memref<200x64xf32, #tpu.memory_space<vmem>>, vector<1x16xf32>,
        %get3A_348 = vector.shape_cast %get3A_347 : vector<1x16xf32> to vector<16xf32>
        %add3A_349 = arith.addf %get3A_344, %get3A_348 : vector<16xf32>
        %swap3A = arith.constant 2 : i32
        %swap3A_350 = arith.index_cast %swap3A : i32 to index
        %swap3A_351 = arith.index_cast %add3A_339 : i32 to index
        %swap3A_352 = arith.constant 0 : index
        %swap3A_353 = tpu.vector_load %arg9[%swap3A_350, %swap3A_351, %swap3A_352] {strides = array<i32>} : memref<4x200x64xf32, #tpu.memory_space<vmem>>, vector<1x1x16xf32>,
        %swap3A_354 = vector.shape_cast %swap3A_353 : vector<1x1x16xf32> to vector<16xf32>
        %swap3A_355 = vector.shape_cast %add3A_349 : vector<16xf32> to vector<1x1x16xf32>
        tpu.vector_store %arg9[%swap3A_350, %swap3A_351, %swap3A_352], %swap3A_355 {strides = array<i32>} : memref<4x200x64xf32, #tpu.memory_space<vmem>>, vector<1x1x16xf32>,
        %get3A_356 = arith.constant 2 : i32
        %get3A_357 = arith.index_cast %get3A_356 : i32 to index
        %get3A_358 = arith.index_cast %add3A_339 : i32 to index
        %get3A_359 = arith.constant 16 : index
        %get3A_360 = tpu.vector_load %arg8[%get3A_357, %get3A_358, %get3A_359] {strides = array<i32>} : memref<4x200x64xf32, #tpu.memory_space<vmem>>, vector<1x1x16xf32>,
        %get3A_361 = vector.shape_cast %get3A_360 : vector<1x1x16xf32> to vector<16xf32>
        %get3A_362 = arith.index_cast %add3A_339 : i32 to index
        %get3A_363 = arith.constant 16 : index
        %get3A_364 = tpu.vector_load %arg7[%get3A_362, %get3A_363] {strides = array<i32>} : memref<200x64xf32, #tpu.memory_space<vmem>>, vector<1x16xf32>,
        %get3A_365 = vector.shape_cast %get3A_364 : vector<1x16xf32> to vector<16xf32>
        %add3A_366 = arith.addf %get3A_361, %get3A_365 : vector<16xf32>
        %swap3A_367 = arith.constant 2 : i32
        %swap3A_368 = arith.index_cast %swap3A_367 : i32 to index
        %swap3A_369 = arith.index_cast %add3A_339 : i32 to index
        %swap3A_370 = arith.constant 16 : index
        %swap3A_371 = tpu.vector_load %arg9[%swap3A_368, %swap3A_369, %swap3A_370] {strides = array<i32>} : memref<4x200x64xf32, #tpu.memory_space<vmem>>, vector<1x1x16xf32>,
        %swap3A_372 = vector.shape_cast %swap3A_371 : vector<1x1x16xf32> to vector<16xf32>
        %swap3A_373 = vector.shape_cast %add3A_366 : vector<16xf32> to vector<1x1x16xf32>
        tpu.vector_store %arg9[%swap3A_368, %swap3A_369, %swap3A_370], %swap3A_373 {strides = array<i32>} : memref<4x200x64xf32, #tpu.memory_space<vmem>>, vector<1x1x16xf32>,
        %get3A_374 = arith.constant 2 : i32
        %get3A_375 = arith.index_cast %get3A_374 : i32 to index
        %get3A_376 = arith.index_cast %add3A_339 : i32 to index
        %get3A_377 = arith.constant 32 : index
        %get3A_378 = tpu.vector_load %arg8[%get3A_375, %get3A_376, %get3A_377] {strides = array<i32>} : memref<4x200x64xf32, #tpu.memory_space<vmem>>, vector<1x1x16xf32>,
        %get3A_379 = vector.shape_cast %get3A_378 : vector<1x1x16xf32> to vector<16xf32>
        %get3A_380 = arith.index_cast %add3A_339 : i32 to index
        %get3A_381 = arith.constant 32 : index
        %get3A_382 = tpu.vector_load %arg7[%get3A_380, %get3A_381] {strides = array<i32>} : memref<200x64xf32, #tpu.memory_space<vmem>>, vector<1x16xf32>,
        %get3A_383 = vector.shape_cast %get3A_382 : vector<1x16xf32> to vector<16xf32>
        %add3A_384 = arith.addf %get3A_379, %get3A_383 : vector<16xf32>
        %swap3A_385 = arith.constant 2 : i32
        %swap3A_386 = arith.index_cast %swap3A_385 : i32 to index
        %swap3A_387 = arith.index_cast %add3A_339 : i32 to index
        %swap3A_388 = arith.constant 32 : index
        %swap3A_389 = tpu.vector_load %arg9[%swap3A_386, %swap3A_387, %swap3A_388] {strides = array<i32>} : memref<4x200x64xf32, #tpu.memory_space<vmem>>, vector<1x1x16xf32>,
        %swap3A_390 = vector.shape_cast %swap3A_389 : vector<1x1x16xf32> to vector<16xf32>
        %swap3A_391 = vector.shape_cast %add3A_384 : vector<16xf32> to vector<1x1x16xf32>
        tpu.vector_store %arg9[%swap3A_386, %swap3A_387, %swap3A_388], %swap3A_391 {strides = array<i32>} : memref<4x200x64xf32, #tpu.memory_space<vmem>>, vector<1x1x16xf32>,
        %get3A_392 = arith.constant 2 : i32
        %get3A_393 = arith.index_cast %get3A_392 : i32 to index
        %get3A_394 = arith.index_cast %add3A_339 : i32 to index
        %get3A_395 = arith.constant 48 : index
        %get3A_396 = tpu.vector_load %arg8[%get3A_393, %get3A_394, %get3A_395] {strides = array<i32>} : memref<4x200x64xf32, #tpu.memory_space<vmem>>, vector<1x1x16xf32>,
        %get3A_397 = vector.shape_cast %get3A_396 : vector<1x1x16xf32> to vector<16xf32>
        %get3A_398 = arith.index_cast %add3A_339 : i32 to index
        %get3A_399 = arith.constant 48 : index
        %get3A_400 = tpu.vector_load %arg7[%get3A_398, %get3A_399] {strides = array<i32>} : memref<200x64xf32, #tpu.memory_space<vmem>>, vector<1x16xf32>,
        %get3A_401 = vector.shape_cast %get3A_400 : vector<1x16xf32> to vector<16xf32>
        %add3A_402 = arith.addf %get3A_397, %get3A_401 : vector<16xf32>
        %swap3A_403 = arith.constant 2 : i32
        %swap3A_404 = arith.index_cast %swap3A_403 : i32 to index
        %swap3A_405 = arith.index_cast %add3A_339 : i32 to index
        %swap3A_406 = arith.constant 48 : index
        %swap3A_407 = tpu.vector_load %arg9[%swap3A_404, %swap3A_405, %swap3A_406] {strides = array<i32>} : memref<4x200x64xf32, #tpu.memory_space<vmem>>, vector<1x1x16xf32>,
        %swap3A_408 = vector.shape_cast %swap3A_407 : vector<1x1x16xf32> to vector<16xf32>
        %swap3A_409 = vector.shape_cast %add3A_402 : vector<16xf32> to vector<1x1x16xf32>
        tpu.vector_store %arg9[%swap3A_404, %swap3A_405, %swap3A_406], %swap3A_409 {strides = array<i32>} : memref<4x200x64xf32, #tpu.memory_space<vmem>>, vector<1x1x16xf32>,
        %mul3A_410 = arith.constant 4 : i32
        %mul3A_411 = arith.muli %scan3A_335, %mul3A_410 : i32
        %add3A_412 = arith.constant 1 : i32
        %add3A_413 = arith.addi %mul3A_411, %add3A_412 : i32
        %get3A_414 = arith.constant 2 : i32
        %get3A_415 = arith.index_cast %get3A_414 : i32 to index
        %get3A_416 = arith.index_cast %add3A_413 : i32 to index
        %get3A_417 = arith.constant 0 : index
        %get3A_418 = tpu.vector_load %arg8[%get3A_415, %get3A_416, %get3A_417] {strides = array<i32>} : memref<4x200x64xf32, #tpu.memory_space<vmem>>, vector<1x1x16xf32>,
        %get3A_419 = vector.shape_cast %get3A_418 : vector<1x1x16xf32> to vector<16xf32>
        %get3A_420 = arith.index_cast %add3A_413 : i32 to index
        %get3A_421 = arith.constant 0 : index
        %get3A_422 = tpu.vector_load %arg7[%get3A_420, %get3A_421] {strides = array<i32>} : memref<200x64xf32, #tpu.memory_space<vmem>>, vector<1x16xf32>,
        %get3A_423 = vector.shape_cast %get3A_422 : vector<1x16xf32> to vector<16xf32>
        %add3A_424 = arith.addf %get3A_419, %get3A_423 : vector<16xf32>
        %swap3A_425 = arith.constant 2 : i32
        %swap3A_426 = arith.index_cast %swap3A_425 : i32 to index
        %swap3A_427 = arith.index_cast %add3A_413 : i32 to index
        %swap3A_428 = arith.constant 0 : index
        %swap3A_429 = tpu.vector_load %arg9[%swap3A_426, %swap3A_427, %swap3A_428] {strides = array<i32>} : memref<4x200x64xf32, #tpu.memory_space<vmem>>, vector<1x1x16xf32>,
        %swap3A_430 = vector.shape_cast %swap3A_429 : vector<1x1x16xf32> to vector<16xf32>
        %swap3A_431 = vector.shape_cast %add3A_424 : vector<16xf32> to vector<1x1x16xf32>
        tpu.vector_store %arg9[%swap3A_426, %swap3A_427, %swap3A_428], %swap3A_431 {strides = array<i32>} : memref<4x200x64xf32, #tpu.memory_space<vmem>>, vector<1x1x16xf32>,
        %get3A_432 = arith.constant 2 : i32
        %get3A_433 = arith.index_cast %get3A_432 : i32 to index
        %get3A_434 = arith.index_cast %add3A_413 : i32 to index
        %get3A_435 = arith.constant 16 : index
        %get3A_436 = tpu.vector_load %arg8[%get3A_433, %get3A_434, %get3A_435] {strides = array<i32>} : memref<4x200x64xf32, #tpu.memory_space<vmem>>, vector<1x1x16xf32>,
        %get3A_437 = vector.shape_cast %get3A_436 : vector<1x1x16xf32> to vector<16xf32>
        %get3A_438 = arith.index_cast %add3A_413 : i32 to index
        %get3A_439 = arith.constant 16 : index
        %get3A_440 = tpu.vector_load %arg7[%get3A_438, %get3A_439] {strides = array<i32>} : memref<200x64xf32, #tpu.memory_space<vmem>>, vector<1x16xf32>,
        %get3A_441 = vector.shape_cast %get3A_440 : vector<1x16xf32> to vector<16xf32>
        %add3A_442 = arith.addf %get3A_437, %get3A_441 : vector<16xf32>
        %swap3A_443 = arith.constant 2 : i32
        %swap3A_444 = arith.index_cast %swap3A_443 : i32 to index
        %swap3A_445 = arith.index_cast %add3A_413 : i32 to index
        %swap3A_446 = arith.constant 16 : index
        %swap3A_447 = tpu.vector_load %arg9[%swap3A_444, %swap3A_445, %swap3A_446] {strides = array<i32>} : memref<4x200x64xf32, #tpu.memory_space<vmem>>, vector<1x1x16xf32>,
        %swap3A_448 = vector.shape_cast %swap3A_447 : vector<1x1x16xf32> to vector<16xf32>
        %swap3A_449 = vector.shape_cast %add3A_442 : vector<16xf32> to vector<1x1x16xf32>
        tpu.vector_store %arg9[%swap3A_444, %swap3A_445, %swap3A_446], %swap3A_449 {strides = array<i32>} : memref<4x200x64xf32, #tpu.memory_space<vmem>>, vector<1x1x16xf32>,
        %get3A_450 = arith.constant 2 : i32
        %get3A_451 = arith.index_cast %get3A_450 : i32 to index
        %get3A_452 = arith.index_cast %add3A_413 : i32 to index
        %get3A_453 = arith.constant 32 : index
        %get3A_454 = tpu.vector_load %arg8[%get3A_451, %get3A_452, %get3A_453] {strides = array<i32>} : memref<4x200x64xf32, #tpu.memory_space<vmem>>, vector<1x1x16xf32>,
        %get3A_455 = vector.shape_cast %get3A_454 : vector<1x1x16xf32> to vector<16xf32>
        %get3A_456 = arith.index_cast %add3A_413 : i32 to index
        %get3A_457 = arith.constant 32 : index
        %get3A_458 = tpu.vector_load %arg7[%get3A_456, %get3A_457] {strides = array<i32>} : memref<200x64xf32, #tpu.memory_space<vmem>>, vector<1x16xf32>,
        %get3A_459 = vector.shape_cast %get3A_458 : vector<1x16xf32> to vector<16xf32>
        %add3A_460 = arith.addf %get3A_455, %get3A_459 : vector<16xf32>
        %swap3A_461 = arith.constant 2 : i32
        %swap3A_462 = arith.index_cast %swap3A_461 : i32 to index
        %swap3A_463 = arith.index_cast %add3A_413 : i32 to index
        %swap3A_464 = arith.constant 32 : index
        %swap3A_465 = tpu.vector_load %arg9[%swap3A_462, %swap3A_463, %swap3A_464] {strides = array<i32>} : memref<4x200x64xf32, #tpu.memory_space<vmem>>, vector<1x1x16xf32>,
        %swap3A_466 = vector.shape_cast %swap3A_465 : vector<1x1x16xf32> to vector<16xf32>
        %swap3A_467 = vector.shape_cast %add3A_460 : vector<16xf32> to vector<1x1x16xf32>
        tpu.vector_store %arg9[%swap3A_462, %swap3A_463, %swap3A_464], %swap3A_467 {strides = array<i32>} : memref<4x200x64xf32, #tpu.memory_space<vmem>>, vector<1x1x16xf32>,
        %get3A_468 = arith.constant 2 : i32
        %get3A_469 = arith.index_cast %get3A_468 : i32 to index
        %get3A_470 = arith.index_cast %add3A_413 : i32 to index
        %get3A_471 = arith.constant 48 : index
        %get3A_472 = tpu.vector_load %arg8[%get3A_469, %get3A_470, %get3A_471] {strides = array<i32>} : memref<4x200x64xf32, #tpu.memory_space<vmem>>, vector<1x1x16xf32>,
        %get3A_473 = vector.shape_cast %get3A_472 : vector<1x1x16xf32> to vector<16xf32>
        %get3A_474 = arith.index_cast %add3A_413 : i32 to index
        %get3A_475 = arith.constant 48 : index
        %get3A_476 = tpu.vector_load %arg7[%get3A_474, %get3A_475] {strides = array<i32>} : memref<200x64xf32, #tpu.memory_space<vmem>>, vector<1x16xf32>,
        %get3A_477 = vector.shape_cast %get3A_476 : vector<1x16xf32> to vector<16xf32>
        %add3A_478 = arith.addf %get3A_473, %get3A_477 : vector<16xf32>
        %swap3A_479 = arith.constant 2 : i32
        %swap3A_480 = arith.index_cast %swap3A_479 : i32 to index
        %swap3A_481 = arith.index_cast %add3A_413 : i32 to index
        %swap3A_482 = arith.constant 48 : index
        %swap3A_483 = tpu.vector_load %arg9[%swap3A_480, %swap3A_481, %swap3A_482] {strides = array<i32>} : memref<4x200x64xf32, #tpu.memory_space<vmem>>, vector<1x1x16xf32>,
        %swap3A_484 = vector.shape_cast %swap3A_483 : vector<1x1x16xf32> to vector<16xf32>
        %swap3A_485 = vector.shape_cast %add3A_478 : vector<16xf32> to vector<1x1x16xf32>
        tpu.vector_store %arg9[%swap3A_480, %swap3A_481, %swap3A_482], %swap3A_485 {strides = array<i32>} : memref<4x200x64xf32, #tpu.memory_space<vmem>>, vector<1x1x16xf32>,
        %mul3A_486 = arith.constant 4 : i32
        %mul3A_487 = arith.muli %scan3A_335, %mul3A_486 : i32
        %add3A_488 = arith.constant 2 : i32
        %add3A_489 = arith.addi %mul3A_487, %add3A_488 : i32
        %get3A_490 = arith.constant 2 : i32
        %get3A_491 = arith.index_cast %get3A_490 : i32 to index
        %get3A_492 = arith.index_cast %add3A_489 : i32 to index
        %get3A_493 = arith.constant 0 : index
        %get3A_494 = tpu.vector_load %arg8[%get3A_491, %get3A_492, %get3A_493] {strides = array<i32>} : memref<4x200x64xf32, #tpu.memory_space<vmem>>, vector<1x1x16xf32>,
        %get3A_495 = vector.shape_cast %get3A_494 : vector<1x1x16xf32> to vector<16xf32>
        %get3A_496 = arith.index_cast %add3A_489 : i32 to index
        %get3A_497 = arith.constant 0 : index
        %get3A_498 = tpu.vector_load %arg7[%get3A_496, %get3A_497] {strides = array<i32>} : memref<200x64xf32, #tpu.memory_space<vmem>>, vector<1x16xf32>,
        %get3A_499 = vector.shape_cast %get3A_498 : vector<1x16xf32> to vector<16xf32>
        %add3A_500 = arith.addf %get3A_495, %get3A_499 : vector<16xf32>
        %swap3A_501 = arith.constant 2 : i32
        %swap3A_502 = arith.index_cast %swap3A_501 : i32 to index
        %swap3A_503 = arith.index_cast %add3A_489 : i32 to index
        %swap3A_504 = arith.constant 0 : index
        %swap3A_505 = tpu.vector_load %arg9[%swap3A_502, %swap3A_503, %swap3A_504] {strides = array<i32>} : memref<4x200x64xf32, #tpu.memory_space<vmem>>, vector<1x1x16xf32>,
        %swap3A_506 = vector.shape_cast %swap3A_505 : vector<1x1x16xf32> to vector<16xf32>
        %swap3A_507 = vector.shape_cast %add3A_500 : vector<16xf32> to vector<1x1x16xf32>
        tpu.vector_store %arg9[%swap3A_502, %swap3A_503, %swap3A_504], %swap3A_507 {strides = array<i32>} : memref<4x200x64xf32, #tpu.memory_space<vmem>>, vector<1x1x16xf32>,
        %get3A_508 = arith.constant 2 : i32
        %get3A_509 = arith.index_cast %get3A_508 : i32 to index
        %get3A_510 = arith.index_cast %add3A_489 : i32 to index
        %get3A_511 = arith.constant 16 : index
        %get3A_512 = tpu.vector_load %arg8[%get3A_509, %get3A_510, %get3A_511] {strides = array<i32>} : memref<4x200x64xf32, #tpu.memory_space<vmem>>, vector<1x1x16xf32>,
        %get3A_513 = vector.shape_cast %get3A_512 : vector<1x1x16xf32> to vector<16xf32>
        %get3A_514 = arith.index_cast %add3A_489 : i32 to index
        %get3A_515 = arith.constant 16 : index
        %get3A_516 = tpu.vector_load %arg7[%get3A_514, %get3A_515] {strides = array<i32>} : memref<200x64xf32, #tpu.memory_space<vmem>>, vector<1x16xf32>,
        %get3A_517 = vector.shape_cast %get3A_516 : vector<1x16xf32> to vector<16xf32>
        %add3A_518 = arith.addf %get3A_513, %get3A_517 : vector<16xf32>
        %swap3A_519 = arith.constant 2 : i32
        %swap3A_520 = arith.index_cast %swap3A_519 : i32 to index
        %swap3A_521 = arith.index_cast %add3A_489 : i32 to index
        %swap3A_522 = arith.constant 16 : index
        %swap3A_523 = tpu.vector_load %arg9[%swap3A_520, %swap3A_521, %swap3A_522] {strides = array<i32>} : memref<4x200x64xf32, #tpu.memory_space<vmem>>, vector<1x1x16xf32>,
        %swap3A_524 = vector.shape_cast %swap3A_523 : vector<1x1x16xf32> to vector<16xf32>
        %swap3A_525 = vector.shape_cast %add3A_518 : vector<16xf32> to vector<1x1x16xf32>
        tpu.vector_store %arg9[%swap3A_520, %swap3A_521, %swap3A_522], %swap3A_525 {strides = array<i32>} : memref<4x200x64xf32, #tpu.memory_space<vmem>>, vector<1x1x16xf32>,
        %get3A_526 = arith.constant 2 : i32
        %get3A_527 = arith.index_cast %get3A_526 : i32 to index
        %get3A_528 = arith.index_cast %add3A_489 : i32 to index
        %get3A_529 = arith.constant 32 : index
        %get3A_530 = tpu.vector_load %arg8[%get3A_527, %get3A_528, %get3A_529] {strides = array<i32>} : memref<4x200x64xf32, #tpu.memory_space<vmem>>, vector<1x1x16xf32>,
        %get3A_531 = vector.shape_cast %get3A_530 : vector<1x1x16xf32> to vector<16xf32>
        %get3A_532 = arith.index_cast %add3A_489 : i32 to index
        %get3A_533 = arith.constant 32 : index
        %get3A_534 = tpu.vector_load %arg7[%get3A_532, %get3A_533] {strides = array<i32>} : memref<200x64xf32, #tpu.memory_space<vmem>>, vector<1x16xf32>,
        %get3A_535 = vector.shape_cast %get3A_534 : vector<1x16xf32> to vector<16xf32>
        %add3A_536 = arith.addf %get3A_531, %get3A_535 : vector<16xf32>
        %swap3A_537 = arith.constant 2 : i32
        %swap3A_538 = arith.index_cast %swap3A_537 : i32 to index
        %swap3A_539 = arith.index_cast %add3A_489 : i32 to index
        %swap3A_540 = arith.constant 32 : index
        %swap3A_541 = tpu.vector_load %arg9[%swap3A_538, %swap3A_539, %swap3A_540] {strides = array<i32>} : memref<4x200x64xf32, #tpu.memory_space<vmem>>, vector<1x1x16xf32>,
        %swap3A_542 = vector.shape_cast %swap3A_541 : vector<1x1x16xf32> to vector<16xf32>
        %swap3A_543 = vector.shape_cast %add3A_536 : vector<16xf32> to vector<1x1x16xf32>
        tpu.vector_store %arg9[%swap3A_538, %swap3A_539, %swap3A_540], %swap3A_543 {strides = array<i32>} : memref<4x200x64xf32, #tpu.memory_space<vmem>>, vector<1x1x16xf32>,
        %get3A_544 = arith.constant 2 : i32
        %get3A_545 = arith.index_cast %get3A_544 : i32 to index
        %get3A_546 = arith.index_cast %add3A_489 : i32 to index
        %get3A_547 = arith.constant 48 : index
        %get3A_548 = tpu.vector_load %arg8[%get3A_545, %get3A_546, %get3A_547] {strides = array<i32>} : memref<4x200x64xf32, #tpu.memory_space<vmem>>, vector<1x1x16xf32>,
        %get3A_549 = vector.shape_cast %get3A_548 : vector<1x1x16xf32> to vector<16xf32>
        %get3A_550 = arith.index_cast %add3A_489 : i32 to index
        %get3A_551 = arith.constant 48 : index
        %get3A_552 = tpu.vector_load %arg7[%get3A_550, %get3A_551] {strides = array<i32>} : memref<200x64xf32, #tpu.memory_space<vmem>>, vector<1x16xf32>,
        %get3A_553 = vector.shape_cast %get3A_552 : vector<1x16xf32> to vector<16xf32>
        %add3A_554 = arith.addf %get3A_549, %get3A_553 : vector<16xf32>
        %swap3A_555 = arith.constant 2 : i32
        %swap3A_556 = arith.index_cast %swap3A_555 : i32 to index
        %swap3A_557 = arith.index_cast %add3A_489 : i32 to index
        %swap3A_558 = arith.constant 48 : index
        %swap3A_559 = tpu.vector_load %arg9[%swap3A_556, %swap3A_557, %swap3A_558] {strides = array<i32>} : memref<4x200x64xf32, #tpu.memory_space<vmem>>, vector<1x1x16xf32>,
        %swap3A_560 = vector.shape_cast %swap3A_559 : vector<1x1x16xf32> to vector<16xf32>
        %swap3A_561 = vector.shape_cast %add3A_554 : vector<16xf32> to vector<1x1x16xf32>
        tpu.vector_store %arg9[%swap3A_556, %swap3A_557, %swap3A_558], %swap3A_561 {strides = array<i32>} : memref<4x200x64xf32, #tpu.memory_space<vmem>>, vector<1x1x16xf32>,
        %mul3A_562 = arith.constant 4 : i32
        %mul3A_563 = arith.muli %scan3A_335, %mul3A_562 : i32
        %add3A_564 = arith.constant 3 : i32
        %add3A_565 = arith.addi %mul3A_563, %add3A_564 : i32
        %get3A_566 = arith.constant 2 : i32
        %get3A_567 = arith.index_cast %get3A_566 : i32 to index
        %get3A_568 = arith.index_cast %add3A_565 : i32 to index
        %get3A_569 = arith.constant 0 : index
        %get3A_570 = tpu.vector_load %arg8[%get3A_567, %get3A_568, %get3A_569] {strides = array<i32>} : memref<4x200x64xf32, #tpu.memory_space<vmem>>, vector<1x1x16xf32>,
        %get3A_571 = vector.shape_cast %get3A_570 : vector<1x1x16xf32> to vector<16xf32>
        %get3A_572 = arith.index_cast %add3A_565 : i32 to index
        %get3A_573 = arith.constant 0 : index
        %get3A_574 = tpu.vector_load %arg7[%get3A_572, %get3A_573] {strides = array<i32>} : memref<200x64xf32, #tpu.memory_space<vmem>>, vector<1x16xf32>,
        %get3A_575 = vector.shape_cast %get3A_574 : vector<1x16xf32> to vector<16xf32>
        %add3A_576 = arith.addf %get3A_571, %get3A_575 : vector<16xf32>
        %swap3A_577 = arith.constant 2 : i32
        %swap3A_578 = arith.index_cast %swap3A_577 : i32 to index
        %swap3A_579 = arith.index_cast %add3A_565 : i32 to index
        %swap3A_580 = arith.constant 0 : index
        %swap3A_581 = tpu.vector_load %arg9[%swap3A_578, %swap3A_579, %swap3A_580] {strides = array<i32>} : memref<4x200x64xf32, #tpu.memory_space<vmem>>, vector<1x1x16xf32>,
        %swap3A_582 = vector.shape_cast %swap3A_581 : vector<1x1x16xf32> to vector<16xf32>
        %swap3A_583 = vector.shape_cast %add3A_576 : vector<16xf32> to vector<1x1x16xf32>
        tpu.vector_store %arg9[%swap3A_578, %swap3A_579, %swap3A_580], %swap3A_583 {strides = array<i32>} : memref<4x200x64xf32, #tpu.memory_space<vmem>>, vector<1x1x16xf32>,
        %get3A_584 = arith.constant 2 : i32
        %get3A_585 = arith.index_cast %get3A_584 : i32 to index
        %get3A_586 = arith.index_cast %add3A_565 : i32 to index
        %get3A_587 = arith.constant 16 : index
        %get3A_588 = tpu.vector_load %arg8[%get3A_585, %get3A_586, %get3A_587] {strides = array<i32>} : memref<4x200x64xf32, #tpu.memory_space<vmem>>, vector<1x1x16xf32>,
        %get3A_589 = vector.shape_cast %get3A_588 : vector<1x1x16xf32> to vector<16xf32>
        %get3A_590 = arith.index_cast %add3A_565 : i32 to index
        %get3A_591 = arith.constant 16 : index
        %get3A_592 = tpu.vector_load %arg7[%get3A_590, %get3A_591] {strides = array<i32>} : memref<200x64xf32, #tpu.memory_space<vmem>>, vector<1x16xf32>,
        %get3A_593 = vector.shape_cast %get3A_592 : vector<1x16xf32> to vector<16xf32>
        %add3A_594 = arith.addf %get3A_589, %get3A_593 : vector<16xf32>
        %swap3A_595 = arith.constant 2 : i32
        %swap3A_596 = arith.index_cast %swap3A_595 : i32 to index
        %swap3A_597 = arith.index_cast %add3A_565 : i32 to index
        %swap3A_598 = arith.constant 16 : index
        %swap3A_599 = tpu.vector_load %arg9[%swap3A_596, %swap3A_597, %swap3A_598] {strides = array<i32>} : memref<4x200x64xf32, #tpu.memory_space<vmem>>, vector<1x1x16xf32>,
        %swap3A_600 = vector.shape_cast %swap3A_599 : vector<1x1x16xf32> to vector<16xf32>
        %swap3A_601 = vector.shape_cast %add3A_594 : vector<16xf32> to vector<1x1x16xf32>
        tpu.vector_store %arg9[%swap3A_596, %swap3A_597, %swap3A_598], %swap3A_601 {strides = array<i32>} : memref<4x200x64xf32, #tpu.memory_space<vmem>>, vector<1x1x16xf32>,
        %get3A_602 = arith.constant 2 : i32
        %get3A_603 = arith.index_cast %get3A_602 : i32 to index
        %get3A_604 = arith.index_cast %add3A_565 : i32 to index
        %get3A_605 = arith.constant 32 : index
        %get3A_606 = tpu.vector_load %arg8[%get3A_603, %get3A_604, %get3A_605] {strides = array<i32>} : memref<4x200x64xf32, #tpu.memory_space<vmem>>, vector<1x1x16xf32>,
        %get3A_607 = vector.shape_cast %get3A_606 : vector<1x1x16xf32> to vector<16xf32>
        %get3A_608 = arith.index_cast %add3A_565 : i32 to index
        %get3A_609 = arith.constant 32 : index
        %get3A_610 = tpu.vector_load %arg7[%get3A_608, %get3A_609] {strides = array<i32>} : memref<200x64xf32, #tpu.memory_space<vmem>>, vector<1x16xf32>,
        %get3A_611 = vector.shape_cast %get3A_610 : vector<1x16xf32> to vector<16xf32>
        %add3A_612 = arith.addf %get3A_607, %get3A_611 : vector<16xf32>
        %swap3A_613 = arith.constant 2 : i32
        %swap3A_614 = arith.index_cast %swap3A_613 : i32 to index
        %swap3A_615 = arith.index_cast %add3A_565 : i32 to index
        %swap3A_616 = arith.constant 32 : index
        %swap3A_617 = tpu.vector_load %arg9[%swap3A_614, %swap3A_615, %swap3A_616] {strides = array<i32>} : memref<4x200x64xf32, #tpu.memory_space<vmem>>, vector<1x1x16xf32>,
        %swap3A_618 = vector.shape_cast %swap3A_617 : vector<1x1x16xf32> to vector<16xf32>
        %swap3A_619 = vector.shape_cast %add3A_612 : vector<16xf32> to vector<1x1x16xf32>
        tpu.vector_store %arg9[%swap3A_614, %swap3A_615, %swap3A_616], %swap3A_619 {strides = array<i32>} : memref<4x200x64xf32, #tpu.memory_space<vmem>>, vector<1x1x16xf32>,
        %get3A_620 = arith.constant 2 : i32
        %get3A_621 = arith.index_cast %get3A_620 : i32 to index
        %get3A_622 = arith.index_cast %add3A_565 : i32 to index
        %get3A_623 = arith.constant 48 : index
        %get3A_624 = tpu.vector_load %arg8[%get3A_621, %get3A_622, %get3A_623] {strides = array<i32>} : memref<4x200x64xf32, #tpu.memory_space<vmem>>, vector<1x1x16xf32>,
        %get3A_625 = vector.shape_cast %get3A_624 : vector<1x1x16xf32> to vector<16xf32>
        %get3A_626 = arith.index_cast %add3A_565 : i32 to index
        %get3A_627 = arith.constant 48 : index
        %get3A_628 = tpu.vector_load %arg7[%get3A_626, %get3A_627] {strides = array<i32>} : memref<200x64xf32, #tpu.memory_space<vmem>>, vector<1x16xf32>,
        %get3A_629 = vector.shape_cast %get3A_628 : vector<1x16xf32> to vector<16xf32>
        %add3A_630 = arith.addf %get3A_625, %get3A_629 : vector<16xf32>
        %swap3A_631 = arith.constant 2 : i32
        %swap3A_632 = arith.index_cast %swap3A_631 : i32 to index
        %swap3A_633 = arith.index_cast %add3A_565 : i32 to index
        %swap3A_634 = arith.constant 48 : index
        %swap3A_635 = tpu.vector_load %arg9[%swap3A_632, %swap3A_633, %swap3A_634] {strides = array<i32>} : memref<4x200x64xf32, #tpu.memory_space<vmem>>, vector<1x1x16xf32>,
        %swap3A_636 = vector.shape_cast %swap3A_635 : vector<1x1x16xf32> to vector<16xf32>
        %swap3A_637 = vector.shape_cast %add3A_630 : vector<16xf32> to vector<1x1x16xf32>
        tpu.vector_store %arg9[%swap3A_632, %swap3A_633, %swap3A_634], %swap3A_637 {strides = array<i32>} : memref<4x200x64xf32, #tpu.memory_space<vmem>>, vector<1x1x16xf32>,
      }
      %scan3A_258 = arith.constant 50 : i32
      %lt3A_259 = arith.constant 7 : i32
      %lt3A_260 = arith.cmpi slt, %scan3A_130, %lt3A_259 : i32
      %convert_element_type3A_261 = arith.extui %lt3A_260 : i1 to i32
      %cond3A_262 = arith.constant 0 : i32
      %cond3A_263 = arith.cmpi ne, %convert_element_type3A_261, %cond3A_262 : i32
      scf.if %cond3A_263 {
        %add3A_335 = arith.constant 4 : i32
        %add3A_336 = arith.addi %add3A_234, %add3A_335 : i32
        %mul3A_337 = arith.constant 200 : i32
        %mul3A_338 = arith.muli %add3A_336, %mul3A_337 : i32
        %dma_start3A_339 = arith.constant 2 : i32
        %dma_start3A_340 = arith.constant 2 : i32
        %dma_start3A_341 = arith.constant 0 : i32
        %dma_start3A_342 = arith.constant 0 : i32
        %dma_start3A_343 = tpu.memref_slice %arg8[%dma_start3A_339, %dma_start3A_341, %dma_start3A_342] : memref<4x200x64xf32, #tpu.memory_space<vmem>> -> memref<1x200x64xf32, #tpu.memory_space<vmem>>
        %dma_start3A_344 = tpu.memref_squeeze %dma_start3A_343 : memref<1x200x64xf32, #tpu.memory_space<vmem>> -> memref<200x64xf32, #tpu.memory_space<vmem>>
        %dma_start3A_345 = tpu.memref_slice %arg6[%mul3A_338] : memref<6400xi32, #tpu.memory_space<vmem>> -> memref<200xi32, #tpu.memory_space<vmem>>
        %dma_start3A_346 = arith.constant 0 : i32
        %dma_start3A_347 = arith.constant 0 : i32
        %dma_start3A_348 = tpu.memref_slice %arg3[%dma_start3A_346, %dma_start3A_347] : memref<1000000x64xf32, #tpu.memory_space<hbm>> -> memref<1000000x64xf32, #tpu.memory_space<hbm>>
        %dma_start3A_349 = tpu.memref_slice %arg10[%dma_start3A_340] : memref<4x!tpu.dma_semaphore, #tpu.memory_space<semaphore_mem>> -> memref<1x!tpu.dma_semaphore, #tpu.memory_space<semaphore_mem>>
        %dma_start3A_350 = tpu.memref_squeeze %dma_start3A_349 : memref<1x!tpu.dma_semaphore, #tpu.memory_space<semaphore_mem>> -> memref<!tpu.dma_semaphore, #tpu.memory_space<semaphore_mem>>
        tpu.enqueue_indirect_dma source(%dma_start3A_348 : memref<1000000x64xf32, #tpu.memory_space<hbm>>) target(%dma_start3A_344 : memref<200x64xf32, #tpu.memory_space<vmem>>) offsets(%dma_start3A_345 : memref<200xi32, #tpu.memory_space<vmem>>) semaphore(%dma_start3A_350 : memref<!tpu.dma_semaphore, #tpu.memory_space<semaphore_mem>>)
      } else {
      }
      %mul3A_264 = arith.constant 200 : i32
      %mul3A_265 = arith.muli %add3A_234, %mul3A_264 : i32
      %add3A_266 = arith.addi %mul3A_2, %mul3A_265 : i32
      %dma_start3A_267 = arith.constant 2 : i32
      %dma_start3A_268 = arith.constant 2 : i32
      %dma_start3A_269 = arith.constant 0 : i32
      %dma_start3A_270 = arith.constant 0 : i32
      %dma_start3A_271 = tpu.memref_slice %arg9[%dma_start3A_267, %dma_start3A_269, %dma_start3A_270] : memref<4x200x64xf32, #tpu.memory_space<vmem>> -> memref<1x200x64xf32, #tpu.memory_space<vmem>>
      %dma_start3A_272 = tpu.memref_squeeze %dma_start3A_271 : memref<1x200x64xf32, #tpu.memory_space<vmem>> -> memref<200x64xf32, #tpu.memory_space<vmem>>
      %dma_start3A_273 = arith.constant 0 : i32
      %dma_start3A_274 = tpu.memref_slice %arg5[%add3A_266, %dma_start3A_273] : memref<204800x64xf32, #tpu.memory_space<hbm>> -> memref<200x64xf32, #tpu.memory_space<hbm>>
      %dma_start3A_275 = tpu.memref_slice %arg11[%dma_start3A_268] : memref<4x!tpu.dma_semaphore, #tpu.memory_space<semaphore_mem>> -> memref<1x!tpu.dma_semaphore, #tpu.memory_space<semaphore_mem>>
      %dma_start3A_276 = tpu.memref_squeeze %dma_start3A_275 : memref<1x!tpu.dma_semaphore, #tpu.memory_space<semaphore_mem>> -> memref<!tpu.dma_semaphore, #tpu.memory_space<semaphore_mem>>
      %dma_start3A_277 = arith.constant 0 : i32
      %dma_start3A_278 = tpu.memref_slice %arg5[%add3A_266, %dma_start3A_277] : memref<204800x64xf32, #tpu.memory_space<hbm>> -> memref<200x64xf32, #tpu.memory_space<hbm>>
      %dma_start3A_279 = arith.constant 0 : i32
      %dma_start3A_280 = arith.constant 0 : i32
      %dma_start3A_281 = tpu.memref_slice %arg9[%dma_start3A_267, %dma_start3A_279, %dma_start3A_280] : memref<4x200x64xf32, #tpu.memory_space<vmem>> -> memref<1x200x64xf32, #tpu.memory_space<vmem>>
      %dma_start3A_282 = tpu.memref_squeeze %dma_start3A_281 : memref<1x200x64xf32, #tpu.memory_space<vmem>> -> memref<200x64xf32, #tpu.memory_space<vmem>>
      tpu.enqueue_dma source(%dma_start3A_282 : memref<200x64xf32, #tpu.memory_space<vmem>>) target(%dma_start3A_278 : memref<200x64xf32, #tpu.memory_space<hbm>>) target_semaphore(%dma_start3A_276 : memref<!tpu.dma_semaphore, #tpu.memory_space<semaphore_mem>>)
      %mul3A_283 = arith.constant 4 : i32
      %mul3A_284 = arith.muli %scan3A_130, %mul3A_283 : i32
      %add3A_285 = arith.constant 3 : i32
      %add3A_286 = arith.addi %mul3A_284, %add3A_285 : i32
      %dma_wait3A_287 = arith.constant 3 : i32
      %dma_wait3A_288 = arith.constant 3 : i32
      %dma_wait3A_289 = arith.constant 0 : i32
      %dma_wait3A_290 = arith.constant 0 : i32
      %dma_wait3A_291 = tpu.memref_slice %arg8[%dma_wait3A_287, %dma_wait3A_289, %dma_wait3A_290] : memref<4x200x64xf32, #tpu.memory_space<vmem>> -> memref<1x200x64xf32, #tpu.memory_space<vmem>>
      %dma_wait3A_292 = tpu.memref_squeeze %dma_wait3A_291 : memref<1x200x64xf32, #tpu.memory_space<vmem>> -> memref<200x64xf32, #tpu.memory_space<vmem>>
      %dma_wait3A_293 = arith.constant 0 : i32
      %dma_wait3A_294 = tpu.memref_slice %arg6[%dma_wait3A_293] : memref<6400xi32, #tpu.memory_space<vmem>> -> memref<200xi32, #tpu.memory_space<vmem>>
      %dma_wait3A_295 = arith.constant 0 : i32
      %dma_wait3A_296 = arith.constant 0 : i32
      %dma_wait3A_297 = tpu.memref_slice %arg3[%dma_wait3A_295, %dma_wait3A_296] : memref<1000000x64xf32, #tpu.memory_space<hbm>> -> memref<1000000x64xf32, #tpu.memory_space<hbm>>
      %dma_wait3A_298 = tpu.memref_slice %arg10[%dma_wait3A_288] : memref<4x!tpu.dma_semaphore, #tpu.memory_space<semaphore_mem>> -> memref<1x!tpu.dma_semaphore, #tpu.memory_space<semaphore_mem>>
      %dma_wait3A_299 = tpu.memref_squeeze %dma_wait3A_298 : memref<1x!tpu.dma_semaphore, #tpu.memory_space<semaphore_mem>> -> memref<!tpu.dma_semaphore, #tpu.memory_space<semaphore_mem>>
      tpu.wait_indirect_dma semaphore(%dma_wait3A_299 : memref<!tpu.dma_semaphore, #tpu.memory_space<semaphore_mem>>) src(%dma_wait3A_297 : memref<1000000x64xf32, #tpu.memory_space<hbm>>) dst(%dma_wait3A_292 : memref<200x64xf32, #tpu.memory_space<vmem>>)
      %gt3A_300 = arith.constant 0 : i32
      %gt3A_301 = arith.cmpi sgt, %scan3A_130, %gt3A_300 : i32
      %convert_element_type3A_302 = arith.extui %gt3A_301 : i1 to i32
      %cond3A_303 = arith.constant 0 : i32
      %cond3A_304 = arith.cmpi ne, %convert_element_type3A_302, %cond3A_303 : i32
      scf.if %cond3A_304 {
        %dma_wait3A_335 = arith.constant 3 : i32
        %dma_wait3A_336 = arith.constant 3 : i32
        %dma_wait3A_337 = arith.constant 0 : i32
        %dma_wait3A_338 = arith.constant 0 : i32
        %dma_wait3A_339 = tpu.memref_slice %arg9[%dma_wait3A_335, %dma_wait3A_337, %dma_wait3A_338] : memref<4x200x64xf32, #tpu.memory_space<vmem>> -> memref<1x200x64xf32, #tpu.memory_space<vmem>>
        %dma_wait3A_340 = tpu.memref_squeeze %dma_wait3A_339 : memref<1x200x64xf32, #tpu.memory_space<vmem>> -> memref<200x64xf32, #tpu.memory_space<vmem>>
        %dma_wait3A_341 = arith.constant 0 : i32
        %dma_wait3A_342 = arith.constant 0 : i32
        %dma_wait3A_343 = tpu.memref_slice %arg5[%dma_wait3A_341, %dma_wait3A_342] : memref<204800x64xf32, #tpu.memory_space<hbm>> -> memref<200x64xf32, #tpu.memory_space<hbm>>
        %dma_wait3A_344 = tpu.memref_slice %arg11[%dma_wait3A_336] : memref<4x!tpu.dma_semaphore, #tpu.memory_space<semaphore_mem>> -> memref<1x!tpu.dma_semaphore, #tpu.memory_space<semaphore_mem>>
        %dma_wait3A_345 = tpu.memref_squeeze %dma_wait3A_344 : memref<1x!tpu.dma_semaphore, #tpu.memory_space<semaphore_mem>> -> memref<!tpu.dma_semaphore, #tpu.memory_space<semaphore_mem>>
        %dma_wait3A_346 = arith.constant 0 : i32
        %dma_wait3A_347 = arith.constant 0 : i32
        %dma_wait3A_348 = tpu.memref_slice %arg5[%dma_wait3A_346, %dma_wait3A_347] : memref<204800x64xf32, #tpu.memory_space<hbm>> -> memref<200x64xf32, #tpu.memory_space<hbm>>
        %dma_wait3A_349 = arith.constant 0 : i32
        %dma_wait3A_350 = arith.constant 0 : i32
        %dma_wait3A_351 = tpu.memref_slice %arg9[%dma_wait3A_335, %dma_wait3A_349, %dma_wait3A_350] : memref<4x200x64xf32, #tpu.memory_space<vmem>> -> memref<1x200x64xf32, #tpu.memory_space<vmem>>
        %dma_wait3A_352 = tpu.memref_squeeze %dma_wait3A_351 : memref<1x200x64xf32, #tpu.memory_space<vmem>> -> memref<200x64xf32, #tpu.memory_space<vmem>>
        tpu.wait_dma2 semaphore(%dma_wait3A_345 : memref<!tpu.dma_semaphore, #tpu.memory_space<semaphore_mem>>) src(%dma_wait3A_352 : memref<200x64xf32, #tpu.memory_space<vmem>>) dst(%dma_wait3A_348 : memref<200x64xf32, #tpu.memory_space<hbm>>)
      } else {
      }
      %scan3A_305 = arith.constant 0 : i32
      %scan3A_306 = arith.constant 0 : i32
      %scan3A_307 = arith.constant 50 : i32
      %scan3A_308 = arith.addi %scan3A_306, %scan3A_307 : i32
      %scan3A_309 = arith.constant 1 : i32
      scf.for %scan3A_335 = %scan3A_306 to %scan3A_308 step %scan3A_309  : i32 {
        %mul3A_336 = arith.constant 4 : i32
        %mul3A_337 = arith.muli %scan3A_335, %mul3A_336 : i32
        %add3A_338 = arith.constant 0 : i32
        %add3A_339 = arith.addi %mul3A_337, %add3A_338 : i32
        %get3A = arith.constant 3 : i32
        %get3A_340 = arith.index_cast %get3A : i32 to index
        %get3A_341 = arith.index_cast %add3A_339 : i32 to index
        %get3A_342 = arith.constant 0 : index
        %get3A_343 = tpu.vector_load %arg8[%get3A_340, %get3A_341, %get3A_342] {strides = array<i32>} : memref<4x200x64xf32, #tpu.memory_space<vmem>>, vector<1x1x16xf32>,
        %get3A_344 = vector.shape_cast %get3A_343 : vector<1x1x16xf32> to vector<16xf32>
        %get3A_345 = arith.index_cast %add3A_339 : i32 to index
        %get3A_346 = arith.constant 0 : index
        %get3A_347 = tpu.vector_load %arg7[%get3A_345, %get3A_346] {strides = array<i32>} : memref<200x64xf32, #tpu.memory_space<vmem>>, vector<1x16xf32>,
        %get3A_348 = vector.shape_cast %get3A_347 : vector<1x16xf32> to vector<16xf32>
        %add3A_349 = arith.addf %get3A_344, %get3A_348 : vector<16xf32>
        %swap3A = arith.constant 3 : i32
        %swap3A_350 = arith.index_cast %swap3A : i32 to index
        %swap3A_351 = arith.index_cast %add3A_339 : i32 to index
        %swap3A_352 = arith.constant 0 : index
        %swap3A_353 = tpu.vector_load %arg9[%swap3A_350, %swap3A_351, %swap3A_352] {strides = array<i32>} : memref<4x200x64xf32, #tpu.memory_space<vmem>>, vector<1x1x16xf32>,
        %swap3A_354 = vector.shape_cast %swap3A_353 : vector<1x1x16xf32> to vector<16xf32>
        %swap3A_355 = vector.shape_cast %add3A_349 : vector<16xf32> to vector<1x1x16xf32>
        tpu.vector_store %arg9[%swap3A_350, %swap3A_351, %swap3A_352], %swap3A_355 {strides = array<i32>} : memref<4x200x64xf32, #tpu.memory_space<vmem>>, vector<1x1x16xf32>,
        %get3A_356 = arith.constant 3 : i32
        %get3A_357 = arith.index_cast %get3A_356 : i32 to index
        %get3A_358 = arith.index_cast %add3A_339 : i32 to index
        %get3A_359 = arith.constant 16 : index
        %get3A_360 = tpu.vector_load %arg8[%get3A_357, %get3A_358, %get3A_359] {strides = array<i32>} : memref<4x200x64xf32, #tpu.memory_space<vmem>>, vector<1x1x16xf32>,
        %get3A_361 = vector.shape_cast %get3A_360 : vector<1x1x16xf32> to vector<16xf32>
        %get3A_362 = arith.index_cast %add3A_339 : i32 to index
        %get3A_363 = arith.constant 16 : index
        %get3A_364 = tpu.vector_load %arg7[%get3A_362, %get3A_363] {strides = array<i32>} : memref<200x64xf32, #tpu.memory_space<vmem>>, vector<1x16xf32>,
        %get3A_365 = vector.shape_cast %get3A_364 : vector<1x16xf32> to vector<16xf32>
        %add3A_366 = arith.addf %get3A_361, %get3A_365 : vector<16xf32>
        %swap3A_367 = arith.constant 3 : i32
        %swap3A_368 = arith.index_cast %swap3A_367 : i32 to index
        %swap3A_369 = arith.index_cast %add3A_339 : i32 to index
        %swap3A_370 = arith.constant 16 : index
        %swap3A_371 = tpu.vector_load %arg9[%swap3A_368, %swap3A_369, %swap3A_370] {strides = array<i32>} : memref<4x200x64xf32, #tpu.memory_space<vmem>>, vector<1x1x16xf32>,
        %swap3A_372 = vector.shape_cast %swap3A_371 : vector<1x1x16xf32> to vector<16xf32>
        %swap3A_373 = vector.shape_cast %add3A_366 : vector<16xf32> to vector<1x1x16xf32>
        tpu.vector_store %arg9[%swap3A_368, %swap3A_369, %swap3A_370], %swap3A_373 {strides = array<i32>} : memref<4x200x64xf32, #tpu.memory_space<vmem>>, vector<1x1x16xf32>,
        %get3A_374 = arith.constant 3 : i32
        %get3A_375 = arith.index_cast %get3A_374 : i32 to index
        %get3A_376 = arith.index_cast %add3A_339 : i32 to index
        %get3A_377 = arith.constant 32 : index
        %get3A_378 = tpu.vector_load %arg8[%get3A_375, %get3A_376, %get3A_377] {strides = array<i32>} : memref<4x200x64xf32, #tpu.memory_space<vmem>>, vector<1x1x16xf32>,
        %get3A_379 = vector.shape_cast %get3A_378 : vector<1x1x16xf32> to vector<16xf32>
        %get3A_380 = arith.index_cast %add3A_339 : i32 to index
        %get3A_381 = arith.constant 32 : index
        %get3A_382 = tpu.vector_load %arg7[%get3A_380, %get3A_381] {strides = array<i32>} : memref<200x64xf32, #tpu.memory_space<vmem>>, vector<1x16xf32>,
        %get3A_383 = vector.shape_cast %get3A_382 : vector<1x16xf32> to vector<16xf32>
        %add3A_384 = arith.addf %get3A_379, %get3A_383 : vector<16xf32>
        %swap3A_385 = arith.constant 3 : i32
        %swap3A_386 = arith.index_cast %swap3A_385 : i32 to index
        %swap3A_387 = arith.index_cast %add3A_339 : i32 to index
        %swap3A_388 = arith.constant 32 : index
        %swap3A_389 = tpu.vector_load %arg9[%swap3A_386, %swap3A_387, %swap3A_388] {strides = array<i32>} : memref<4x200x64xf32, #tpu.memory_space<vmem>>, vector<1x1x16xf32>,
        %swap3A_390 = vector.shape_cast %swap3A_389 : vector<1x1x16xf32> to vector<16xf32>
        %swap3A_391 = vector.shape_cast %add3A_384 : vector<16xf32> to vector<1x1x16xf32>
        tpu.vector_store %arg9[%swap3A_386, %swap3A_387, %swap3A_388], %swap3A_391 {strides = array<i32>} : memref<4x200x64xf32, #tpu.memory_space<vmem>>, vector<1x1x16xf32>,
        %get3A_392 = arith.constant 3 : i32
        %get3A_393 = arith.index_cast %get3A_392 : i32 to index
        %get3A_394 = arith.index_cast %add3A_339 : i32 to index
        %get3A_395 = arith.constant 48 : index
        %get3A_396 = tpu.vector_load %arg8[%get3A_393, %get3A_394, %get3A_395] {strides = array<i32>} : memref<4x200x64xf32, #tpu.memory_space<vmem>>, vector<1x1x16xf32>,
        %get3A_397 = vector.shape_cast %get3A_396 : vector<1x1x16xf32> to vector<16xf32>
        %get3A_398 = arith.index_cast %add3A_339 : i32 to index
        %get3A_399 = arith.constant 48 : index
        %get3A_400 = tpu.vector_load %arg7[%get3A_398, %get3A_399] {strides = array<i32>} : memref<200x64xf32, #tpu.memory_space<vmem>>, vector<1x16xf32>,
        %get3A_401 = vector.shape_cast %get3A_400 : vector<1x16xf32> to vector<16xf32>
        %add3A_402 = arith.addf %get3A_397, %get3A_401 : vector<16xf32>
        %swap3A_403 = arith.constant 3 : i32
        %swap3A_404 = arith.index_cast %swap3A_403 : i32 to index
        %swap3A_405 = arith.index_cast %add3A_339 : i32 to index
        %swap3A_406 = arith.constant 48 : index
        %swap3A_407 = tpu.vector_load %arg9[%swap3A_404, %swap3A_405, %swap3A_406] {strides = array<i32>} : memref<4x200x64xf32, #tpu.memory_space<vmem>>, vector<1x1x16xf32>,
        %swap3A_408 = vector.shape_cast %swap3A_407 : vector<1x1x16xf32> to vector<16xf32>
        %swap3A_409 = vector.shape_cast %add3A_402 : vector<16xf32> to vector<1x1x16xf32>
        tpu.vector_store %arg9[%swap3A_404, %swap3A_405, %swap3A_406], %swap3A_409 {strides = array<i32>} : memref<4x200x64xf32, #tpu.memory_space<vmem>>, vector<1x1x16xf32>,
        %mul3A_410 = arith.constant 4 : i32
        %mul3A_411 = arith.muli %scan3A_335, %mul3A_410 : i32
        %add3A_412 = arith.constant 1 : i32
        %add3A_413 = arith.addi %mul3A_411, %add3A_412 : i32
        %get3A_414 = arith.constant 3 : i32
        %get3A_415 = arith.index_cast %get3A_414 : i32 to index
        %get3A_416 = arith.index_cast %add3A_413 : i32 to index
        %get3A_417 = arith.constant 0 : index
        %get3A_418 = tpu.vector_load %arg8[%get3A_415, %get3A_416, %get3A_417] {strides = array<i32>} : memref<4x200x64xf32, #tpu.memory_space<vmem>>, vector<1x1x16xf32>,
        %get3A_419 = vector.shape_cast %get3A_418 : vector<1x1x16xf32> to vector<16xf32>
        %get3A_420 = arith.index_cast %add3A_413 : i32 to index
        %get3A_421 = arith.constant 0 : index
        %get3A_422 = tpu.vector_load %arg7[%get3A_420, %get3A_421] {strides = array<i32>} : memref<200x64xf32, #tpu.memory_space<vmem>>, vector<1x16xf32>,
        %get3A_423 = vector.shape_cast %get3A_422 : vector<1x16xf32> to vector<16xf32>
        %add3A_424 = arith.addf %get3A_419, %get3A_423 : vector<16xf32>
        %swap3A_425 = arith.constant 3 : i32
        %swap3A_426 = arith.index_cast %swap3A_425 : i32 to index
        %swap3A_427 = arith.index_cast %add3A_413 : i32 to index
        %swap3A_428 = arith.constant 0 : index
        %swap3A_429 = tpu.vector_load %arg9[%swap3A_426, %swap3A_427, %swap3A_428] {strides = array<i32>} : memref<4x200x64xf32, #tpu.memory_space<vmem>>, vector<1x1x16xf32>,
        %swap3A_430 = vector.shape_cast %swap3A_429 : vector<1x1x16xf32> to vector<16xf32>
        %swap3A_431 = vector.shape_cast %add3A_424 : vector<16xf32> to vector<1x1x16xf32>
        tpu.vector_store %arg9[%swap3A_426, %swap3A_427, %swap3A_428], %swap3A_431 {strides = array<i32>} : memref<4x200x64xf32, #tpu.memory_space<vmem>>, vector<1x1x16xf32>,
        %get3A_432 = arith.constant 3 : i32
        %get3A_433 = arith.index_cast %get3A_432 : i32 to index
        %get3A_434 = arith.index_cast %add3A_413 : i32 to index
        %get3A_435 = arith.constant 16 : index
        %get3A_436 = tpu.vector_load %arg8[%get3A_433, %get3A_434, %get3A_435] {strides = array<i32>} : memref<4x200x64xf32, #tpu.memory_space<vmem>>, vector<1x1x16xf32>,
        %get3A_437 = vector.shape_cast %get3A_436 : vector<1x1x16xf32> to vector<16xf32>
        %get3A_438 = arith.index_cast %add3A_413 : i32 to index
        %get3A_439 = arith.constant 16 : index
        %get3A_440 = tpu.vector_load %arg7[%get3A_438, %get3A_439] {strides = array<i32>} : memref<200x64xf32, #tpu.memory_space<vmem>>, vector<1x16xf32>,
        %get3A_441 = vector.shape_cast %get3A_440 : vector<1x16xf32> to vector<16xf32>
        %add3A_442 = arith.addf %get3A_437, %get3A_441 : vector<16xf32>
        %swap3A_443 = arith.constant 3 : i32
        %swap3A_444 = arith.index_cast %swap3A_443 : i32 to index
        %swap3A_445 = arith.index_cast %add3A_413 : i32 to index
        %swap3A_446 = arith.constant 16 : index
        %swap3A_447 = tpu.vector_load %arg9[%swap3A_444, %swap3A_445, %swap3A_446] {strides = array<i32>} : memref<4x200x64xf32, #tpu.memory_space<vmem>>, vector<1x1x16xf32>,
        %swap3A_448 = vector.shape_cast %swap3A_447 : vector<1x1x16xf32> to vector<16xf32>
        %swap3A_449 = vector.shape_cast %add3A_442 : vector<16xf32> to vector<1x1x16xf32>
        tpu.vector_store %arg9[%swap3A_444, %swap3A_445, %swap3A_446], %swap3A_449 {strides = array<i32>} : memref<4x200x64xf32, #tpu.memory_space<vmem>>, vector<1x1x16xf32>,
        %get3A_450 = arith.constant 3 : i32
        %get3A_451 = arith.index_cast %get3A_450 : i32 to index
        %get3A_452 = arith.index_cast %add3A_413 : i32 to index
        %get3A_453 = arith.constant 32 : index
        %get3A_454 = tpu.vector_load %arg8[%get3A_451, %get3A_452, %get3A_453] {strides = array<i32>} : memref<4x200x64xf32, #tpu.memory_space<vmem>>, vector<1x1x16xf32>,
        %get3A_455 = vector.shape_cast %get3A_454 : vector<1x1x16xf32> to vector<16xf32>
        %get3A_456 = arith.index_cast %add3A_413 : i32 to index
        %get3A_457 = arith.constant 32 : index
        %get3A_458 = tpu.vector_load %arg7[%get3A_456, %get3A_457] {strides = array<i32>} : memref<200x64xf32, #tpu.memory_space<vmem>>, vector<1x16xf32>,
        %get3A_459 = vector.shape_cast %get3A_458 : vector<1x16xf32> to vector<16xf32>
        %add3A_460 = arith.addf %get3A_455, %get3A_459 : vector<16xf32>
        %swap3A_461 = arith.constant 3 : i32
        %swap3A_462 = arith.index_cast %swap3A_461 : i32 to index
        %swap3A_463 = arith.index_cast %add3A_413 : i32 to index
        %swap3A_464 = arith.constant 32 : index
        %swap3A_465 = tpu.vector_load %arg9[%swap3A_462, %swap3A_463, %swap3A_464] {strides = array<i32>} : memref<4x200x64xf32, #tpu.memory_space<vmem>>, vector<1x1x16xf32>,
        %swap3A_466 = vector.shape_cast %swap3A_465 : vector<1x1x16xf32> to vector<16xf32>
        %swap3A_467 = vector.shape_cast %add3A_460 : vector<16xf32> to vector<1x1x16xf32>
        tpu.vector_store %arg9[%swap3A_462, %swap3A_463, %swap3A_464], %swap3A_467 {strides = array<i32>} : memref<4x200x64xf32, #tpu.memory_space<vmem>>, vector<1x1x16xf32>,
        %get3A_468 = arith.constant 3 : i32
        %get3A_469 = arith.index_cast %get3A_468 : i32 to index
        %get3A_470 = arith.index_cast %add3A_413 : i32 to index
        %get3A_471 = arith.constant 48 : index
        %get3A_472 = tpu.vector_load %arg8[%get3A_469, %get3A_470, %get3A_471] {strides = array<i32>} : memref<4x200x64xf32, #tpu.memory_space<vmem>>, vector<1x1x16xf32>,
        %get3A_473 = vector.shape_cast %get3A_472 : vector<1x1x16xf32> to vector<16xf32>
        %get3A_474 = arith.index_cast %add3A_413 : i32 to index
        %get3A_475 = arith.constant 48 : index
        %get3A_476 = tpu.vector_load %arg7[%get3A_474, %get3A_475] {strides = array<i32>} : memref<200x64xf32, #tpu.memory_space<vmem>>, vector<1x16xf32>,
        %get3A_477 = vector.shape_cast %get3A_476 : vector<1x16xf32> to vector<16xf32>
        %add3A_478 = arith.addf %get3A_473, %get3A_477 : vector<16xf32>
        %swap3A_479 = arith.constant 3 : i32
        %swap3A_480 = arith.index_cast %swap3A_479 : i32 to index
        %swap3A_481 = arith.index_cast %add3A_413 : i32 to index
        %swap3A_482 = arith.constant 48 : index
        %swap3A_483 = tpu.vector_load %arg9[%swap3A_480, %swap3A_481, %swap3A_482] {strides = array<i32>} : memref<4x200x64xf32, #tpu.memory_space<vmem>>, vector<1x1x16xf32>,
        %swap3A_484 = vector.shape_cast %swap3A_483 : vector<1x1x16xf32> to vector<16xf32>
        %swap3A_485 = vector.shape_cast %add3A_478 : vector<16xf32> to vector<1x1x16xf32>
        tpu.vector_store %arg9[%swap3A_480, %swap3A_481, %swap3A_482], %swap3A_485 {strides = array<i32>} : memref<4x200x64xf32, #tpu.memory_space<vmem>>, vector<1x1x16xf32>,
        %mul3A_486 = arith.constant 4 : i32
        %mul3A_487 = arith.muli %scan3A_335, %mul3A_486 : i32
        %add3A_488 = arith.constant 2 : i32
        %add3A_489 = arith.addi %mul3A_487, %add3A_488 : i32
        %get3A_490 = arith.constant 3 : i32
        %get3A_491 = arith.index_cast %get3A_490 : i32 to index
        %get3A_492 = arith.index_cast %add3A_489 : i32 to index
        %get3A_493 = arith.constant 0 : index
        %get3A_494 = tpu.vector_load %arg8[%get3A_491, %get3A_492, %get3A_493] {strides = array<i32>} : memref<4x200x64xf32, #tpu.memory_space<vmem>>, vector<1x1x16xf32>,
        %get3A_495 = vector.shape_cast %get3A_494 : vector<1x1x16xf32> to vector<16xf32>
        %get3A_496 = arith.index_cast %add3A_489 : i32 to index
        %get3A_497 = arith.constant 0 : index
        %get3A_498 = tpu.vector_load %arg7[%get3A_496, %get3A_497] {strides = array<i32>} : memref<200x64xf32, #tpu.memory_space<vmem>>, vector<1x16xf32>,
        %get3A_499 = vector.shape_cast %get3A_498 : vector<1x16xf32> to vector<16xf32>
        %add3A_500 = arith.addf %get3A_495, %get3A_499 : vector<16xf32>
        %swap3A_501 = arith.constant 3 : i32
        %swap3A_502 = arith.index_cast %swap3A_501 : i32 to index
        %swap3A_503 = arith.index_cast %add3A_489 : i32 to index
        %swap3A_504 = arith.constant 0 : index
        %swap3A_505 = tpu.vector_load %arg9[%swap3A_502, %swap3A_503, %swap3A_504] {strides = array<i32>} : memref<4x200x64xf32, #tpu.memory_space<vmem>>, vector<1x1x16xf32>,
        %swap3A_506 = vector.shape_cast %swap3A_505 : vector<1x1x16xf32> to vector<16xf32>
        %swap3A_507 = vector.shape_cast %add3A_500 : vector<16xf32> to vector<1x1x16xf32>
        tpu.vector_store %arg9[%swap3A_502, %swap3A_503, %swap3A_504], %swap3A_507 {strides = array<i32>} : memref<4x200x64xf32, #tpu.memory_space<vmem>>, vector<1x1x16xf32>,
        %get3A_508 = arith.constant 3 : i32
        %get3A_509 = arith.index_cast %get3A_508 : i32 to index
        %get3A_510 = arith.index_cast %add3A_489 : i32 to index
        %get3A_511 = arith.constant 16 : index
        %get3A_512 = tpu.vector_load %arg8[%get3A_509, %get3A_510, %get3A_511] {strides = array<i32>} : memref<4x200x64xf32, #tpu.memory_space<vmem>>, vector<1x1x16xf32>,
        %get3A_513 = vector.shape_cast %get3A_512 : vector<1x1x16xf32> to vector<16xf32>
        %get3A_514 = arith.index_cast %add3A_489 : i32 to index
        %get3A_515 = arith.constant 16 : index
        %get3A_516 = tpu.vector_load %arg7[%get3A_514, %get3A_515] {strides = array<i32>} : memref<200x64xf32, #tpu.memory_space<vmem>>, vector<1x16xf32>,
        %get3A_517 = vector.shape_cast %get3A_516 : vector<1x16xf32> to vector<16xf32>
        %add3A_518 = arith.addf %get3A_513, %get3A_517 : vector<16xf32>
        %swap3A_519 = arith.constant 3 : i32
        %swap3A_520 = arith.index_cast %swap3A_519 : i32 to index
        %swap3A_521 = arith.index_cast %add3A_489 : i32 to index
        %swap3A_522 = arith.constant 16 : index
        %swap3A_523 = tpu.vector_load %arg9[%swap3A_520, %swap3A_521, %swap3A_522] {strides = array<i32>} : memref<4x200x64xf32, #tpu.memory_space<vmem>>, vector<1x1x16xf32>,
        %swap3A_524 = vector.shape_cast %swap3A_523 : vector<1x1x16xf32> to vector<16xf32>
        %swap3A_525 = vector.shape_cast %add3A_518 : vector<16xf32> to vector<1x1x16xf32>
        tpu.vector_store %arg9[%swap3A_520, %swap3A_521, %swap3A_522], %swap3A_525 {strides = array<i32>} : memref<4x200x64xf32, #tpu.memory_space<vmem>>, vector<1x1x16xf32>,
        %get3A_526 = arith.constant 3 : i32
        %get3A_527 = arith.index_cast %get3A_526 : i32 to index
        %get3A_528 = arith.index_cast %add3A_489 : i32 to index
        %get3A_529 = arith.constant 32 : index
        %get3A_530 = tpu.vector_load %arg8[%get3A_527, %get3A_528, %get3A_529] {strides = array<i32>} : memref<4x200x64xf32, #tpu.memory_space<vmem>>, vector<1x1x16xf32>,
        %get3A_531 = vector.shape_cast %get3A_530 : vector<1x1x16xf32> to vector<16xf32>
        %get3A_532 = arith.index_cast %add3A_489 : i32 to index
        %get3A_533 = arith.constant 32 : index
        %get3A_534 = tpu.vector_load %arg7[%get3A_532, %get3A_533] {strides = array<i32>} : memref<200x64xf32, #tpu.memory_space<vmem>>, vector<1x16xf32>,
        %get3A_535 = vector.shape_cast %get3A_534 : vector<1x16xf32> to vector<16xf32>
        %add3A_536 = arith.addf %get3A_531, %get3A_535 : vector<16xf32>
        %swap3A_537 = arith.constant 3 : i32
        %swap3A_538 = arith.index_cast %swap3A_537 : i32 to index
        %swap3A_539 = arith.index_cast %add3A_489 : i32 to index
        %swap3A_540 = arith.constant 32 : index
        %swap3A_541 = tpu.vector_load %arg9[%swap3A_538, %swap3A_539, %swap3A_540] {strides = array<i32>} : memref<4x200x64xf32, #tpu.memory_space<vmem>>, vector<1x1x16xf32>,
        %swap3A_542 = vector.shape_cast %swap3A_541 : vector<1x1x16xf32> to vector<16xf32>
        %swap3A_543 = vector.shape_cast %add3A_536 : vector<16xf32> to vector<1x1x16xf32>
        tpu.vector_store %arg9[%swap3A_538, %swap3A_539, %swap3A_540], %swap3A_543 {strides = array<i32>} : memref<4x200x64xf32, #tpu.memory_space<vmem>>, vector<1x1x16xf32>,
        %get3A_544 = arith.constant 3 : i32
        %get3A_545 = arith.index_cast %get3A_544 : i32 to index
        %get3A_546 = arith.index_cast %add3A_489 : i32 to index
        %get3A_547 = arith.constant 48 : index
        %get3A_548 = tpu.vector_load %arg8[%get3A_545, %get3A_546, %get3A_547] {strides = array<i32>} : memref<4x200x64xf32, #tpu.memory_space<vmem>>, vector<1x1x16xf32>,
        %get3A_549 = vector.shape_cast %get3A_548 : vector<1x1x16xf32> to vector<16xf32>
        %get3A_550 = arith.index_cast %add3A_489 : i32 to index
        %get3A_551 = arith.constant 48 : index
        %get3A_552 = tpu.vector_load %arg7[%get3A_550, %get3A_551] {strides = array<i32>} : memref<200x64xf32, #tpu.memory_space<vmem>>, vector<1x16xf32>,
        %get3A_553 = vector.shape_cast %get3A_552 : vector<1x16xf32> to vector<16xf32>
        %add3A_554 = arith.addf %get3A_549, %get3A_553 : vector<16xf32>
        %swap3A_555 = arith.constant 3 : i32
        %swap3A_556 = arith.index_cast %swap3A_555 : i32 to index
        %swap3A_557 = arith.index_cast %add3A_489 : i32 to index
        %swap3A_558 = arith.constant 48 : index
        %swap3A_559 = tpu.vector_load %arg9[%swap3A_556, %swap3A_557, %swap3A_558] {strides = array<i32>} : memref<4x200x64xf32, #tpu.memory_space<vmem>>, vector<1x1x16xf32>,
        %swap3A_560 = vector.shape_cast %swap3A_559 : vector<1x1x16xf32> to vector<16xf32>
        %swap3A_561 = vector.shape_cast %add3A_554 : vector<16xf32> to vector<1x1x16xf32>
        tpu.vector_store %arg9[%swap3A_556, %swap3A_557, %swap3A_558], %swap3A_561 {strides = array<i32>} : memref<4x200x64xf32, #tpu.memory_space<vmem>>, vector<1x1x16xf32>,
        %mul3A_562 = arith.constant 4 : i32
        %mul3A_563 = arith.muli %scan3A_335, %mul3A_562 : i32
        %add3A_564 = arith.constant 3 : i32
        %add3A_565 = arith.addi %mul3A_563, %add3A_564 : i32
        %get3A_566 = arith.constant 3 : i32
        %get3A_567 = arith.index_cast %get3A_566 : i32 to index
        %get3A_568 = arith.index_cast %add3A_565 : i32 to index
        %get3A_569 = arith.constant 0 : index
        %get3A_570 = tpu.vector_load %arg8[%get3A_567, %get3A_568, %get3A_569] {strides = array<i32>} : memref<4x200x64xf32, #tpu.memory_space<vmem>>, vector<1x1x16xf32>,
        %get3A_571 = vector.shape_cast %get3A_570 : vector<1x1x16xf32> to vector<16xf32>
        %get3A_572 = arith.index_cast %add3A_565 : i32 to index
        %get3A_573 = arith.constant 0 : index
        %get3A_574 = tpu.vector_load %arg7[%get3A_572, %get3A_573] {strides = array<i32>} : memref<200x64xf32, #tpu.memory_space<vmem>>, vector<1x16xf32>,
        %get3A_575 = vector.shape_cast %get3A_574 : vector<1x16xf32> to vector<16xf32>
        %add3A_576 = arith.addf %get3A_571, %get3A_575 : vector<16xf32>
        %swap3A_577 = arith.constant 3 : i32
        %swap3A_578 = arith.index_cast %swap3A_577 : i32 to index
        %swap3A_579 = arith.index_cast %add3A_565 : i32 to index
        %swap3A_580 = arith.constant 0 : index
        %swap3A_581 = tpu.vector_load %arg9[%swap3A_578, %swap3A_579, %swap3A_580] {strides = array<i32>} : memref<4x200x64xf32, #tpu.memory_space<vmem>>, vector<1x1x16xf32>,
        %swap3A_582 = vector.shape_cast %swap3A_581 : vector<1x1x16xf32> to vector<16xf32>
        %swap3A_583 = vector.shape_cast %add3A_576 : vector<16xf32> to vector<1x1x16xf32>
        tpu.vector_store %arg9[%swap3A_578, %swap3A_579, %swap3A_580], %swap3A_583 {strides = array<i32>} : memref<4x200x64xf32, #tpu.memory_space<vmem>>, vector<1x1x16xf32>,
        %get3A_584 = arith.constant 3 : i32
        %get3A_585 = arith.index_cast %get3A_584 : i32 to index
        %get3A_586 = arith.index_cast %add3A_565 : i32 to index
        %get3A_587 = arith.constant 16 : index
        %get3A_588 = tpu.vector_load %arg8[%get3A_585, %get3A_586, %get3A_587] {strides = array<i32>} : memref<4x200x64xf32, #tpu.memory_space<vmem>>, vector<1x1x16xf32>,
        %get3A_589 = vector.shape_cast %get3A_588 : vector<1x1x16xf32> to vector<16xf32>
        %get3A_590 = arith.index_cast %add3A_565 : i32 to index
        %get3A_591 = arith.constant 16 : index
        %get3A_592 = tpu.vector_load %arg7[%get3A_590, %get3A_591] {strides = array<i32>} : memref<200x64xf32, #tpu.memory_space<vmem>>, vector<1x16xf32>,
        %get3A_593 = vector.shape_cast %get3A_592 : vector<1x16xf32> to vector<16xf32>
        %add3A_594 = arith.addf %get3A_589, %get3A_593 : vector<16xf32>
        %swap3A_595 = arith.constant 3 : i32
        %swap3A_596 = arith.index_cast %swap3A_595 : i32 to index
        %swap3A_597 = arith.index_cast %add3A_565 : i32 to index
        %swap3A_598 = arith.constant 16 : index
        %swap3A_599 = tpu.vector_load %arg9[%swap3A_596, %swap3A_597, %swap3A_598] {strides = array<i32>} : memref<4x200x64xf32, #tpu.memory_space<vmem>>, vector<1x1x16xf32>,
        %swap3A_600 = vector.shape_cast %swap3A_599 : vector<1x1x16xf32> to vector<16xf32>
        %swap3A_601 = vector.shape_cast %add3A_594 : vector<16xf32> to vector<1x1x16xf32>
        tpu.vector_store %arg9[%swap3A_596, %swap3A_597, %swap3A_598], %swap3A_601 {strides = array<i32>} : memref<4x200x64xf32, #tpu.memory_space<vmem>>, vector<1x1x16xf32>,
        %get3A_602 = arith.constant 3 : i32
        %get3A_603 = arith.index_cast %get3A_602 : i32 to index
        %get3A_604 = arith.index_cast %add3A_565 : i32 to index
        %get3A_605 = arith.constant 32 : index
        %get3A_606 = tpu.vector_load %arg8[%get3A_603, %get3A_604, %get3A_605] {strides = array<i32>} : memref<4x200x64xf32, #tpu.memory_space<vmem>>, vector<1x1x16xf32>,
        %get3A_607 = vector.shape_cast %get3A_606 : vector<1x1x16xf32> to vector<16xf32>
        %get3A_608 = arith.index_cast %add3A_565 : i32 to index
        %get3A_609 = arith.constant 32 : index
        %get3A_610 = tpu.vector_load %arg7[%get3A_608, %get3A_609] {strides = array<i32>} : memref<200x64xf32, #tpu.memory_space<vmem>>, vector<1x16xf32>,
        %get3A_611 = vector.shape_cast %get3A_610 : vector<1x16xf32> to vector<16xf32>
        %add3A_612 = arith.addf %get3A_607, %get3A_611 : vector<16xf32>
        %swap3A_613 = arith.constant 3 : i32
        %swap3A_614 = arith.index_cast %swap3A_613 : i32 to index
        %swap3A_615 = arith.index_cast %add3A_565 : i32 to index
        %swap3A_616 = arith.constant 32 : index
        %swap3A_617 = tpu.vector_load %arg9[%swap3A_614, %swap3A_615, %swap3A_616] {strides = array<i32>} : memref<4x200x64xf32, #tpu.memory_space<vmem>>, vector<1x1x16xf32>,
        %swap3A_618 = vector.shape_cast %swap3A_617 : vector<1x1x16xf32> to vector<16xf32>
        %swap3A_619 = vector.shape_cast %add3A_612 : vector<16xf32> to vector<1x1x16xf32>
        tpu.vector_store %arg9[%swap3A_614, %swap3A_615, %swap3A_616], %swap3A_619 {strides = array<i32>} : memref<4x200x64xf32, #tpu.memory_space<vmem>>, vector<1x1x16xf32>,
        %get3A_620 = arith.constant 3 : i32
        %get3A_621 = arith.index_cast %get3A_620 : i32 to index
        %get3A_622 = arith.index_cast %add3A_565 : i32 to index
        %get3A_623 = arith.constant 48 : index
        %get3A_624 = tpu.vector_load %arg8[%get3A_621, %get3A_622, %get3A_623] {strides = array<i32>} : memref<4x200x64xf32, #tpu.memory_space<vmem>>, vector<1x1x16xf32>,
        %get3A_625 = vector.shape_cast %get3A_624 : vector<1x1x16xf32> to vector<16xf32>
        %get3A_626 = arith.index_cast %add3A_565 : i32 to index
        %get3A_627 = arith.constant 48 : index
        %get3A_628 = tpu.vector_load %arg7[%get3A_626, %get3A_627] {strides = array<i32>} : memref<200x64xf32, #tpu.memory_space<vmem>>, vector<1x16xf32>,
        %get3A_629 = vector.shape_cast %get3A_628 : vector<1x16xf32> to vector<16xf32>
        %add3A_630 = arith.addf %get3A_625, %get3A_629 : vector<16xf32>
        %swap3A_631 = arith.constant 3 : i32
        %swap3A_632 = arith.index_cast %swap3A_631 : i32 to index
        %swap3A_633 = arith.index_cast %add3A_565 : i32 to index
        %swap3A_634 = arith.constant 48 : index
        %swap3A_635 = tpu.vector_load %arg9[%swap3A_632, %swap3A_633, %swap3A_634] {strides = array<i32>} : memref<4x200x64xf32, #tpu.memory_space<vmem>>, vector<1x1x16xf32>,
        %swap3A_636 = vector.shape_cast %swap3A_635 : vector<1x1x16xf32> to vector<16xf32>
        %swap3A_637 = vector.shape_cast %add3A_630 : vector<16xf32> to vector<1x1x16xf32>
        tpu.vector_store %arg9[%swap3A_632, %swap3A_633, %swap3A_634], %swap3A_637 {strides = array<i32>} : memref<4x200x64xf32, #tpu.memory_space<vmem>>, vector<1x1x16xf32>,
      }
      %scan3A_310 = arith.constant 50 : i32
      %lt3A_311 = arith.constant 7 : i32
      %lt3A_312 = arith.cmpi slt, %scan3A_130, %lt3A_311 : i32
      %convert_element_type3A_313 = arith.extui %lt3A_312 : i1 to i32
      %cond3A_314 = arith.constant 0 : i32
      %cond3A_315 = arith.cmpi ne, %convert_element_type3A_313, %cond3A_314 : i32
      scf.if %cond3A_315 {
        %add3A_335 = arith.constant 4 : i32
        %add3A_336 = arith.addi %add3A_286, %add3A_335 : i32
        %mul3A_337 = arith.constant 200 : i32
        %mul3A_338 = arith.muli %add3A_336, %mul3A_337 : i32
        %dma_start3A_339 = arith.constant 3 : i32
        %dma_start3A_340 = arith.constant 3 : i32
        %dma_start3A_341 = arith.constant 0 : i32
        %dma_start3A_342 = arith.constant 0 : i32
        %dma_start3A_343 = tpu.memref_slice %arg8[%dma_start3A_339, %dma_start3A_341, %dma_start3A_342] : memref<4x200x64xf32, #tpu.memory_space<vmem>> -> memref<1x200x64xf32, #tpu.memory_space<vmem>>
        %dma_start3A_344 = tpu.memref_squeeze %dma_start3A_343 : memref<1x200x64xf32, #tpu.memory_space<vmem>> -> memref<200x64xf32, #tpu.memory_space<vmem>>
        %dma_start3A_345 = tpu.memref_slice %arg6[%mul3A_338] : memref<6400xi32, #tpu.memory_space<vmem>> -> memref<200xi32, #tpu.memory_space<vmem>>
        %dma_start3A_346 = arith.constant 0 : i32
        %dma_start3A_347 = arith.constant 0 : i32
        %dma_start3A_348 = tpu.memref_slice %arg3[%dma_start3A_346, %dma_start3A_347] : memref<1000000x64xf32, #tpu.memory_space<hbm>> -> memref<1000000x64xf32, #tpu.memory_space<hbm>>
        %dma_start3A_349 = tpu.memref_slice %arg10[%dma_start3A_340] : memref<4x!tpu.dma_semaphore, #tpu.memory_space<semaphore_mem>> -> memref<1x!tpu.dma_semaphore, #tpu.memory_space<semaphore_mem>>
        %dma_start3A_350 = tpu.memref_squeeze %dma_start3A_349 : memref<1x!tpu.dma_semaphore, #tpu.memory_space<semaphore_mem>> -> memref<!tpu.dma_semaphore, #tpu.memory_space<semaphore_mem>>
        tpu.enqueue_indirect_dma source(%dma_start3A_348 : memref<1000000x64xf32, #tpu.memory_space<hbm>>) target(%dma_start3A_344 : memref<200x64xf32, #tpu.memory_space<vmem>>) offsets(%dma_start3A_345 : memref<200xi32, #tpu.memory_space<vmem>>) semaphore(%dma_start3A_350 : memref<!tpu.dma_semaphore, #tpu.memory_space<semaphore_mem>>)
      } else {
      }
      %mul3A_316 = arith.constant 200 : i32
      %mul3A_317 = arith.muli %add3A_286, %mul3A_316 : i32
      %add3A_318 = arith.addi %mul3A_2, %mul3A_317 : i32
      %dma_start3A_319 = arith.constant 3 : i32
      %dma_start3A_320 = arith.constant 3 : i32
      %dma_start3A_321 = arith.constant 0 : i32
      %dma_start3A_322 = arith.constant 0 : i32
      %dma_start3A_323 = tpu.memref_slice %arg9[%dma_start3A_319, %dma_start3A_321, %dma_start3A_322] : memref<4x200x64xf32, #tpu.memory_space<vmem>> -> memref<1x200x64xf32, #tpu.memory_space<vmem>>
      %dma_start3A_324 = tpu.memref_squeeze %dma_start3A_323 : memref<1x200x64xf32, #tpu.memory_space<vmem>> -> memref<200x64xf32, #tpu.memory_space<vmem>>
      %dma_start3A_325 = arith.constant 0 : i32
      %dma_start3A_326 = tpu.memref_slice %arg5[%add3A_318, %dma_start3A_325] : memref<204800x64xf32, #tpu.memory_space<hbm>> -> memref<200x64xf32, #tpu.memory_space<hbm>>
      %dma_start3A_327 = tpu.memref_slice %arg11[%dma_start3A_320] : memref<4x!tpu.dma_semaphore, #tpu.memory_space<semaphore_mem>> -> memref<1x!tpu.dma_semaphore, #tpu.memory_space<semaphore_mem>>
      %dma_start3A_328 = tpu.memref_squeeze %dma_start3A_327 : memref<1x!tpu.dma_semaphore, #tpu.memory_space<semaphore_mem>> -> memref<!tpu.dma_semaphore, #tpu.memory_space<semaphore_mem>>
      %dma_start3A_329 = arith.constant 0 : i32
      %dma_start3A_330 = tpu.memref_slice %arg5[%add3A_318, %dma_start3A_329] : memref<204800x64xf32, #tpu.memory_space<hbm>> -> memref<200x64xf32, #tpu.memory_space<hbm>>
      %dma_start3A_331 = arith.constant 0 : i32
      %dma_start3A_332 = arith.constant 0 : i32
      %dma_start3A_333 = tpu.memref_slice %arg9[%dma_start3A_319, %dma_start3A_331, %dma_start3A_332] : memref<4x200x64xf32, #tpu.memory_space<vmem>> -> memref<1x200x64xf32, #tpu.memory_space<vmem>>
      %dma_start3A_334 = tpu.memref_squeeze %dma_start3A_333 : memref<1x200x64xf32, #tpu.memory_space<vmem>> -> memref<200x64xf32, #tpu.memory_space<vmem>>
      tpu.enqueue_dma source(%dma_start3A_334 : memref<200x64xf32, #tpu.memory_space<vmem>>) target(%dma_start3A_330 : memref<200x64xf32, #tpu.memory_space<hbm>>) target_semaphore(%dma_start3A_328 : memref<!tpu.dma_semaphore, #tpu.memory_space<semaphore_mem>>)
    }
    %scan3A_58 = arith.constant 8 : i32
    %dma_wait3A = arith.constant 0 : i32
    %dma_wait3A_59 = arith.constant 0 : i32
    %dma_wait3A_60 = arith.constant 0 : i32
    %dma_wait3A_61 = arith.constant 0 : i32
    %dma_wait3A_62 = tpu.memref_slice %arg9[%dma_wait3A, %dma_wait3A_60, %dma_wait3A_61] : memref<4x200x64xf32, #tpu.memory_space<vmem>> -> memref<1x200x64xf32, #tpu.memory_space<vmem>>
    %dma_wait3A_63 = tpu.memref_squeeze %dma_wait3A_62 : memref<1x200x64xf32, #tpu.memory_space<vmem>> -> memref<200x64xf32, #tpu.memory_space<vmem>>
    %dma_wait3A_64 = arith.constant 0 : i32
    %dma_wait3A_65 = arith.constant 0 : i32
    %dma_wait3A_66 = tpu.memref_slice %arg5[%dma_wait3A_64, %dma_wait3A_65] : memref<204800x64xf32, #tpu.memory_space<hbm>> -> memref<200x64xf32, #tpu.memory_space<hbm>>
    %dma_wait3A_67 = tpu.memref_slice %arg11[%dma_wait3A_59] : memref<4x!tpu.dma_semaphore, #tpu.memory_space<semaphore_mem>> -> memref<1x!tpu.dma_semaphore, #tpu.memory_space<semaphore_mem>>
    %dma_wait3A_68 = tpu.memref_squeeze %dma_wait3A_67 : memref<1x!tpu.dma_semaphore, #tpu.memory_space<semaphore_mem>> -> memref<!tpu.dma_semaphore, #tpu.memory_space<semaphore_mem>>
    %dma_wait3A_69 = arith.constant 0 : i32
    %dma_wait3A_70 = arith.constant 0 : i32
    %dma_wait3A_71 = tpu.memref_slice %arg5[%dma_wait3A_69, %dma_wait3A_70] : memref<204800x64xf32, #tpu.memory_space<hbm>> -> memref<200x64xf32, #tpu.memory_space<hbm>>
    %dma_wait3A_72 = arith.constant 0 : i32
    %dma_wait3A_73 = arith.constant 0 : i32
    %dma_wait3A_74 = tpu.memref_slice %arg9[%dma_wait3A, %dma_wait3A_72, %dma_wait3A_73] : memref<4x200x64xf32, #tpu.memory_space<vmem>> -> memref<1x200x64xf32, #tpu.memory_space<vmem>>
    %dma_wait3A_75 = tpu.memref_squeeze %dma_wait3A_74 : memref<1x200x64xf32, #tpu.memory_space<vmem>> -> memref<200x64xf32, #tpu.memory_space<vmem>>
    tpu.wait_dma2 semaphore(%dma_wait3A_68 : memref<!tpu.dma_semaphore, #tpu.memory_space<semaphore_mem>>) src(%dma_wait3A_75 : memref<200x64xf32, #tpu.memory_space<vmem>>) dst(%dma_wait3A_71 : memref<200x64xf32, #tpu.memory_space<hbm>>)
    %dma_wait3A_76 = arith.constant 1 : i32
    %dma_wait3A_77 = arith.constant 1 : i32
    %dma_wait3A_78 = arith.constant 0 : i32
    %dma_wait3A_79 = arith.constant 0 : i32
    %dma_wait3A_80 = tpu.memref_slice %arg9[%dma_wait3A_76, %dma_wait3A_78, %dma_wait3A_79] : memref<4x200x64xf32, #tpu.memory_space<vmem>> -> memref<1x200x64xf32, #tpu.memory_space<vmem>>
    %dma_wait3A_81 = tpu.memref_squeeze %dma_wait3A_80 : memref<1x200x64xf32, #tpu.memory_space<vmem>> -> memref<200x64xf32, #tpu.memory_space<vmem>>
    %dma_wait3A_82 = arith.constant 0 : i32
    %dma_wait3A_83 = arith.constant 0 : i32
    %dma_wait3A_84 = tpu.memref_slice %arg5[%dma_wait3A_82, %dma_wait3A_83] : memref<204800x64xf32, #tpu.memory_space<hbm>> -> memref<200x64xf32, #tpu.memory_space<hbm>>
    %dma_wait3A_85 = tpu.memref_slice %arg11[%dma_wait3A_77] : memref<4x!tpu.dma_semaphore, #tpu.memory_space<semaphore_mem>> -> memref<1x!tpu.dma_semaphore, #tpu.memory_space<semaphore_mem>>
    %dma_wait3A_86 = tpu.memref_squeeze %dma_wait3A_85 : memref<1x!tpu.dma_semaphore, #tpu.memory_space<semaphore_mem>> -> memref<!tpu.dma_semaphore, #tpu.memory_space<semaphore_mem>>
    %dma_wait3A_87 = arith.constant 0 : i32
    %dma_wait3A_88 = arith.constant 0 : i32
    %dma_wait3A_89 = tpu.memref_slice %arg5[%dma_wait3A_87, %dma_wait3A_88] : memref<204800x64xf32, #tpu.memory_space<hbm>> -> memref<200x64xf32, #tpu.memory_space<hbm>>
    %dma_wait3A_90 = arith.constant 0 : i32
    %dma_wait3A_91 = arith.constant 0 : i32
    %dma_wait3A_92 = tpu.memref_slice %arg9[%dma_wait3A_76, %dma_wait3A_90, %dma_wait3A_91] : memref<4x200x64xf32, #tpu.memory_space<vmem>> -> memref<1x200x64xf32, #tpu.memory_space<vmem>>
    %dma_wait3A_93 = tpu.memref_squeeze %dma_wait3A_92 : memref<1x200x64xf32, #tpu.memory_space<vmem>> -> memref<200x64xf32, #tpu.memory_space<vmem>>
    tpu.wait_dma2 semaphore(%dma_wait3A_86 : memref<!tpu.dma_semaphore, #tpu.memory_space<semaphore_mem>>) src(%dma_wait3A_93 : memref<200x64xf32, #tpu.memory_space<vmem>>) dst(%dma_wait3A_89 : memref<200x64xf32, #tpu.memory_space<hbm>>)
    %dma_wait3A_94 = arith.constant 2 : i32
    %dma_wait3A_95 = arith.constant 2 : i32
    %dma_wait3A_96 = arith.constant 0 : i32
    %dma_wait3A_97 = arith.constant 0 : i32
    %dma_wait3A_98 = tpu.memref_slice %arg9[%dma_wait3A_94, %dma_wait3A_96, %dma_wait3A_97] : memref<4x200x64xf32, #tpu.memory_space<vmem>> -> memref<1x200x64xf32, #tpu.memory_space<vmem>>
    %dma_wait3A_99 = tpu.memref_squeeze %dma_wait3A_98 : memref<1x200x64xf32, #tpu.memory_space<vmem>> -> memref<200x64xf32, #tpu.memory_space<vmem>>
    %dma_wait3A_100 = arith.constant 0 : i32
    %dma_wait3A_101 = arith.constant 0 : i32
    %dma_wait3A_102 = tpu.memref_slice %arg5[%dma_wait3A_100, %dma_wait3A_101] : memref<204800x64xf32, #tpu.memory_space<hbm>> -> memref<200x64xf32, #tpu.memory_space<hbm>>
    %dma_wait3A_103 = tpu.memref_slice %arg11[%dma_wait3A_95] : memref<4x!tpu.dma_semaphore, #tpu.memory_space<semaphore_mem>> -> memref<1x!tpu.dma_semaphore, #tpu.memory_space<semaphore_mem>>
    %dma_wait3A_104 = tpu.memref_squeeze %dma_wait3A_103 : memref<1x!tpu.dma_semaphore, #tpu.memory_space<semaphore_mem>> -> memref<!tpu.dma_semaphore, #tpu.memory_space<semaphore_mem>>
    %dma_wait3A_105 = arith.constant 0 : i32
    %dma_wait3A_106 = arith.constant 0 : i32
    %dma_wait3A_107 = tpu.memref_slice %arg5[%dma_wait3A_105, %dma_wait3A_106] : memref<204800x64xf32, #tpu.memory_space<hbm>> -> memref<200x64xf32, #tpu.memory_space<hbm>>
    %dma_wait3A_108 = arith.constant 0 : i32
    %dma_wait3A_109 = arith.constant 0 : i32
    %dma_wait3A_110 = tpu.memref_slice %arg9[%dma_wait3A_94, %dma_wait3A_108, %dma_wait3A_109] : memref<4x200x64xf32, #tpu.memory_space<vmem>> -> memref<1x200x64xf32, #tpu.memory_space<vmem>>
    %dma_wait3A_111 = tpu.memref_squeeze %dma_wait3A_110 : memref<1x200x64xf32, #tpu.memory_space<vmem>> -> memref<200x64xf32, #tpu.memory_space<vmem>>
    tpu.wait_dma2 semaphore(%dma_wait3A_104 : memref<!tpu.dma_semaphore, #tpu.memory_space<semaphore_mem>>) src(%dma_wait3A_111 : memref<200x64xf32, #tpu.memory_space<vmem>>) dst(%dma_wait3A_107 : memref<200x64xf32, #tpu.memory_space<hbm>>)
    %dma_wait3A_112 = arith.constant 3 : i32
    %dma_wait3A_113 = arith.constant 3 : i32
    %dma_wait3A_114 = arith.constant 0 : i32
    %dma_wait3A_115 = arith.constant 0 : i32
    %dma_wait3A_116 = tpu.memref_slice %arg9[%dma_wait3A_112, %dma_wait3A_114, %dma_wait3A_115] : memref<4x200x64xf32, #tpu.memory_space<vmem>> -> memref<1x200x64xf32, #tpu.memory_space<vmem>>
    %dma_wait3A_117 = tpu.memref_squeeze %dma_wait3A_116 : memref<1x200x64xf32, #tpu.memory_space<vmem>> -> memref<200x64xf32, #tpu.memory_space<vmem>>
    %dma_wait3A_118 = arith.constant 0 : i32
    %dma_wait3A_119 = arith.constant 0 : i32
    %dma_wait3A_120 = tpu.memref_slice %arg5[%dma_wait3A_118, %dma_wait3A_119] : memref<204800x64xf32, #tpu.memory_space<hbm>> -> memref<200x64xf32, #tpu.memory_space<hbm>>
    %dma_wait3A_121 = tpu.memref_slice %arg11[%dma_wait3A_113] : memref<4x!tpu.dma_semaphore, #tpu.memory_space<semaphore_mem>> -> memref<1x!tpu.dma_semaphore, #tpu.memory_space<semaphore_mem>>
    %dma_wait3A_122 = tpu.memref_squeeze %dma_wait3A_121 : memref<1x!tpu.dma_semaphore, #tpu.memory_space<semaphore_mem>> -> memref<!tpu.dma_semaphore, #tpu.memory_space<semaphore_mem>>
    %dma_wait3A_123 = arith.constant 0 : i32
    %dma_wait3A_124 = arith.constant 0 : i32
    %dma_wait3A_125 = tpu.memref_slice %arg5[%dma_wait3A_123, %dma_wait3A_124] : memref<204800x64xf32, #tpu.memory_space<hbm>> -> memref<200x64xf32, #tpu.memory_space<hbm>>
    %dma_wait3A_126 = arith.constant 0 : i32
    %dma_wait3A_127 = arith.constant 0 : i32
    %dma_wait3A_128 = tpu.memref_slice %arg9[%dma_wait3A_112, %dma_wait3A_126, %dma_wait3A_127] : memref<4x200x64xf32, #tpu.memory_space<vmem>> -> memref<1x200x64xf32, #tpu.memory_space<vmem>>
    %dma_wait3A_129 = tpu.memref_squeeze %dma_wait3A_128 : memref<1x200x64xf32, #tpu.memory_space<vmem>> -> memref<200x64xf32, #tpu.memory_space<vmem>>
    tpu.wait_dma2 semaphore(%dma_wait3A_122 : memref<!tpu.dma_semaphore, #tpu.memory_space<semaphore_mem>>) src(%dma_wait3A_129 : memref<200x64xf32, #tpu.memory_space<vmem>>) dst(%dma_wait3A_125 : memref<200x64xf32, #tpu.memory_space<hbm>>)
    return
  }
}

</mosaic_0001>

<sc_bundles>
// kernel: kernel.3.cloned.1.call-start
scs
__scs_entry_jumppad:
0x0: {  	(pc) =	sbr.rel $0x88, $3  }
0x1: {  	(tag) =	ssettag $0x0;
	lr =	simm.s32 $0x1  }
0x2: {  	[smem:$0x3F9E] =	sst lr;
	_ =	strace $0xD0000000  }
0x3: {  	_ = 	snop  }
0x4: {  	_ = 	snop  }
0x5: {  	_ = 	snop  }
0x6: {  	_ = 	snop  }
0x7: {  	_ = 	snop  }
__scs_overlays_trampoline_lowered:
0x8: {  	[smem:$0x3FAD] =	sst s0  }
0x9: {  	[smem:$0x3FAE] =	sst s1  }
0xa: {  	[smem:$0x3FAF] =	sst s2  }
0xb: {  	[smem:$0x3FB0] =	sst s3  }
0xc: {  	[smem:$0x3FB1] =	sst s4  }
0xd: {  	[smem:$0x3FB2] =	sst s5  }
0xe: {  	[smem:$0x3FB3] =	sst s6  }
0xf: {  	[smem:$0x3FB4] =	sst s7  }
0x10: {  	[smem:$0x3FB5] =	sst s8  }
0x11: {  	[smem:$0x3FB6] =	sst s9;
	s0 =	simm.s32 @!p0 $0x0  }
0x12: {  	s1 =	sld [smem:$0x3F9C];
	s0 =	simm.s32 @p0 $0x1  }
0x13: {  	[smem:$0x3FB7] =	sst s0;
	s0 =	simm.s32 @!p1 $0x0  }
0x14: {  	s2 =	sld [smem:$0x3F9B];
	s0 =	simm.s32 @p1 $0x1  }
0x15: {  	[smem:$0x3FB8] =	sst s0;
	s0 =	simm.s32 @!p2 $0x0  }
0x16: {  	s3 =	sld [smem:$0x3FDB];
	s0 =	simm.s32 @p2 $0x1  }
0x17: {  	s4 =	simm.s32 $0x1BF5;
	[smem:$0x3FBA] =	sst s0  }
0x18: {  	s0 =	sld [smem:$0x3F9D];
	_ =	swait.ge [sflag:s4], $0x0  }
0x19: {  	s7 =	sld [smem:$0x3F9E]  }
0x1a: {  	s8 =	sadd.s32 $0xFFFFE003, lr  }
0x1b: {  	s9 =	sadd.s32 $0xFFFFFEF7, lr;
	s5 =	simm.s32 $0xFFFFFFFF;
	p2 =	slt.u32 s8, $0xFFFFF086  }
0x1c: {  	p1 =	slt.u32 s9, $0xF7A;
	s5 =	simm.s32 @!p2 $0x0  }
0x1d: {  	s5 =	simm.s32 @p1 $0x1;
	p0 =	seq.s32 s7, s2  }
0x1e: {  	s7 =	smul.u32 @!p0 $0xF7A, s2;
	p2 =	seq.s32 @!p0 s5, $0x0  }
0x1f: {  	s9 =	smul.u32 $0xF7A, s1;
	s8 =	simm.s32 @!p0 $0x1BF5;
	p2 =	por !p2, p0  }
0x20: {  	[sflag:s8] =	ssyncset.s32 @!p0 $0xFFFFF086;
	s6 =	sadd.s32 @!p0 s3, s7;
	s7 =	simm.s32 @!p0 $0x108  }
0x21: {  	s3 =	sadd.s32 s3, s9;
	s6 =	sadd.s32 @!p0 $0x88, s6;
	s7 =	simm.s32 @p2 $0x1082  }
0x22: {  	[simem:s7], [sflag:s8] =	dma.local @!p0 [hbm:s6], $0xF7A  }
0x23: {  	s9 =	sor.u32 $0xD0000000, s2;
	s6 =	simm.s32 $0x108;
	_ =	swait.ge @!p0 [sflag:s8], $0x0  }
0x24: {  	s3 =	sadd.s32 $0x88, s3;
	s6 =	simm.s32 @!p1 $0x1082;
	[sflag:s4] =	ssyncset.s32 $0xFFFFF086  }
0x25: {  	[simem:s6], [sflag:s4] =	dma.local [hbm:s3], $0xF7A  }
0x26: {  	[smem:$0x3F9E] =	sst s1;
	(tag) =	ssettag s2;
	_ =	strace s9  }
0x27: {  	s1 =	sld [smem:$0x3FAE]  }
0x28: {  	s2 =	sld [smem:$0x3FAF]  }
0x29: {  	s4 =	sld [smem:$0x3FB1]  }
0x2a: {  	p0 =	seq.s32 s5, $0x0;
	s5 =	sld [smem:$0x3FB2]  }
0x2b: {  	s6 =	sld [smem:$0x3FB3]  }
0x2c: {  	s7 =	sld [smem:$0x3FB4]  }
0x2d: {  	s3 =	simm.s32 $0x108;
	s8 =	sld [smem:$0x3FB5]  }
0x2e: {  	s3 =	simm.s32 @!p0 $0x1082;
	s9 =	sld [smem:$0x3FB6]  }
0x2f: {  	lr =	sadd.s32 s0, s3;
	s0 =	sld [smem:$0x3FAD]  }
0x30: {  	s3 =	sld [smem:$0x3FB0]  }
0x31: {  	[smem:$0x3FB9] =	sst s10  }
0x32: {  	s10 =	sld [smem:$0x3FB7];
	_ =	sdelay $0x3  }
0x33: {  	p0 =	seq.s32 s10, $0x1;
	s10 =	sld [smem:$0x3FB9];
	_ =	sdelay $0x3  }
0x34: {  	[smem:$0x3FB9] =	sst s10  }
0x35: {  	s10 =	sld [smem:$0x3FB8];
	_ =	sdelay $0x3  }
0x36: {  	p1 =	seq.s32 s10, $0x1;
	s10 =	sld [smem:$0x3FB9];
	_ =	sdelay $0x3  }
0x37: {  	[smem:$0x3FB9] =	sst s10  }
0x38: {  	s10 =	sld [smem:$0x3FBA]  }
0x39: {  	_ = 	snop;
	(pc) =	sbr.ind lr, $3  }
0x3a: {  	_ = 	snop  }
0x3b: {  	_ = 	snop  }
0x3c: {  	p2 =	seq.s32 s10, $0x1;
	s10 =	sld [smem:$0x3FB9]  }
0x3d: {  	_ =	shalt  }
0x3e: {  	_ =	shalt  }
0x3f: {  	_ =	shalt  }
0x40: {  	_ =	shalt  }
0x41: {  	_ =	shalt  }
0x42: {  	_ =	shalt  }
0x43: {  	_ =	shalt  }
0x44: {  	_ =	shalt  }
0x45: {  	_ =	shalt  }
0x46: {  	_ =	shalt  }
0x47: {  	_ =	shalt  }
0x48: {  	_ =	shalt  }
0x49: {  	_ =	shalt  }
0x4a: {  	_ =	shalt  }
0x4b: {  	_ =	shalt  }
0x4c: {  	_ =	shalt  }
0x4d: {  	_ =	shalt  }
0x4e: {  	_ =	shalt  }
0x4f: {  	_ =	shalt  }
0x50: {  	_ =	shalt  }
0x51: {  	_ =	shalt  }
0x52: {  	_ =	shalt  }
0x53: {  	_ =	shalt  }
0x54: {  	_ =	shalt  }
0x55: {  	_ =	shalt  }
0x56: {  	_ =	shalt  }
0x57: {  	_ =	shalt  }
0x58: {  	_ =	shalt  }
0x59: {  	_ =	shalt  }
0x5a: {  	_ =	shalt  }
0x5b: {  	_ =	shalt  }
0x5c: {  	_ =	shalt  }
0x5d: {  	_ =	shalt  }
0x5e: {  	_ =	shalt  }
0x5f: {  	_ =	shalt  }
0x60: {  	_ =	shalt  }
0x61: {  	_ =	shalt  }
0x62: {  	_ =	shalt  }
0x63: {  	_ =	shalt  }
0x64: {  	_ =	shalt  }
0x65: {  	_ =	shalt  }
0x66: {  	_ =	shalt  }
0x67: {  	_ =	shalt  }
0x68: {  	_ =	shalt  }
0x69: {  	_ =	shalt  }
0x6a: {  	_ =	shalt  }
0x6b: {  	_ =	shalt  }
0x6c: {  	_ =	shalt  }
0x6d: {  	_ =	shalt  }
0x6e: {  	_ =	shalt  }
0x6f: {  	_ =	shalt  }
0x70: {  	_ =	shalt  }
0x71: {  	_ =	shalt  }
0x72: {  	_ =	shalt  }
0x73: {  	_ =	shalt  }
0x74: {  	_ =	shalt  }
0x75: {  	_ =	shalt  }
0x76: {  	_ =	shalt  }
0x77: {  	_ =	shalt  }
0x78: {  	_ =	shalt  }
0x79: {  	_ =	shalt  }
0x7a: {  	_ =	shalt  }
0x7b: {  	_ =	shalt  }
0x7c: {  	_ =	shalt  }
0x7d: {  	_ =	shalt  }
0x7e: {  	_ =	shalt  }
0x7f: {  	_ =	shalt  }
0x80: {  	_ =	shalt  }
0x81: {  	_ =	shalt  }
0x82: {  	_ =	shalt  }
0x83: {  	_ =	shalt  }
0x84: {  	_ =	shalt  }
0x85: {  	_ =	shalt  }
0x86: {  	_ =	shalt  }
0x87: {  	_ =	shalt  }
.Lfunc_end0:
.L_simem_size_0:
called_computation.1_lowered:
.L_overlay_start_0:
0x88: {  	s2 =	sld [smem:$0x3FD9]  }
0x89: {  	s3 =	sld [smem:$0x3FFE];
	_ =	sdelay $0x1  }
0x8a: {  	s1 =	srdreg.scid  }
0x8b: {  	s0 =	sand.u32 $0x1, s1  }
0x8c: {  	s17 =	sshll.u32 s0, $0xA;
	s2 =	sadd.s32 s3, s2  }
0x8d: {  	s2 =	sadd.s32 s2, s17  }
0x8e: {  	[smem:$0x3FC5] =	sst s2  }
0x8f: {  	_ = 	snop  }
0x90: {  	s2 =	sld [smem:$0x3FD0];
	(tm) =	ssettm $0x1  }
0x91: {  	s18 =	sld [smem:$0x3FFB];
	_ =	sdelay $0x3  }
0x92: {  	_ =	strace s18  }
0x93: {  	s3 =	sld [smem:$0x3FFC];
	_ =	sdelay $0x3  }
0x94: {  	_ =	strace s3  }
0x95: {  	s3 =	sld [smem:$0x3FFD];
	_ =	sdelay $0x3  }
0x96: {  	_ =	strace s3  }
0x97: {  	_ =	strace $0x8FFFFFFF  }
0x98: {  	s19 =	sld [smem:$0x3FDB];
	_ =	sdelay $0x1  }
0x99: {  	s4 =	simm.s32 $_scs_section_size  }
0x9a: {  	s5 =	simm.s32 $_size__tile_overlayer_lowered;
	s6 =	simm.s32 $_tile_overlayer_lowered  }
0x9b: {  	s22 =	simm.s32 $0x1BFF;
	s21 =	sshll.u32 s6, $0x1;
	s3 =	sadd.s32 s4, s19  }
0x9c: {  	s7 =	simm.s32 $0x0;
	s20 =	sshll.u32 s5, $0x1;
	s5 =	sadd.s32 s21, s3  }
0x9d: {  	[timem:s7], [sflag:s22] =	dma.local [hbm:s5], s20  }
0x9e: {  	_ =	swait.ge [sflag:s22], s20  }
0x9f: {  	s4 =	ssub.s32 $0x0, s20;
	[sflag:s22] =	ssyncset.done $0x0  }
0xa0: {  	[sflag:s22] =	ssyncadd.s32 s4;
	_ =	sdelay $0x1  }
0xa1: {  	s23 =	simm.s32 $0x1B8B  }
0xa2: {  	_ =	swait.ge [sflag:s23], $0x1  }
0xa3: {  	[sflag:s23] =	ssyncset.done $0x0  }
0xa4: {  	s25 =	simm.s32 $0x1B8E;
	s24 =	sld [smem:$0x3FFE];
	[sflag:s23] =	ssyncadd.s32 $0xFFFFFFFF  }
0xa5: {  	s26 =	simm.s32 $execute0_lowered;
	[smem:$0x3FD2] =	sst s25  }
0xa6: {  	s5 =	sshll.u32 s26, $0x1;
	_ =	strace $0x80000046;
	[dreg:$0x1] =	wrdreg $0xFFFFFFFF  }
0xa7: {  	s28 =	simm.s32 $_size_execute0_lowered;
	s3 =	sadd.s32 s3, s5;
	[dreg:$0x0] =	wrdreg $0x0  }
0xa8: {  	s5 =	sshll.u32 s28, $0x1;
	[dreg:$0x2] =	wrdreg s3  }
0xa9: {  	[dreg:$0x3] =	wrdreg s5  }
0xaa: {  	[dreg:$0x4] =	wrdreg $0xC0  }
0xab: {  	_ =	task [dreg:s7], $0x5FFFF  }
0xac: {  	[dreg:$0x1] =	wrdreg $0xFFFFFFFF  }
0xad: {  	[dreg:$0x0] =	wrdreg $0x60  }
0xae: {  	[dreg:$0x2] =	wrdreg s24  }
0xaf: {  	[dreg:$0x3] =	wrdreg s2  }
0xb0: {  	[dreg:$0x4] =	wrdreg $0x9  }
0xb1: {  	_ =	task.clear_ibuf [dreg:s7], $0x5FFFF;
	_ =	strace $0x90000046  }
0xb2: {  	s29 =	simm.s32 $0x9;
	_ =	strace $0x80000048  }
0xb3: {  	_ =	swait.ge [sflag:s29], $0x1  }
0xb4: {  	[sflag:s29] =	ssyncadd.s32 $0xFFFFFFFF  }
0xb5: {  	_ =	strace $0x90000048  }
0xb6: {  	_ =	sfence  }
0xb7: {  	s30 =	sld [smem:$0x0];
	_ =	sdelay $0x2  }
0xb8: {  	s31 =	sshll.u32 s1, $0xD;
	s1 =	sshrl.u32 s1, $0x2  }
0xb9: {  	s3 =	sand.u32 $0x4000, s31;
	s1 =	sadd.s32 s1, s30  }
0xba: {  	s0 =	sor.u32 s3, s0;
	s1 =	sshll.u32 s1, $0x11  }
0xbb: {  	s0 =	sor.u32 s1, s0  }
0xbc: {  	s0 =	sadd.s32 $0x8F2B, s0  }
0xbd: {  	[sflag:s0] =	ssyncadd.remote.s32 $0x1  }
0xbe: {  	_ =	sfence.sel $0xFFFF  }
0xbf: {  	[dreg:$0x0] =	wrdreg $0xFFFFFFFF;
	(pc) =	sbr.abs _section_cstart, $3  }
0xc0: {  	[dreg:$0x1] =	wrdreg $0xFFFFFFFF  }
0xc1: {  	_ =	task.clear_ibuf [dreg:s7], $0x2FFFF;
	_ =	strace $0x9FFFFFFF  }
0xc2: {  	(tm) =	ssettm $0x7FFFFFFF  }
0xc3: {  	_ =	shalt  }
tec
execute0_lowered:
.L_overlay_start_1:
0x0: {  	(tag) =	ssettag $0x1  }
0x1: {  	s0 =	srdreg.scid;
	s6 =	rddreg [dreg:$0x0]  }
0x2: {  	s1 =	stileid.u32;
	s2 =	rddreg [dreg:$0x1];
	s4 =	simm.s32 $0x0  }
0x3: {  	s12 =	simm.s32 $0x9;
	s14 =	simm.s32 $0xC8;
	s21 =	simm.s32 $0x1  }
0x4: {  	s22 =	simm.s32 $0x11300;
	s23 =	simm.s32 $0x2;
	s24 =	simm.s32 $0x14500  }
0x5: {  	s25 =	simm.s32 $0x3;
	s26 =	simm.s32 $0x17700;
	s28 =	simm.s32 $0x4  }
0x6: {  	s29 =	simm.s32 $0x1A900;
	s0 =	sand.u32 $0x1, s0;
	s1 =	sshll.u32 s1, $0x1  }
0x7: {  	s30 =	simm.s32 $0x5;
	s31 =	simm.s32 $0x6;
	s1 =	sor.u32 s0, s1  }
0x8: {  	s13 =	simm.s32 $0x0;
	s0 =	ssub.s32 $0x2, s0;
	s3 =	smul.u32 $0x1900, s1  }
0x9: {  	[smem:$0x7FF] =	sst s4;
	s5 =	sadd.s32 $0xF43000, s6;
	s7 =	sshrl.u32 s0, $0x1  }
0xa: {  	_ =	strace $0x80000047;
	s0 =	ssub.s32 s0, s7;
	s1 =	sshrl.u32 s3, $0x3  }
0xb: {  	s8 =	sor.u32 $0xC8, s3;
	s9 =	sadd.s32 $0x190, s3;
	s10 =	sadd.s32 $0x258, s3  }
0xc: {  	s11 =	smax.u32 s0, $0x1;
	s0 =	simm.s32 $0x8;
	s1 =	sadd.s32 s1, s6  }
0xd: {  	s6 =	sadd.s32 $0x7000, s6;
	s7 =	sadd.s32 $0xC00, s1;
	s1 =	simm.s32 $0x7  }
.LBB2_1:
0xe: {  	[tilespmem:s4], [sflag:$0x9] =	stream.linear.gather [hbm4b:s7+s4], $0x1900, $0x38;
	[tilespmem:$0x1DB00] =	vst v63  }
0xf: {  	_ =	swait.ge [sflag:s12], $0x1900  }
0x10: {  	[sflag:s12] =	ssyncset.done $0x0  }
0x11: {  	s15 =	simm.s32 $0x1900;
	[sflag:s12] =	ssyncadd.s32 $0xFFFFE700  }
0x12: {  	[tilespmem:s15], [sflag:$0x9] =	stream.linear.gather [hbm4b:s6+s4], $0x3200, $0x38;
	[tilespmem:$0x1DB00] =	vst v63  }
0x13: {  	_ =	swait.ge [sflag:s12], $0x3200  }
0x14: {  	[sflag:s12] =	ssyncset.done $0x0  }
0x15: {  	s16 =	simm.s32 $0x4B00;
	[sflag:s12] =	ssyncadd.s32 $0xFFFFCE00  }
0x16: {  	[tilespmem:s16], [sflag:$0x1] =	stream.indirect.gather [hbm4b:s5+s14], $0x40, s4, s14, $0xb8;
	[tilespmem:$0x1DB00] =	vst v63  }
0x17: {  	s17 =	simm.s32 $0x7D00  }
0x18: {  	[tilespmem:s17], [sflag:$0x2] =	stream.indirect.gather [hbm4b:s5+s14], $0x40, s14, s14, $0xb8;
	[tilespmem:$0x1DB00] =	vst v63  }
0x19: {  	s18 =	simm.s32 $0x190;
	s16 =	simm.s32 $0xAF00  }
0x1a: {  	[tilespmem:s16], [sflag:$0x3] =	stream.indirect.gather [hbm4b:s5+s14], $0x40, s18, s14, $0xb8;
	[tilespmem:$0x1DB00] =	vst v63  }
0x1b: {  	s19 =	simm.s32 $0x258;
	s20 =	simm.s32 $0xE100;
	s15 =	simm.s32 $0x0  }
0x1c: {  	[tilespmem:s20], [sflag:$0x4] =	stream.indirect.gather [hbm4b:s5+s14], $0x40, s19, s14, $0xb8;
	[tilespmem:$0x1DB00] =	vst v63  }
.LBB2_2:
0x1d: {  	_ =	swait.ge [sflag:s21], $0x3200  }
0x1e: {  	p1 =	seq.s32 s15, $0x0;
	[sflag:s21] =	ssyncset.done $0x0  }
0x1f: {  	s16 =	simm.s32 @!p1 $0x5;
	[sflag:s21] =	ssyncadd.s32 $0xFFFFCE00  }
0x20: {  	_ =	swait.ge @!p1 [sflag:s16], $0x3200  }
0x21: {  	[sflag:s16] =	ssyncset.done @!p1 $0x0  }
0x22: {  	[sflag:s16] =	ssyncadd.s32 @!p1 $0xFFFFCE00;
	s16 =	simm.s32 $0x0  }
0x23: {  	v0 =	vld [tilespmem:s16+$0x4BF0]  }
0x24: {  	v1 =	vld [tilespmem:s16+$0x19F0]  }
0x25: {  	v2 =	vld [tilespmem:s16+$0x4B00]  }
0x26: {  	v3 =	vld [tilespmem:s16+$0x1900]  }
0x27: {  	v4 =	vld [tilespmem:s16+$0x4B10]  }
0x28: {  	v5 =	vld [tilespmem:s16+$0x1910]  }
0x29: {  	v6 =	vld [tilespmem:s16+$0x4B20]  }
0x2a: {  	v7 =	vld [tilespmem:s16+$0x4B30]  }
0x2b: {  	v0 =	vadd.f32 v1, v0;
	v1 =	vld [tilespmem:s16+$0x1920]  }
0x2c: {  	v2 =	vadd.f32 v3, v2;
	v3 =	vld [tilespmem:s16+$0x4B40]  }
0x2d: {  	[tilespmem:s16+$0x113F0] =	vst v0;
	v0 =	vld [tilespmem:s16+$0x1930]  }
0x2e: {  	[tilespmem:s16+$0x11300] =	vst v2;
	v2 =	vadd.f32 v5, v4;
	v4 =	vld [tilespmem:s16+$0x1940]  }
0x2f: {  	v5 =	vld [tilespmem:s16+$0x1950]  }
0x30: {  	[tilespmem:s16+$0x11310] =	vst v2;
	v2 =	vld [tilespmem:s16+$0x4B50];
	v1 =	vadd.f32 v1, v6  }
0x31: {  	v6 =	vld [tilespmem:s16+$0x1960]  }
0x32: {  	[tilespmem:s16+$0x11320] =	vst v1;
	v0 =	vadd.f32 v0, v7;
	v1 =	vld [tilespmem:s16+$0x4B60]  }
0x33: {  	v7 =	vld [tilespmem:s16+$0x19B0]  }
0x34: {  	[tilespmem:s16+$0x11330] =	vst v0;
	v0 =	vadd.f32 v4, v3;
	v3 =	vld [tilespmem:s16+$0x4B70]  }
0x35: {  	v4 =	vld [tilespmem:s16+$0x1970]  }
0x36: {  	[tilespmem:s16+$0x11340] =	vst v0;
	v0 =	vadd.f32 v5, v2;
	v2 =	vld [tilespmem:s16+$0x4B80]  }
0x37: {  	v5 =	vld [tilespmem:s16+$0x1980]  }
0x38: {  	[tilespmem:s16+$0x11350] =	vst v0;
	v0 =	vadd.f32 v6, v1;
	v1 =	vld [tilespmem:s16+$0x4B90]  }
0x39: {  	v6 =	vld [tilespmem:s16+$0x1990]  }
0x3a: {  	[tilespmem:s16+$0x11360] =	vst v0;
	v0 =	vadd.f32 v4, v3;
	v3 =	vld [tilespmem:s16+$0x4BA0]  }
0x3b: {  	v4 =	vld [tilespmem:s16+$0x19A0]  }
0x3c: {  	[tilespmem:s16+$0x11370] =	vst v0;
	v0 =	vadd.f32 v5, v2;
	v5 =	vld [tilespmem:s16+$0x4BB0]  }
0x3d: {  	v8 =	vld [tilespmem:s16+$0x19C0]  }
0x3e: {  	[tilespmem:s16+$0x11380] =	vst v0;
	v0 =	vadd.f32 v6, v1;
	v6 =	vld [tilespmem:s16+$0x4BC0]  }
0x3f: {  	v2 =	vld [tilespmem:s16+$0x4BD0]  }
0x40: {  	[tilespmem:s16+$0x11390] =	vst v0;
	v0 =	vadd.f32 v4, v3;
	v3 =	vld [tilespmem:s16+$0x19D0]  }
0x41: {  	v4 =	vld [tilespmem:s16+$0x19E0];
	v5 =	vadd.f32 v7, v5  }
0x42: {  	s17 =	simm.s32 $0x100;
	[tilespmem:s16+$0x113A0] =	vst v0;
	v0 =	vld [tilespmem:s16+$0x4BE0]  }
0x43: {  	s18 =	simm.s32 $0x800;
	v1 =	vld [tilespmem:s17+$0x4BF0];
	[tilespmem:s16+$0x113B0] =	vst v5;
	v5 =	vadd.f32 v8, v6  }
.LBB2_3:
0x44: {  	p0 =	sne.s32 s18, $0xC400;
	v6 =	vld [tilespmem:s17+$0x19F0]  }
0x45: {  	v7 =	vld [tilespmem:s17+$0x4B00];
	[tilespmem:s16+$0x113C0] =	vst v5;
	v2 =	vadd.f32 v3, v2  }
0x46: {  	v3 =	vld [tilespmem:s17+$0x1900]  }
0x47: {  	v5 =	vld [tilespmem:s17+$0x4B10];
	[tilespmem:s16+$0x113D0] =	vst v2;
	v0 =	vadd.f32 v4, v0  }
0x48: {  	v2 =	vld [tilespmem:s17+$0x1910]  }
0x49: {  	v4 =	vld [tilespmem:s17+$0x4B20];
	v1 =	vadd.f32 v6, v1;
	[tilespmem:s16+$0x113E0] =	vst v0;
	s16 =	smov.u32 s17  }
0x4a: {  	v0 =	vld [tilespmem:s16+$0x1920]  }
0x4b: {  	v3 =	vadd.f32 v3, v7;
	v6 =	vld [tilespmem:s16+$0x4B30];
	[tilespmem:s16+$0x113F0] =	vst v1  }
0x4c: {  	v1 =	vld [tilespmem:s16+$0x1930]  }
0x4d: {  	[tilespmem:s16+$0x11300] =	vst v3;
	v2 =	vadd.f32 v2, v5;
	v3 =	vld [tilespmem:s16+$0x4B40]  }
0x4e: {  	v5 =	vld [tilespmem:s16+$0x1940]  }
0x4f: {  	[tilespmem:s16+$0x11310] =	vst v2;
	v0 =	vadd.f32 v0, v4;
	v2 =	vld [tilespmem:s16+$0x4B50]  }
0x50: {  	v4 =	vld [tilespmem:s16+$0x1950]  }
0x51: {  	[tilespmem:s16+$0x11320] =	vst v0;
	v0 =	vadd.f32 v1, v6;
	v1 =	vld [tilespmem:s16+$0x4B60]  }
0x52: {  	v6 =	vld [tilespmem:s16+$0x1960]  }
0x53: {  	[tilespmem:s16+$0x11330] =	vst v0;
	v0 =	vadd.f32 v5, v3;
	v3 =	vld [tilespmem:s16+$0x4B70]  }
0x54: {  	v5 =	vld [tilespmem:s16+$0x1970]  }
0x55: {  	[tilespmem:s16+$0x11340] =	vst v0;
	v0 =	vadd.f32 v4, v2;
	v2 =	vld [tilespmem:s16+$0x4B80]  }
0x56: {  	v4 =	vld [tilespmem:s16+$0x1980]  }
0x57: {  	[tilespmem:s16+$0x11350] =	vst v0;
	v0 =	vadd.f32 v6, v1;
	v1 =	vld [tilespmem:s16+$0x4B90]  }
0x58: {  	v6 =	vld [tilespmem:s16+$0x1990]  }
0x59: {  	[tilespmem:s16+$0x11360] =	vst v0;
	v0 =	vadd.f32 v5, v3;
	v3 =	vld [tilespmem:s16+$0x4BA0]  }
0x5a: {  	v5 =	vld [tilespmem:s16+$0x19A0]  }
0x5b: {  	[tilespmem:s16+$0x11370] =	vst v0;
	v0 =	vadd.f32 v4, v2;
	v4 =	vld [tilespmem:s16+$0x4BB0]  }
0x5c: {  	v7 =	vld [tilespmem:s16+$0x19B0]  }
0x5d: {  	[tilespmem:s16+$0x11380] =	vst v0;
	v0 =	vadd.f32 v6, v1;
	v6 =	vld [tilespmem:s16+$0x4BC0]  }
0x5e: {  	v8 =	vld [tilespmem:s16+$0x19C0]  }
.Ltmp0:
0x5f: {  	[tilespmem:s16+$0x11390] =	vst v0;
	v0 =	vadd.f32 v5, v3;
	v2 =	vld [tilespmem:s16+$0x4BD0];
	(pc) =	sbr.rel @p0 .LBB2_3-.Ltmp0, $4  }
0x60: {  	v3 =	vld [tilespmem:s16+$0x19D0]  }
0x61: {  	[tilespmem:s16+$0x113A0] =	vst v0;
	v5 =	vadd.f32 v7, v4;
	v0 =	vld [tilespmem:s16+$0x4BE0]  }
0x62: {  	s17 =	sshra.s32 s18, $0x2;
	v4 =	vld [tilespmem:s16+$0x19E0]  }
0x63: {  	s18 =	sadd.s32 $0x400, s18;
	v1 =	vld [tilespmem:s17+$0x4BF0];
	[tilespmem:s16+$0x113B0] =	vst v5;
	v5 =	vadd.f32 v8, v6  }
0x64: {  	v6 =	vld [tilespmem:s17+$0x19F0]  }
0x65: {  	v7 =	vld [tilespmem:s17+$0x4B00];
	[tilespmem:s16+$0x113C0] =	vst v5;
	v2 =	vadd.f32 v3, v2  }
0x66: {  	v3 =	vld [tilespmem:s17+$0x1900]  }
0x67: {  	v5 =	vld [tilespmem:s17+$0x4B10];
	[tilespmem:s16+$0x113D0] =	vst v2;
	v0 =	vadd.f32 v4, v0  }
0x68: {  	v2 =	vld [tilespmem:s17+$0x1910]  }
0x69: {  	v4 =	vld [tilespmem:s17+$0x4B20];
	[tilespmem:s16+$0x113E0] =	vst v0  }
0x6a: {  	v0 =	vadd.f32 v6, v1;
	v1 =	vld [tilespmem:s17+$0x1920]  }
0x6b: {  	v6 =	vld [tilespmem:s17+$0x4B30]  }
0x6c: {  	v3 =	vadd.f32 v3, v7;
	[tilespmem:s17+$0x113F0] =	vst v0;
	v0 =	vld [tilespmem:s17+$0x1930]  }
0x6d: {  	v7 =	vld [tilespmem:s17+$0x19E0]  }
0x6e: {  	[tilespmem:s17+$0x11300] =	vst v3;
	v2 =	vadd.f32 v2, v5;
	v3 =	vld [tilespmem:s17+$0x4B40]  }
0x6f: {  	v5 =	vld [tilespmem:s17+$0x1940]  }
0x70: {  	[tilespmem:s17+$0x11310] =	vst v2;
	v2 =	vld [tilespmem:s17+$0x4B50]  }
0x71: {  	v1 =	vadd.f32 v1, v4;
	v4 =	vld [tilespmem:s17+$0x1950]  }
0x72: {  	v0 =	vadd.f32 v0, v6;
	v6 =	vld [tilespmem:s17+$0x1960]  }
0x73: {  	[tilespmem:s17+$0x11320] =	vst v1;
	v1 =	vld [tilespmem:s17+$0x4B60]  }
0x74: {  	[tilespmem:s17+$0x11330] =	vst v0;
	v0 =	vadd.f32 v5, v3;
	v3 =	vld [tilespmem:s17+$0x4B70]  }
0x75: {  	v5 =	vld [tilespmem:s17+$0x1970]  }
0x76: {  	[tilespmem:s17+$0x11340] =	vst v0;
	v0 =	vadd.f32 v4, v2;
	v2 =	vld [tilespmem:s17+$0x4B80]  }
0x77: {  	v4 =	vld [tilespmem:s17+$0x1980]  }
0x78: {  	[tilespmem:s17+$0x11350] =	vst v0;
	v0 =	vadd.f32 v6, v1;
	v1 =	vld [tilespmem:s17+$0x4B90]  }
0x79: {  	v6 =	vld [tilespmem:s17+$0x1990]  }
0x7a: {  	[tilespmem:s17+$0x11360] =	vst v0;
	v0 =	vadd.f32 v5, v3;
	v3 =	vld [tilespmem:s17+$0x4BA0]  }
0x7b: {  	v5 =	vld [tilespmem:s17+$0x19A0]  }
0x7c: {  	[tilespmem:s17+$0x11370] =	vst v0;
	v0 =	vadd.f32 v4, v2;
	v2 =	vld [tilespmem:s17+$0x4BB0]  }
0x7d: {  	v4 =	vld [tilespmem:s17+$0x19B0]  }
0x7e: {  	[tilespmem:s17+$0x11380] =	vst v0;
	v0 =	vadd.f32 v6, v1;
	v1 =	vld [tilespmem:s17+$0x4BC0]  }
0x7f: {  	v6 =	vld [tilespmem:s17+$0x19C0]  }
0x80: {  	[tilespmem:s17+$0x11390] =	vst v0;
	v0 =	vadd.f32 v5, v3;
	v3 =	vld [tilespmem:s17+$0x4BD0]  }
0x81: {  	v5 =	vld [tilespmem:s17+$0x19D0]  }
0x82: {  	[tilespmem:s17+$0x113A0] =	vst v0;
	v0 =	vld [tilespmem:s17+$0x4BE0];
	_ =	sdelay $0x1  }
0x83: {  	v2 =	vadd.f32 v4, v2  }
0x84: {  	p0 =	seq.s32 s15, $0x7;
	v1 =	vadd.f32 v6, v1  }
0x85: {  	s16 =	smul.u32 @!p0 $0xC80, s15;
	[tilespmem:s17+$0x113B0] =	vst v2;
	v2 =	vadd.f32 v5, v3  }
0x86: {  	[tilespmem:s17+$0x113C0] =	vst v1;
	v0 =	vadd.f32 v7, v0  }
0x87: {  	s19 =	simm.s32 @!p0 $0xC8;
	s16 =	sshra.s32 @!p0 s16, $0x2;
	[tilespmem:s17+$0x113D0] =	vst v2  }
0x88: {  	s20 =	simm.s32 @!p0 $0x4B00;
	s18 =	sadd.s32 @!p0 $0x320, s16;
	[tilespmem:s17+$0x113E0] =	vst v0;
	s17 =	smul.u32 $0x320, s15  }
0x89: {  	[tilespmem:s20], [sflag:$0x1] =	stream.indirect.gather @!p0 [hbm4b:s5+s19], $0x40, s18, s19, $0xb8;
	[tilespmem:$0x1DB00] =	vst v63  }
0x8a: {  	s20 =	sadd.s32 s3, s17  }
0x8b: {  	s18 =	sshll.u32 s20, $0x3  }
0x8c: {  	s18 =	sadd.s32 s2, s18  }
0x8d: {  	[hbm4b:s18+s4] =	stream.linear.scatter [tilespmem:s22], [sflag:$0x5], $0x3200, $0x38;
	[tilespmem:$0x1DB00] =	vst v63  }
0x8e: {  	_ =	swait.ge [sflag:s23], $0x3200  }
0x8f: {  	[sflag:s23] =	ssyncset.done $0x0  }
0x90: {  	s18 =	simm.s32 @!p1 $0x6;
	[sflag:s23] =	ssyncadd.s32 $0xFFFFCE00  }
0x91: {  	_ =	swait.ge @!p1 [sflag:s18], $0x3200  }
0x92: {  	[sflag:s18] =	ssyncset.done @!p1 $0x0  }
0x93: {  	[sflag:s18] =	ssyncadd.s32 @!p1 $0xFFFFCE00;
	s18 =	simm.s32 $0x0  }
0x94: {  	v0 =	vld [tilespmem:s18+$0x7DF0]  }
0x95: {  	v1 =	vld [tilespmem:s18+$0x19F0]  }
0x96: {  	v2 =	vld [tilespmem:s18+$0x7D00]  }
0x97: {  	v3 =	vld [tilespmem:s18+$0x1900]  }
0x98: {  	v4 =	vld [tilespmem:s18+$0x7D10]  }
0x99: {  	v5 =	vld [tilespmem:s18+$0x1910]  }
0x9a: {  	v6 =	vld [tilespmem:s18+$0x7D20]  }
0x9b: {  	v7 =	vld [tilespmem:s18+$0x7D30]  }
0x9c: {  	v0 =	vadd.f32 v1, v0;
	v1 =	vld [tilespmem:s18+$0x1920]  }
0x9d: {  	v2 =	vadd.f32 v3, v2;
	v3 =	vld [tilespmem:s18+$0x7D40]  }
0x9e: {  	[tilespmem:s18+$0x145F0] =	vst v0;
	v0 =	vld [tilespmem:s18+$0x1930]  }
0x9f: {  	[tilespmem:s18+$0x14500] =	vst v2;
	v2 =	vadd.f32 v5, v4;
	v4 =	vld [tilespmem:s18+$0x1940]  }
0xa0: {  	v5 =	vld [tilespmem:s18+$0x1950]  }
0xa1: {  	[tilespmem:s18+$0x14510] =	vst v2;
	v2 =	vld [tilespmem:s18+$0x7D50];
	v1 =	vadd.f32 v1, v6  }
0xa2: {  	v6 =	vld [tilespmem:s18+$0x1960]  }
0xa3: {  	[tilespmem:s18+$0x14520] =	vst v1;
	v0 =	vadd.f32 v0, v7;
	v1 =	vld [tilespmem:s18+$0x7D60]  }
0xa4: {  	v7 =	vld [tilespmem:s18+$0x19B0]  }
0xa5: {  	[tilespmem:s18+$0x14530] =	vst v0;
	v0 =	vadd.f32 v4, v3;
	v3 =	vld [tilespmem:s18+$0x7D70]  }
0xa6: {  	v4 =	vld [tilespmem:s18+$0x1970]  }
0xa7: {  	[tilespmem:s18+$0x14540] =	vst v0;
	v0 =	vadd.f32 v5, v2;
	v2 =	vld [tilespmem:s18+$0x7D80]  }
0xa8: {  	v5 =	vld [tilespmem:s18+$0x1980]  }
0xa9: {  	[tilespmem:s18+$0x14550] =	vst v0;
	v0 =	vadd.f32 v6, v1;
	v1 =	vld [tilespmem:s18+$0x7D90]  }
0xaa: {  	v6 =	vld [tilespmem:s18+$0x1990]  }
0xab: {  	[tilespmem:s18+$0x14560] =	vst v0;
	v0 =	vadd.f32 v4, v3;
	v3 =	vld [tilespmem:s18+$0x7DA0]  }
0xac: {  	v4 =	vld [tilespmem:s18+$0x19A0]  }
0xad: {  	[tilespmem:s18+$0x14570] =	vst v0;
	v0 =	vadd.f32 v5, v2;
	v5 =	vld [tilespmem:s18+$0x7DB0]  }
0xae: {  	v8 =	vld [tilespmem:s18+$0x19C0]  }
0xaf: {  	[tilespmem:s18+$0x14580] =	vst v0;
	v0 =	vadd.f32 v6, v1;
	v6 =	vld [tilespmem:s18+$0x7DC0]  }
0xb0: {  	v2 =	vld [tilespmem:s18+$0x7DD0]  }
0xb1: {  	[tilespmem:s18+$0x14590] =	vst v0;
	v0 =	vadd.f32 v4, v3;
	v3 =	vld [tilespmem:s18+$0x19D0]  }
0xb2: {  	v4 =	vld [tilespmem:s18+$0x19E0];
	v5 =	vadd.f32 v7, v5  }
0xb3: {  	s20 =	simm.s32 $0x100;
	[tilespmem:s18+$0x145A0] =	vst v0;
	v0 =	vld [tilespmem:s18+$0x7DE0]  }
0xb4: {  	s19 =	simm.s32 $0x800;
	v1 =	vld [tilespmem:s20+$0x7DF0];
	[tilespmem:s18+$0x145B0] =	vst v5;
	v5 =	vadd.f32 v8, v6  }
.LBB2_5:
0xb5: {  	p2 =	sne.s32 s19, $0xC400;
	v6 =	vld [tilespmem:s20+$0x19F0]  }
0xb6: {  	v7 =	vld [tilespmem:s20+$0x7D00];
	[tilespmem:s18+$0x145C0] =	vst v5;
	v2 =	vadd.f32 v3, v2  }
0xb7: {  	v3 =	vld [tilespmem:s20+$0x1900]  }
0xb8: {  	v5 =	vld [tilespmem:s20+$0x7D10];
	[tilespmem:s18+$0x145D0] =	vst v2;
	v0 =	vadd.f32 v4, v0  }
0xb9: {  	v2 =	vld [tilespmem:s20+$0x1910]  }
0xba: {  	v4 =	vld [tilespmem:s20+$0x7D20];
	v1 =	vadd.f32 v6, v1;
	[tilespmem:s18+$0x145E0] =	vst v0;
	s18 =	smov.u32 s20  }
0xbb: {  	v0 =	vld [tilespmem:s18+$0x1920]  }
0xbc: {  	v3 =	vadd.f32 v3, v7;
	v6 =	vld [tilespmem:s18+$0x7D30];
	[tilespmem:s18+$0x145F0] =	vst v1  }
0xbd: {  	v1 =	vld [tilespmem:s18+$0x1930]  }
0xbe: {  	[tilespmem:s18+$0x14500] =	vst v3;
	v2 =	vadd.f32 v2, v5;
	v3 =	vld [tilespmem:s18+$0x7D40]  }
0xbf: {  	v5 =	vld [tilespmem:s18+$0x1940]  }
0xc0: {  	[tilespmem:s18+$0x14510] =	vst v2;
	v0 =	vadd.f32 v0, v4;
	v2 =	vld [tilespmem:s18+$0x7D50]  }
0xc1: {  	v4 =	vld [tilespmem:s18+$0x1950]  }
0xc2: {  	[tilespmem:s18+$0x14520] =	vst v0;
	v0 =	vadd.f32 v1, v6;
	v1 =	vld [tilespmem:s18+$0x7D60]  }
0xc3: {  	v6 =	vld [tilespmem:s18+$0x1960]  }
0xc4: {  	[tilespmem:s18+$0x14530] =	vst v0;
	v0 =	vadd.f32 v5, v3;
	v3 =	vld [tilespmem:s18+$0x7D70]  }
0xc5: {  	v5 =	vld [tilespmem:s18+$0x1970]  }
0xc6: {  	[tilespmem:s18+$0x14540] =	vst v0;
	v0 =	vadd.f32 v4, v2;
	v2 =	vld [tilespmem:s18+$0x7D80]  }
0xc7: {  	v4 =	vld [tilespmem:s18+$0x1980]  }
0xc8: {  	[tilespmem:s18+$0x14550] =	vst v0;
	v0 =	vadd.f32 v6, v1;
	v1 =	vld [tilespmem:s18+$0x7D90]  }
0xc9: {  	v6 =	vld [tilespmem:s18+$0x1990]  }
0xca: {  	[tilespmem:s18+$0x14560] =	vst v0;
	v0 =	vadd.f32 v5, v3;
	v3 =	vld [tilespmem:s18+$0x7DA0]  }
0xcb: {  	v5 =	vld [tilespmem:s18+$0x19A0]  }
0xcc: {  	[tilespmem:s18+$0x14570] =	vst v0;
	v0 =	vadd.f32 v4, v2;
	v4 =	vld [tilespmem:s18+$0x7DB0]  }
0xcd: {  	v7 =	vld [tilespmem:s18+$0x19B0]  }
0xce: {  	[tilespmem:s18+$0x14580] =	vst v0;
	v0 =	vadd.f32 v6, v1;
	v6 =	vld [tilespmem:s18+$0x7DC0]  }
0xcf: {  	v8 =	vld [tilespmem:s18+$0x19C0]  }
.Ltmp1:
0xd0: {  	[tilespmem:s18+$0x14590] =	vst v0;
	v0 =	vadd.f32 v5, v3;
	v2 =	vld [tilespmem:s18+$0x7DD0];
	(pc) =	sbr.rel @p2 .LBB2_5-.Ltmp1, $4  }
0xd1: {  	v3 =	vld [tilespmem:s18+$0x19D0]  }
0xd2: {  	[tilespmem:s18+$0x145A0] =	vst v0;
	v5 =	vadd.f32 v7, v4;
	v0 =	vld [tilespmem:s18+$0x7DE0]  }
0xd3: {  	s20 =	sshra.s32 s19, $0x2;
	v4 =	vld [tilespmem:s18+$0x19E0]  }
0xd4: {  	s19 =	sadd.s32 $0x400, s19;
	v1 =	vld [tilespmem:s20+$0x7DF0];
	[tilespmem:s18+$0x145B0] =	vst v5;
	v5 =	vadd.f32 v8, v6  }
0xd5: {  	v6 =	vld [tilespmem:s20+$0x19F0]  }
0xd6: {  	v7 =	vld [tilespmem:s20+$0x7D00];
	[tilespmem:s18+$0x145C0] =	vst v5;
	v2 =	vadd.f32 v3, v2  }
0xd7: {  	v3 =	vld [tilespmem:s20+$0x1900]  }
0xd8: {  	v5 =	vld [tilespmem:s20+$0x7D10];
	[tilespmem:s18+$0x145D0] =	vst v2;
	v0 =	vadd.f32 v4, v0  }
0xd9: {  	v2 =	vld [tilespmem:s20+$0x1910]  }
0xda: {  	v4 =	vld [tilespmem:s20+$0x7D20];
	[tilespmem:s18+$0x145E0] =	vst v0  }
0xdb: {  	v0 =	vadd.f32 v6, v1;
	v1 =	vld [tilespmem:s20+$0x1920]  }
0xdc: {  	v6 =	vld [tilespmem:s20+$0x7D30]  }
0xdd: {  	v3 =	vadd.f32 v3, v7;
	[tilespmem:s20+$0x145F0] =	vst v0;
	v0 =	vld [tilespmem:s20+$0x1930]  }
0xde: {  	v7 =	vld [tilespmem:s20+$0x19E0]  }
0xdf: {  	[tilespmem:s20+$0x14500] =	vst v3;
	v2 =	vadd.f32 v2, v5;
	v3 =	vld [tilespmem:s20+$0x7D40]  }
0xe0: {  	v5 =	vld [tilespmem:s20+$0x1940]  }
0xe1: {  	[tilespmem:s20+$0x14510] =	vst v2;
	v2 =	vld [tilespmem:s20+$0x7D50]  }
0xe2: {  	v1 =	vadd.f32 v1, v4;
	v4 =	vld [tilespmem:s20+$0x1950]  }
0xe3: {  	v0 =	vadd.f32 v0, v6;
	v6 =	vld [tilespmem:s20+$0x1960]  }
0xe4: {  	[tilespmem:s20+$0x14520] =	vst v1;
	v1 =	vld [tilespmem:s20+$0x7D60]  }
0xe5: {  	[tilespmem:s20+$0x14530] =	vst v0;
	v0 =	vadd.f32 v5, v3;
	v3 =	vld [tilespmem:s20+$0x7D70]  }
0xe6: {  	v5 =	vld [tilespmem:s20+$0x1970]  }
0xe7: {  	[tilespmem:s20+$0x14540] =	vst v0;
	v0 =	vadd.f32 v4, v2;
	v2 =	vld [tilespmem:s20+$0x7D80]  }
0xe8: {  	v4 =	vld [tilespmem:s20+$0x1980]  }
0xe9: {  	[tilespmem:s20+$0x14550] =	vst v0;
	v0 =	vadd.f32 v6, v1;
	v1 =	vld [tilespmem:s20+$0x7D90]  }
0xea: {  	v6 =	vld [tilespmem:s20+$0x1990]  }
0xeb: {  	[tilespmem:s20+$0x14560] =	vst v0;
	v0 =	vadd.f32 v5, v3;
	v3 =	vld [tilespmem:s20+$0x7DA0]  }
0xec: {  	v5 =	vld [tilespmem:s20+$0x19A0]  }
0xed: {  	[tilespmem:s20+$0x14570] =	vst v0;
	v0 =	vadd.f32 v4, v2;
	v2 =	vld [tilespmem:s20+$0x7DB0]  }
0xee: {  	v4 =	vld [tilespmem:s20+$0x19B0]  }
0xef: {  	[tilespmem:s20+$0x14580] =	vst v0;
	v0 =	vadd.f32 v6, v1;
	v1 =	vld [tilespmem:s20+$0x7DC0]  }
0xf0: {  	v6 =	vld [tilespmem:s20+$0x19C0]  }
0xf1: {  	[tilespmem:s20+$0x14590] =	vst v0;
	v0 =	vadd.f32 v5, v3;
	v3 =	vld [tilespmem:s20+$0x7DD0]  }
0xf2: {  	v5 =	vld [tilespmem:s20+$0x19D0]  }
0xf3: {  	[tilespmem:s20+$0x145A0] =	vst v0;
	v0 =	vld [tilespmem:s20+$0x7DE0];
	_ =	sdelay $0x1  }
0xf4: {  	v2 =	vadd.f32 v4, v2  }
0xf5: {  	v1 =	vadd.f32 v6, v1  }
0xf6: {  	[tilespmem:s20+$0x145B0] =	vst v2;
	v2 =	vadd.f32 v5, v3  }
0xf7: {  	[tilespmem:s20+$0x145C0] =	vst v1;
	v0 =	vadd.f32 v7, v0  }
0xf8: {  	[tilespmem:s20+$0x145D0] =	vst v2  }
0xf9: {  	s19 =	simm.s32 @!p0 $0xC8;
	s18 =	sadd.s32 @!p0 $0x3E8, s16;
	[tilespmem:s20+$0x145E0] =	vst v0;
	s20 =	simm.s32 @!p0 $0x7D00  }
0xfa: {  	[tilespmem:s20], [sflag:$0x2] =	stream.indirect.gather @!p0 [hbm4b:s5+s19], $0x40, s18, s19, $0xb8;
	[tilespmem:$0x1DB00] =	vst v63  }
0xfb: {  	s20 =	sadd.s32 s17, s8  }
0xfc: {  	s18 =	sshll.u32 s20, $0x3  }
0xfd: {  	s18 =	sand.u32 $0x1FFFFF40, s18  }
0xfe: {  	s18 =	sadd.s32 s2, s18  }
0xff: {  	[hbm4b:s18+s4] =	stream.linear.scatter [tilespmem:s24], [sflag:$0x6], $0x3200, $0x38;
	[tilespmem:$0x1DB00] =	vst v63  }
0x100: {  	_ =	swait.ge [sflag:s25], $0x3200  }
0x101: {  	[sflag:s25] =	ssyncset.done $0x0  }
0x102: {  	s18 =	simm.s32 @!p1 $0x7;
	[sflag:s25] =	ssyncadd.s32 $0xFFFFCE00  }
0x103: {  	_ =	swait.ge @!p1 [sflag:s18], $0x3200  }
0x104: {  	[sflag:s18] =	ssyncset.done @!p1 $0x0  }
0x105: {  	[sflag:s18] =	ssyncadd.s32 @!p1 $0xFFFFCE00;
	s18 =	simm.s32 $0x0  }
0x106: {  	v0 =	vld [tilespmem:s18+$0xAFF0]  }
0x107: {  	v1 =	vld [tilespmem:s18+$0x19F0]  }
0x108: {  	v2 =	vld [tilespmem:s18+$0xAF00]  }
0x109: {  	v3 =	vld [tilespmem:s18+$0x1900]  }
0x10a: {  	v4 =	vld [tilespmem:s18+$0xAF10]  }
0x10b: {  	v5 =	vld [tilespmem:s18+$0x1910]  }
0x10c: {  	v6 =	vld [tilespmem:s18+$0xAF20]  }
0x10d: {  	v7 =	vld [tilespmem:s18+$0xAF30]  }
0x10e: {  	v0 =	vadd.f32 v1, v0;
	v1 =	vld [tilespmem:s18+$0x1920]  }
0x10f: {  	v2 =	vadd.f32 v3, v2;
	v3 =	vld [tilespmem:s18+$0xAF40]  }
0x110: {  	[tilespmem:s18+$0x177F0] =	vst v0;
	v0 =	vld [tilespmem:s18+$0x1930]  }
0x111: {  	[tilespmem:s18+$0x17700] =	vst v2;
	v2 =	vadd.f32 v5, v4;
	v4 =	vld [tilespmem:s18+$0x1940]  }
0x112: {  	v5 =	vld [tilespmem:s18+$0x1950]  }
0x113: {  	[tilespmem:s18+$0x17710] =	vst v2;
	v2 =	vld [tilespmem:s18+$0xAF50];
	v1 =	vadd.f32 v1, v6  }
0x114: {  	v6 =	vld [tilespmem:s18+$0x1960]  }
0x115: {  	[tilespmem:s18+$0x17720] =	vst v1;
	v0 =	vadd.f32 v0, v7;
	v1 =	vld [tilespmem:s18+$0xAF60]  }
0x116: {  	v7 =	vld [tilespmem:s18+$0x19B0]  }
0x117: {  	[tilespmem:s18+$0x17730] =	vst v0;
	v0 =	vadd.f32 v4, v3;
	v3 =	vld [tilespmem:s18+$0xAF70]  }
0x118: {  	v4 =	vld [tilespmem:s18+$0x1970]  }
0x119: {  	[tilespmem:s18+$0x17740] =	vst v0;
	v0 =	vadd.f32 v5, v2;
	v2 =	vld [tilespmem:s18+$0xAF80]  }
0x11a: {  	v5 =	vld [tilespmem:s18+$0x1980]  }
0x11b: {  	[tilespmem:s18+$0x17750] =	vst v0;
	v0 =	vadd.f32 v6, v1;
	v1 =	vld [tilespmem:s18+$0xAF90]  }
0x11c: {  	v6 =	vld [tilespmem:s18+$0x1990]  }
0x11d: {  	[tilespmem:s18+$0x17760] =	vst v0;
	v0 =	vadd.f32 v4, v3;
	v3 =	vld [tilespmem:s18+$0xAFA0]  }
0x11e: {  	v4 =	vld [tilespmem:s18+$0x19A0]  }
0x11f: {  	[tilespmem:s18+$0x17770] =	vst v0;
	v0 =	vadd.f32 v5, v2;
	v5 =	vld [tilespmem:s18+$0xAFB0]  }
0x120: {  	v8 =	vld [tilespmem:s18+$0x19C0]  }
0x121: {  	[tilespmem:s18+$0x17780] =	vst v0;
	v0 =	vadd.f32 v6, v1;
	v6 =	vld [tilespmem:s18+$0xAFC0]  }
0x122: {  	v2 =	vld [tilespmem:s18+$0xAFD0]  }
0x123: {  	[tilespmem:s18+$0x17790] =	vst v0;
	v0 =	vadd.f32 v4, v3;
	v3 =	vld [tilespmem:s18+$0x19D0]  }
0x124: {  	v4 =	vld [tilespmem:s18+$0x19E0];
	v5 =	vadd.f32 v7, v5  }
0x125: {  	s20 =	simm.s32 $0x100;
	[tilespmem:s18+$0x177A0] =	vst v0;
	v0 =	vld [tilespmem:s18+$0xAFE0]  }
0x126: {  	s19 =	simm.s32 $0x800;
	v1 =	vld [tilespmem:s20+$0xAFF0];
	[tilespmem:s18+$0x177B0] =	vst v5;
	v5 =	vadd.f32 v8, v6  }
.LBB2_7:
0x127: {  	p2 =	sne.s32 s19, $0xC400;
	v6 =	vld [tilespmem:s20+$0x19F0]  }
0x128: {  	v7 =	vld [tilespmem:s20+$0xAF00];
	[tilespmem:s18+$0x177C0] =	vst v5;
	v2 =	vadd.f32 v3, v2  }
0x129: {  	v3 =	vld [tilespmem:s20+$0x1900]  }
0x12a: {  	v5 =	vld [tilespmem:s20+$0xAF10];
	[tilespmem:s18+$0x177D0] =	vst v2;
	v0 =	vadd.f32 v4, v0  }
0x12b: {  	v2 =	vld [tilespmem:s20+$0x1910]  }
0x12c: {  	v4 =	vld [tilespmem:s20+$0xAF20];
	v1 =	vadd.f32 v6, v1;
	[tilespmem:s18+$0x177E0] =	vst v0;
	s18 =	smov.u32 s20  }
0x12d: {  	v0 =	vld [tilespmem:s18+$0x1920]  }
0x12e: {  	v3 =	vadd.f32 v3, v7;
	v6 =	vld [tilespmem:s18+$0xAF30];
	[tilespmem:s18+$0x177F0] =	vst v1  }
0x12f: {  	v1 =	vld [tilespmem:s18+$0x1930]  }
0x130: {  	[tilespmem:s18+$0x17700] =	vst v3;
	v2 =	vadd.f32 v2, v5;
	v3 =	vld [tilespmem:s18+$0xAF40]  }
0x131: {  	v5 =	vld [tilespmem:s18+$0x1940]  }
0x132: {  	[tilespmem:s18+$0x17710] =	vst v2;
	v0 =	vadd.f32 v0, v4;
	v2 =	vld [tilespmem:s18+$0xAF50]  }
0x133: {  	v4 =	vld [tilespmem:s18+$0x1950]  }
0x134: {  	[tilespmem:s18+$0x17720] =	vst v0;
	v0 =	vadd.f32 v1, v6;
	v1 =	vld [tilespmem:s18+$0xAF60]  }
0x135: {  	v6 =	vld [tilespmem:s18+$0x1960]  }
0x136: {  	[tilespmem:s18+$0x17730] =	vst v0;
	v0 =	vadd.f32 v5, v3;
	v3 =	vld [tilespmem:s18+$0xAF70]  }
0x137: {  	v5 =	vld [tilespmem:s18+$0x1970]  }
0x138: {  	[tilespmem:s18+$0x17740] =	vst v0;
	v0 =	vadd.f32 v4, v2;
	v2 =	vld [tilespmem:s18+$0xAF80]  }
0x139: {  	v4 =	vld [tilespmem:s18+$0x1980]  }
0x13a: {  	[tilespmem:s18+$0x17750] =	vst v0;
	v0 =	vadd.f32 v6, v1;
	v1 =	vld [tilespmem:s18+$0xAF90]  }
0x13b: {  	v6 =	vld [tilespmem:s18+$0x1990]  }
0x13c: {  	[tilespmem:s18+$0x17760] =	vst v0;
	v0 =	vadd.f32 v5, v3;
	v3 =	vld [tilespmem:s18+$0xAFA0]  }
0x13d: {  	v5 =	vld [tilespmem:s18+$0x19A0]  }
0x13e: {  	[tilespmem:s18+$0x17770] =	vst v0;
	v0 =	vadd.f32 v4, v2;
	v4 =	vld [tilespmem:s18+$0xAFB0]  }
0x13f: {  	v7 =	vld [tilespmem:s18+$0x19B0]  }
0x140: {  	[tilespmem:s18+$0x17780] =	vst v0;
	v0 =	vadd.f32 v6, v1;
	v6 =	vld [tilespmem:s18+$0xAFC0]  }
0x141: {  	v8 =	vld [tilespmem:s18+$0x19C0]  }
.Ltmp2:
0x142: {  	[tilespmem:s18+$0x17790] =	vst v0;
	v0 =	vadd.f32 v5, v3;
	v2 =	vld [tilespmem:s18+$0xAFD0];
	(pc) =	sbr.rel @p2 .LBB2_7-.Ltmp2, $4  }
0x143: {  	v3 =	vld [tilespmem:s18+$0x19D0]  }
0x144: {  	[tilespmem:s18+$0x177A0] =	vst v0;
	v5 =	vadd.f32 v7, v4;
	v0 =	vld [tilespmem:s18+$0xAFE0]  }
0x145: {  	s20 =	sshra.s32 s19, $0x2;
	v4 =	vld [tilespmem:s18+$0x19E0]  }
0x146: {  	s19 =	sadd.s32 $0x400, s19;
	v1 =	vld [tilespmem:s20+$0xAFF0];
	[tilespmem:s18+$0x177B0] =	vst v5;
	v5 =	vadd.f32 v8, v6  }
0x147: {  	v6 =	vld [tilespmem:s20+$0x19F0]  }
0x148: {  	v7 =	vld [tilespmem:s20+$0xAF00];
	[tilespmem:s18+$0x177C0] =	vst v5;
	v2 =	vadd.f32 v3, v2  }
0x149: {  	v3 =	vld [tilespmem:s20+$0x1900]  }
0x14a: {  	v5 =	vld [tilespmem:s20+$0xAF10];
	[tilespmem:s18+$0x177D0] =	vst v2;
	v0 =	vadd.f32 v4, v0  }
0x14b: {  	v2 =	vld [tilespmem:s20+$0x1910]  }
0x14c: {  	v4 =	vld [tilespmem:s20+$0xAF20];
	[tilespmem:s18+$0x177E0] =	vst v0  }
0x14d: {  	v0 =	vadd.f32 v6, v1;
	v1 =	vld [tilespmem:s20+$0x1920]  }
0x14e: {  	v6 =	vld [tilespmem:s20+$0xAF30]  }
0x14f: {  	v3 =	vadd.f32 v3, v7;
	[tilespmem:s20+$0x177F0] =	vst v0;
	v0 =	vld [tilespmem:s20+$0x1930]  }
0x150: {  	v7 =	vld [tilespmem:s20+$0x19E0]  }
0x151: {  	[tilespmem:s20+$0x17700] =	vst v3;
	v2 =	vadd.f32 v2, v5;
	v3 =	vld [tilespmem:s20+$0xAF40]  }
0x152: {  	v5 =	vld [tilespmem:s20+$0x1940]  }
0x153: {  	[tilespmem:s20+$0x17710] =	vst v2;
	v2 =	vld [tilespmem:s20+$0xAF50]  }
0x154: {  	v1 =	vadd.f32 v1, v4;
	v4 =	vld [tilespmem:s20+$0x1950]  }
0x155: {  	v0 =	vadd.f32 v0, v6;
	v6 =	vld [tilespmem:s20+$0x1960]  }
0x156: {  	[tilespmem:s20+$0x17720] =	vst v1;
	v1 =	vld [tilespmem:s20+$0xAF60]  }
0x157: {  	[tilespmem:s20+$0x17730] =	vst v0;
	v0 =	vadd.f32 v5, v3;
	v3 =	vld [tilespmem:s20+$0xAF70]  }
0x158: {  	v5 =	vld [tilespmem:s20+$0x1970]  }
0x159: {  	[tilespmem:s20+$0x17740] =	vst v0;
	v0 =	vadd.f32 v4, v2;
	v2 =	vld [tilespmem:s20+$0xAF80]  }
0x15a: {  	v4 =	vld [tilespmem:s20+$0x1980]  }
0x15b: {  	[tilespmem:s20+$0x17750] =	vst v0;
	v0 =	vadd.f32 v6, v1;
	v1 =	vld [tilespmem:s20+$0xAF90]  }
0x15c: {  	v6 =	vld [tilespmem:s20+$0x1990]  }
0x15d: {  	[tilespmem:s20+$0x17760] =	vst v0;
	v0 =	vadd.f32 v5, v3;
	v3 =	vld [tilespmem:s20+$0xAFA0]  }
0x15e: {  	v5 =	vld [tilespmem:s20+$0x19A0]  }
0x15f: {  	[tilespmem:s20+$0x17770] =	vst v0;
	v0 =	vadd.f32 v4, v2;
	v2 =	vld [tilespmem:s20+$0xAFB0]  }
0x160: {  	v4 =	vld [tilespmem:s20+$0x19B0]  }
0x161: {  	[tilespmem:s20+$0x17780] =	vst v0;
	v0 =	vadd.f32 v6, v1;
	v1 =	vld [tilespmem:s20+$0xAFC0]  }
0x162: {  	v6 =	vld [tilespmem:s20+$0x19C0]  }
0x163: {  	[tilespmem:s20+$0x17790] =	vst v0;
	v0 =	vadd.f32 v5, v3;
	v3 =	vld [tilespmem:s20+$0xAFD0]  }
0x164: {  	v5 =	vld [tilespmem:s20+$0x19D0]  }
0x165: {  	[tilespmem:s20+$0x177A0] =	vst v0;
	v0 =	vld [tilespmem:s20+$0xAFE0];
	_ =	sdelay $0x1  }
0x166: {  	v2 =	vadd.f32 v4, v2  }
0x167: {  	v1 =	vadd.f32 v6, v1  }
0x168: {  	[tilespmem:s20+$0x177B0] =	vst v2;
	v2 =	vadd.f32 v5, v3  }
0x169: {  	[tilespmem:s20+$0x177C0] =	vst v1;
	v0 =	vadd.f32 v7, v0  }
0x16a: {  	[tilespmem:s20+$0x177D0] =	vst v2  }
0x16b: {  	s19 =	simm.s32 @!p0 $0xC8;
	s18 =	sadd.s32 @!p0 $0x4B0, s16;
	[tilespmem:s20+$0x177E0] =	vst v0;
	s20 =	simm.s32 @!p0 $0xAF00  }
0x16c: {  	[tilespmem:s20], [sflag:$0x3] =	stream.indirect.gather @!p0 [hbm4b:s5+s19], $0x40, s18, s19, $0xb8;
	[tilespmem:$0x1DB00] =	vst v63  }
0x16d: {  	s20 =	sadd.s32 s17, s9  }
0x16e: {  	s18 =	sshll.u32 s20, $0x3  }
0x16f: {  	s18 =	sand.u32 $0x1FFFFF80, s18  }
0x170: {  	s18 =	sadd.s32 s2, s18  }
0x171: {  	[hbm4b:s18+s4] =	stream.linear.scatter [tilespmem:s26], [sflag:$0x7], $0x3200, $0x38;
	[tilespmem:$0x1DB00] =	vst v63  }
0x172: {  	_ =	swait.ge [sflag:s28], $0x3200  }
0x173: {  	[sflag:s28] =	ssyncset.done $0x0  }
0x174: {  	s18 =	simm.s32 @!p1 $0x8;
	[sflag:s28] =	ssyncadd.s32 $0xFFFFCE00  }
0x175: {  	_ =	swait.ge @!p1 [sflag:s18], $0x3200  }
0x176: {  	[sflag:s18] =	ssyncset.done @!p1 $0x0  }
0x177: {  	[sflag:s18] =	ssyncadd.s32 @!p1 $0xFFFFCE00;
	s18 =	simm.s32 $0x0  }
0x178: {  	v0 =	vld [tilespmem:s18+$0xE1F0]  }
0x179: {  	v1 =	vld [tilespmem:s18+$0x19F0]  }
0x17a: {  	v2 =	vld [tilespmem:s18+$0xE100]  }
0x17b: {  	v3 =	vld [tilespmem:s18+$0x1900]  }
0x17c: {  	v4 =	vld [tilespmem:s18+$0xE110]  }
0x17d: {  	v5 =	vld [tilespmem:s18+$0x1910]  }
0x17e: {  	v6 =	vld [tilespmem:s18+$0xE120]  }
0x17f: {  	v7 =	vld [tilespmem:s18+$0xE130]  }
0x180: {  	v0 =	vadd.f32 v1, v0;
	v1 =	vld [tilespmem:s18+$0x1920]  }
0x181: {  	v2 =	vadd.f32 v3, v2;
	v3 =	vld [tilespmem:s18+$0xE140]  }
0x182: {  	[tilespmem:s18+$0x1A9F0] =	vst v0;
	v0 =	vld [tilespmem:s18+$0x1930]  }
0x183: {  	[tilespmem:s18+$0x1A900] =	vst v2;
	v2 =	vadd.f32 v5, v4;
	v4 =	vld [tilespmem:s18+$0x1940]  }
0x184: {  	v5 =	vld [tilespmem:s18+$0x1950]  }
0x185: {  	[tilespmem:s18+$0x1A910] =	vst v2;
	v2 =	vld [tilespmem:s18+$0xE150];
	v1 =	vadd.f32 v1, v6  }
0x186: {  	v6 =	vld [tilespmem:s18+$0x1960]  }
0x187: {  	[tilespmem:s18+$0x1A920] =	vst v1;
	v0 =	vadd.f32 v0, v7;
	v1 =	vld [tilespmem:s18+$0xE160]  }
0x188: {  	v7 =	vld [tilespmem:s18+$0x19B0]  }
0x189: {  	[tilespmem:s18+$0x1A930] =	vst v0;
	v0 =	vadd.f32 v4, v3;
	v3 =	vld [tilespmem:s18+$0xE170]  }
0x18a: {  	v4 =	vld [tilespmem:s18+$0x1970]  }
0x18b: {  	[tilespmem:s18+$0x1A940] =	vst v0;
	v0 =	vadd.f32 v5, v2;
	v2 =	vld [tilespmem:s18+$0xE180]  }
0x18c: {  	v5 =	vld [tilespmem:s18+$0x1980]  }
0x18d: {  	[tilespmem:s18+$0x1A950] =	vst v0;
	v0 =	vadd.f32 v6, v1;
	v1 =	vld [tilespmem:s18+$0xE190]  }
0x18e: {  	v6 =	vld [tilespmem:s18+$0x1990]  }
0x18f: {  	[tilespmem:s18+$0x1A960] =	vst v0;
	v0 =	vadd.f32 v4, v3;
	v3 =	vld [tilespmem:s18+$0xE1A0]  }
0x190: {  	v4 =	vld [tilespmem:s18+$0x19A0]  }
0x191: {  	[tilespmem:s18+$0x1A970] =	vst v0;
	v0 =	vadd.f32 v5, v2;
	v5 =	vld [tilespmem:s18+$0xE1B0]  }
0x192: {  	v8 =	vld [tilespmem:s18+$0x19C0]  }
0x193: {  	[tilespmem:s18+$0x1A980] =	vst v0;
	v0 =	vadd.f32 v6, v1;
	v6 =	vld [tilespmem:s18+$0xE1C0]  }
0x194: {  	v2 =	vld [tilespmem:s18+$0xE1D0]  }
0x195: {  	[tilespmem:s18+$0x1A990] =	vst v0;
	v0 =	vadd.f32 v4, v3;
	v3 =	vld [tilespmem:s18+$0x19D0]  }
0x196: {  	v4 =	vld [tilespmem:s18+$0x19E0];
	v5 =	vadd.f32 v7, v5  }
0x197: {  	s20 =	simm.s32 $0x100;
	[tilespmem:s18+$0x1A9A0] =	vst v0;
	v0 =	vld [tilespmem:s18+$0xE1E0]  }
0x198: {  	s19 =	simm.s32 $0x800;
	v1 =	vld [tilespmem:s20+$0xE1F0];
	[tilespmem:s18+$0x1A9B0] =	vst v5;
	v5 =	vadd.f32 v8, v6  }
.LBB2_9:
0x199: {  	p1 =	sne.s32 s19, $0xC400;
	v6 =	vld [tilespmem:s20+$0x19F0]  }
0x19a: {  	v7 =	vld [tilespmem:s20+$0xE100];
	[tilespmem:s18+$0x1A9C0] =	vst v5;
	v2 =	vadd.f32 v3, v2  }
0x19b: {  	v3 =	vld [tilespmem:s20+$0x1900]  }
0x19c: {  	v5 =	vld [tilespmem:s20+$0xE110];
	[tilespmem:s18+$0x1A9D0] =	vst v2;
	v0 =	vadd.f32 v4, v0  }
0x19d: {  	v2 =	vld [tilespmem:s20+$0x1910]  }
0x19e: {  	v4 =	vld [tilespmem:s20+$0xE120];
	v1 =	vadd.f32 v6, v1;
	[tilespmem:s18+$0x1A9E0] =	vst v0;
	s18 =	smov.u32 s20  }
0x19f: {  	v0 =	vld [tilespmem:s18+$0x1920]  }
0x1a0: {  	v3 =	vadd.f32 v3, v7;
	v6 =	vld [tilespmem:s18+$0xE130];
	[tilespmem:s18+$0x1A9F0] =	vst v1  }
0x1a1: {  	v1 =	vld [tilespmem:s18+$0x1930]  }
0x1a2: {  	[tilespmem:s18+$0x1A900] =	vst v3;
	v2 =	vadd.f32 v2, v5;
	v3 =	vld [tilespmem:s18+$0xE140]  }
0x1a3: {  	v5 =	vld [tilespmem:s18+$0x1940]  }
0x1a4: {  	[tilespmem:s18+$0x1A910] =	vst v2;
	v0 =	vadd.f32 v0, v4;
	v2 =	vld [tilespmem:s18+$0xE150]  }
0x1a5: {  	v4 =	vld [tilespmem:s18+$0x1950]  }
0x1a6: {  	[tilespmem:s18+$0x1A920] =	vst v0;
	v0 =	vadd.f32 v1, v6;
	v1 =	vld [tilespmem:s18+$0xE160]  }
0x1a7: {  	v6 =	vld [tilespmem:s18+$0x1960]  }
0x1a8: {  	[tilespmem:s18+$0x1A930] =	vst v0;
	v0 =	vadd.f32 v5, v3;
	v3 =	vld [tilespmem:s18+$0xE170]  }
0x1a9: {  	v5 =	vld [tilespmem:s18+$0x1970]  }
0x1aa: {  	[tilespmem:s18+$0x1A940] =	vst v0;
	v0 =	vadd.f32 v4, v2;
	v2 =	vld [tilespmem:s18+$0xE180]  }
0x1ab: {  	v4 =	vld [tilespmem:s18+$0x1980]  }
0x1ac: {  	[tilespmem:s18+$0x1A950] =	vst v0;
	v0 =	vadd.f32 v6, v1;
	v1 =	vld [tilespmem:s18+$0xE190]  }
0x1ad: {  	v6 =	vld [tilespmem:s18+$0x1990]  }
0x1ae: {  	[tilespmem:s18+$0x1A960] =	vst v0;
	v0 =	vadd.f32 v5, v3;
	v3 =	vld [tilespmem:s18+$0xE1A0]  }
0x1af: {  	v5 =	vld [tilespmem:s18+$0x19A0]  }
0x1b0: {  	[tilespmem:s18+$0x1A970] =	vst v0;
	v0 =	vadd.f32 v4, v2;
	v4 =	vld [tilespmem:s18+$0xE1B0]  }
0x1b1: {  	v7 =	vld [tilespmem:s18+$0x19B0]  }
0x1b2: {  	[tilespmem:s18+$0x1A980] =	vst v0;
	v0 =	vadd.f32 v6, v1;
	v6 =	vld [tilespmem:s18+$0xE1C0]  }
0x1b3: {  	v8 =	vld [tilespmem:s18+$0x19C0]  }
.Ltmp3:
0x1b4: {  	[tilespmem:s18+$0x1A990] =	vst v0;
	v0 =	vadd.f32 v5, v3;
	v2 =	vld [tilespmem:s18+$0xE1D0];
	(pc) =	sbr.rel @p1 .LBB2_9-.Ltmp3, $4  }
0x1b5: {  	v3 =	vld [tilespmem:s18+$0x19D0]  }
0x1b6: {  	[tilespmem:s18+$0x1A9A0] =	vst v0;
	v5 =	vadd.f32 v7, v4;
	v0 =	vld [tilespmem:s18+$0xE1E0]  }
0x1b7: {  	s20 =	sshra.s32 s19, $0x2;
	v4 =	vld [tilespmem:s18+$0x19E0]  }
0x1b8: {  	s19 =	sadd.s32 $0x400, s19;
	v1 =	vld [tilespmem:s20+$0xE1F0];
	[tilespmem:s18+$0x1A9B0] =	vst v5;
	v5 =	vadd.f32 v8, v6  }
0x1b9: {  	v6 =	vld [tilespmem:s20+$0x19F0]  }
0x1ba: {  	v7 =	vld [tilespmem:s20+$0xE100];
	[tilespmem:s18+$0x1A9C0] =	vst v5;
	v2 =	vadd.f32 v3, v2  }
0x1bb: {  	v28 =	vld [tilespmem:s20+$0x1900]  }
0x1bc: {  	v5 =	vld [tilespmem:s20+$0xE110];
	[tilespmem:s18+$0x1A9D0] =	vst v2;
	v0 =	vadd.f32 v4, v0  }
0x1bd: {  	v2 =	vld [tilespmem:s20+$0x1910]  }
0x1be: {  	v29 =	vld [tilespmem:s20+$0xE120];
	[tilespmem:s18+$0x1A9E0] =	vst v0  }
0x1bf: {  	v31 =	vld [tilespmem:s20+$0x1920]  }
0x1c0: {  	v32 =	vld [tilespmem:s20+$0xE130]  }
0x1c1: {  	v33 =	vld [tilespmem:s20+$0x1930]  }
0x1c2: {  	v34 =	vld [tilespmem:s20+$0xE140]  }
0x1c3: {  	v35 =	vld [tilespmem:s20+$0x1940]  }
0x1c4: {  	v36 =	vld [tilespmem:s20+$0xE150]  }
0x1c5: {  	v37 =	vld [tilespmem:s20+$0x1950]  }
0x1c6: {  	v38 =	vld [tilespmem:s20+$0xE160]  }
0x1c7: {  	v39 =	vld [tilespmem:s20+$0x1960]  }
0x1c8: {  	v41 =	vld [tilespmem:s20+$0xE170]  }
0x1c9: {  	v42 =	vld [tilespmem:s20+$0x1970]  }
0x1ca: {  	v44 =	vld [tilespmem:s20+$0xE180]  }
0x1cb: {  	v45 =	vld [tilespmem:s20+$0x1980]  }
0x1cc: {  	v47 =	vld [tilespmem:s20+$0xE190]  }
0x1cd: {  	v30 =	vadd.f32 v6, v1;
	v48 =	vld [tilespmem:s20+$0x1990]  }
0x1ce: {  	v50 =	vld [tilespmem:s20+$0xE1A0];
	v3 =	vadd.f32 v28, v7  }
0x1cf: {  	v51 =	vld [tilespmem:s20+$0x19A0];
	[tilespmem:s20+$0x1A9F0] =	vst v30;
	v2 =	vadd.f32 v2, v5  }
0x1d0: {  	v53 =	vld [tilespmem:s20+$0xE1B0];
	[tilespmem:s20+$0x1A900] =	vst v3;
	v1 =	vadd.f32 v31, v29  }
0x1d1: {  	v54 =	vld [tilespmem:s20+$0x19B0];
	[tilespmem:s20+$0x1A910] =	vst v2;
	v0 =	vadd.f32 v33, v32  }
0x1d2: {  	v56 =	vld [tilespmem:s20+$0xE1C0];
	v40 =	vadd.f32 v35, v34;
	[tilespmem:s20+$0x1A920] =	vst v1  }
0x1d3: {  	v57 =	vld [tilespmem:s20+$0x19C0];
	v43 =	vadd.f32 v37, v36;
	[tilespmem:s20+$0x1A930] =	vst v0  }
0x1d4: {  	v59 =	vld [tilespmem:s20+$0xE1D0];
	v46 =	vadd.f32 v39, v38;
	[tilespmem:s20+$0x1A940] =	vst v40  }
0x1d5: {  	v60 =	vld [tilespmem:s20+$0x19D0];
	v49 =	vadd.f32 v42, v41;
	[tilespmem:s20+$0x1A950] =	vst v43  }
0x1d6: {  	v61 =	vld [tilespmem:s20+$0xE1E0];
	v52 =	vadd.f32 v45, v44;
	[tilespmem:s20+$0x1A960] =	vst v46  }
0x1d7: {  	v62 =	vld [tilespmem:s20+$0x19E0];
	v55 =	vadd.f32 v48, v47;
	[tilespmem:s20+$0x1A970] =	vst v49  }
0x1d8: {  	v58 =	vadd.f32 v51, v50;
	[tilespmem:s20+$0x1A980] =	vst v52  }
0x1d9: {  	v2 =	vadd.f32 v54, v53;
	[tilespmem:s20+$0x1A990] =	vst v55  }
0x1da: {  	v63 =	vadd.f32 v60, v59;
	[tilespmem:s20+$0x1A9A0] =	vst v58  }
0x1db: {  	v1 =	vadd.f32 v57, v56;
	[tilespmem:s20+$0x1A9B0] =	vst v2  }
0x1dc: {  	v0 =	vadd.f32 v62, v61;
	[tilespmem:s20+$0x1A9D0] =	vst v63  }
0x1dd: {  	s16 =	sadd.s32 @!p0 $0x578, s16;
	[tilespmem:s20+$0x1A9C0] =	vst v1  }
0x1de: {  	s19 =	simm.s32 @!p0 $0xE100;
	s15 =	sadd.s32 $0x1, s15;
	s18 =	simm.s32 @!p0 $0xC8;
	[tilespmem:s20+$0x1A9E0] =	vst v0  }
0x1df: {  	[tilespmem:s19], [sflag:$0x4] =	stream.indirect.gather @!p0 [hbm4b:s5+s18], $0x40, s16, s18, $0xb8;
	[tilespmem:$0x1DB00] =	vst v63  }
0x1e0: {  	p0 =	sne.s32 s15, $0x8  }
.Ltmp4:
0x1e1: {  	s20 =	sadd.s32 s17, s10;
	(pc) =	sbr.rel @p0 .LBB2_2-.Ltmp4, $4  }
0x1e2: {  	s16 =	sshll.u32 s20, $0x3  }
0x1e3: {  	s16 =	sand.u32 $0x1FFFFFC0, s16  }
0x1e4: {  	s16 =	sadd.s32 s2, s16  }
0x1e5: {  	[hbm4b:s16+s4] =	stream.linear.scatter [tilespmem:s29], [sflag:$0x8], $0x3200, $0x38;
	[tilespmem:$0x1DB00] =	vst v63  }
0x1e6: {  	_ =	swait.ge [sflag:s30], $0x3200  }
0x1e7: {  	[sflag:s30] =	ssyncset.done $0x0  }
0x1e8: {  	[sflag:s30] =	ssyncadd.s32 $0xFFFFCE00  }
0x1e9: {  	_ =	swait.ge [sflag:s31], $0x3200  }
0x1ea: {  	[sflag:s31] =	ssyncset.done $0x0  }
0x1eb: {  	s13 =	sadd.s32 $0x1, s13;
	[sflag:s31] =	ssyncadd.s32 $0xFFFFCE00  }
0x1ec: {  	p0 =	sne.s32 s13, s11;
	_ =	swait.ge [sflag:s1], $0x3200  }
.Ltmp5:
0x1ed: {  	[sflag:s1] =	ssyncset.done $0x0;
	(pc) =	sbr.rel @p0 .LBB2_1-.Ltmp5, $4  }
0x1ee: {  	[sflag:s1] =	ssyncadd.s32 $0xFFFFCE00  }
0x1ef: {  	_ =	swait.ge [sflag:s0], $0x3200  }
0x1f0: {  	[sflag:s0] =	ssyncset.done $0x0  }
0x1f1: {  	[sflag:s0] =	ssyncadd.s32 $0xFFFFCE00  }
0x1f2: {  	_ =	sfence.sel $0x180000  }
0x1f3: {  	[bflag:$0x0] =	sbarrier.arrive $0xFFFF  }
0x1f4: {  	_ =	strace $0x90000047  }
0x1f5: {  	s0 =	stileid.u32;
	[bflag:$0x2] =	sbarrier.arrive $0xFFFF  }
0x1f6: {  	p0 =	sne.s32 s0, $0x0;
	s0 =	rddreg [dreg:$0x2]  }
0x1f7: {  	s0 =	sadd.s32 @!p0 $0x100000, s0  }
0x1f8: {  	[sflag:s0] =	ssyncadd.tile.s32 @!p0 $0x1;
	_ =	shalt  }
.Lfunc_end2:
_tile_overlayer_lowered:
.L_overlay_start_2:
0x1f9: {  	(tag) =	ssettag $0x2  }
0x1fa: {  	s0 =	rddreg [dreg:$0x0];
	s2 =	stileid.u32  }
0x1fb: {  	s1 =	rddreg [dreg:$0x1];
	p0 =	sne.s32 s2, $0x0  }
0x1fc: {  	s3 =	rddreg [dreg:$0x2];
	[bflag:$0x3] =	sbarrier.arrive $0xFFFF;
	s2 =	simm.s32 @!p0 $0x1C09  }
0x1fd: {  	[timem:s3], [sflag:s2] =	dma.local @!p0 [hbm:s0], s1  }
0x1fe: {  	s0 =	simm.s32 @!p0 $0x9  }
0x1ff: {  	_ =	swait.ge @!p0 [sflag:s0], s1  }
0x200: {  	s1 =	ssub.s32 @!p0 $0x0, s1;
	[sflag:s0] =	ssyncset.done @!p0 $0x0  }
0x201: {  	[sflag:s0] =	ssyncadd.s32 @!p0 s1  }
0x202: {  	[bflag:$0x3] =	sbarrier.arrive $0xFFFF  }
0x203: {  	_ =	shalt  }

// kernel: sparse-core-data-format-call.cloned.1.call-start
scs
called_computation_lowered:
.L_overlay_start_0:
0x0: {  	s2 =	sld [smem:$0x3FD9]  }
0x1: {  	s3 =	sld [smem:$0x3FFE];
	_ =	sdelay $0x1  }
0x2: {  	s1 =	srdreg.scid  }
0x3: {  	s0 =	sand.u32 $0x1, s1  }
0x4: {  	s18 =	sshll.u32 s0, $0xA;
	s2 =	sadd.s32 s3, s2  }
0x5: {  	s2 =	sadd.s32 s2, s18  }
0x6: {  	[smem:$0x3FC5] =	sst s2  }
0x7: {  	_ = 	snop  }
0x8: {  	s2 =	sld [smem:$0x3FD0];
	(tm) =	ssettm $0x1  }
0x9: {  	s19 =	sld [smem:$0x3FFB];
	_ =	sdelay $0x3  }
0xa: {  	_ =	strace s19  }
0xb: {  	s3 =	sld [smem:$0x3FFC];
	_ =	sdelay $0x3  }
0xc: {  	_ =	strace s3  }
0xd: {  	s3 =	sld [smem:$0x3FFD];
	_ =	sdelay $0x3  }
0xe: {  	_ =	strace s3  }
0xf: {  	_ =	strace $0x8FFFFFFF  }
0x10: {  	s20 =	sld [smem:$0x3FDB];
	_ =	sdelay $0x1  }
0x11: {  	s4 =	simm.s32 $_scs_section_size  }
0x12: {  	s5 =	simm.s32 $_size__tile_overlayer_lowered;
	s6 =	simm.s32 $_tile_overlayer_lowered  }
0x13: {  	s23 =	simm.s32 $0x1BFF;
	s22 =	sshll.u32 s6, $0x1;
	s3 =	sadd.s32 s4, s20  }
0x14: {  	s7 =	simm.s32 $0x0;
	s21 =	sshll.u32 s5, $0x1;
	s5 =	sadd.s32 s22, s3  }
0x15: {  	[timem:s7], [sflag:s23] =	dma.local [hbm:s5], s21  }
0x16: {  	_ =	swait.ge [sflag:s23], s21  }
0x17: {  	s4 =	ssub.s32 $0x0, s21;
	[sflag:s23] =	ssyncset.done $0x0  }
0x18: {  	[sflag:s23] =	ssyncadd.s32 s4;
	_ =	sdelay $0x1  }
0x19: {  	s24 =	simm.s32 $0x1B8B  }
0x1a: {  	_ =	swait.ge [sflag:s24], $0x1  }
0x1b: {  	[sflag:s24] =	ssyncset.done $0x0  }
0x1c: {  	s26 =	simm.s32 $0x1B8E;
	s25 =	sld [smem:$0x3FFE];
	[sflag:s24] =	ssyncadd.s32 $0xFFFFFFFF  }
0x1d: {  	s27 =	simm.s32 $execute0_lowered;
	[smem:$0x3FD2] =	sst s26  }
0x1e: {  	s5 =	sshll.u32 s27, $0x1;
	_ =	strace $0x80000049;
	[dreg:$0x1] =	wrdreg $0xFFFFFFFF  }
0x1f: {  	s28 =	simm.s32 $_size_execute0_lowered;
	s3 =	sadd.s32 s3, s5;
	[dreg:$0x0] =	wrdreg $0x0  }
0x20: {  	s5 =	sshll.u32 s28, $0x1;
	[dreg:$0x2] =	wrdreg s3  }
0x21: {  	[dreg:$0x3] =	wrdreg s5  }
0x22: {  	[dreg:$0x4] =	wrdreg $0xC0  }
0x23: {  	_ =	task [dreg:s7], $0x5FFFF  }
0x24: {  	[dreg:$0x1] =	wrdreg $0xFFFFFFFF  }
0x25: {  	[dreg:$0x0] =	wrdreg $0x60  }
0x26: {  	[dreg:$0x2] =	wrdreg s25  }
0x27: {  	[dreg:$0x3] =	wrdreg s2  }
0x28: {  	[dreg:$0x4] =	wrdreg $0x9  }
0x29: {  	_ =	task.clear_ibuf [dreg:s7], $0x5FFFF;
	_ =	strace $0x90000049  }
0x2a: {  	s29 =	simm.s32 $0x9;
	_ =	strace $0x8000004B  }
0x2b: {  	_ =	swait.ge [sflag:s29], $0x1  }
0x2c: {  	[sflag:s29] =	ssyncadd.s32 $0xFFFFFFFF  }
0x2d: {  	_ =	strace $0x9000004B  }
0x2e: {  	_ =	sfence  }
0x2f: {  	s30 =	sld [smem:$0x0];
	_ =	sdelay $0x2  }
0x30: {  	s31 =	sshll.u32 s1, $0xD;
	s1 =	sshrl.u32 s1, $0x2  }
0x31: {  	s3 =	sand.u32 $0x4000, s31;
	s1 =	sadd.s32 s1, s30  }
0x32: {  	s0 =	sor.u32 s3, s0;
	s1 =	sshll.u32 s1, $0x11  }
0x33: {  	s0 =	sor.u32 s1, s0  }
0x34: {  	s0 =	sadd.s32 $0x8F2B, s0  }
0x35: {  	[sflag:s0] =	ssyncadd.remote.s32 $0x1  }
0x36: {  	_ =	sfence.sel $0xFFFF  }
0x37: {  	[dreg:$0x0] =	wrdreg $0xFFFFFFFF;
	(pc) =	sbr.abs _section_cstart, $3  }
0x38: {  	[dreg:$0x1] =	wrdreg $0xFFFFFFFF  }
0x39: {  	_ =	task.clear_ibuf [dreg:s7], $0x2FFFF;
	_ =	strace $0x9FFFFFFF  }
0x3a: {  	(tm) =	ssettm $0x7FFFFFFF  }
0x3b: {  	_ =	shalt  }
tec
execute0_lowered:
.L_overlay_start_1:
0x0: {  	(tag) =	ssettag $0x1  }
0x1: {  	s0 =	stileid.u32;
	s6 =	rddreg [dreg:$0x0]  }
0x2: {  	s2 =	rddreg [dreg:$0x1];
	s5 =	srdreg.scid  }
0x3: {  	s31 =	simm.s32 $0x2;
	s13 =	simm.s32 $0x0;
	s1 =	sshll.u32 s0, $0x7  }
0x4: {  	s14 =	simm.s32 $0x0;
	s12 =	simm.s32 $0x0;
	s3 =	sand.u32 $0x380, s1  }
0x5: {  	s5 =	sshll.u32 s5, $0x4;
	s6 =	sadd.s32 $0xC00, s6;
	s4 =	ssub.s32 $0x400, s3  }
0x6: {  	s1 =	rddreg [dreg:$0x2];
	_ =	strace $0x8000004A;
	s7 =	sand.u32 $0x380, s4  }
0x7: {  	s5 =	sand.u32 $0x10, s5;
	p0 =	sne.s32 s7, $0x0;
	s7 =	simm.s32 $0x1  }
.Ltmp0:
0x8: {  	s8 =	sshrl.u32 s4, $0xA;
	s7 =	simm.s32 @!p0 $0x0;
	(pc) =	sbr.rel .LBB1_1-.Ltmp0, $4  }
0x9: {  	s9 =	sor.u32 s0, s5;
	s4 =	simm.s32 $0x1;
	s30 =	sadd.s32 s7, s8  }
0xa: {  	s11 =	smov.u32 s3;
	[sflag:s4] =	ssyncpa.u1 $0x0;
	s5 =	smul.u32 $0x32, s30  }
0xb: {  	[sflag:s31] =	ssyncpa.u1 $0x0;
	p0 =	por $0x0, $0x0;
	s7 =	sshrl.u32 s9, $0x3  }
0xc: {  	s9 =	simm.s32 $0x2000;
	s10 =	smov.u32 s7;
	s8 =	sor.u32 $0x1, s5  }
.LBB1_4:
0xd: {  	s17 =	sand.u32 $0x1F80, s14;
	s13 =	sshll.u32 s13, $0xD  }
0xe: {  	[tilespmem:s16+$0x810 ss:$0x81] =	vst.msk $0xffff, v2;
	s18 =	sshrl.u32 s14, $0x3;
	s31 =	sand.u32 $0x7, s14;
	s17 =	sadd.s32 s2, s17  }
0xf: {  	[tilespmem:s16+$0x1020 ss:$0x81] =	vst.msk $0xffff, v0;
	s18 =	sand.u32 $0xF, s18;
	s14 =	sshll.u32 s31, $0x12;
	s13 =	sadd.s32 s13, s17  }
0x10: {  	[tilespmem:s16+$0x0 ss:$0x81] =	vst.msk $0xffff, v1;
	s14 =	sor.u32 $0x400, s14;
	s13 =	sadd.s32 s18, s13  }
0x11: {  	[hbm4b:s13+s14] =	stream.strided.scatter [tilespmem:s15], [sflag:$0x2], $0x2000, s9, s14, $0x20;
	[tilespmem:$0x8080] =	vst v63  }
.LBB1_5:
0x12: {  	s15 =	sadd.s32 $0x4, s10  }
0x13: {  	s13 =	sadd.s32 $0x400, s11;
	s17 =	smov.u32 s11;
	p2 =	sgt.s32 s15, $0xC7  }
0x14: {  	s17 =	smov.u32 @p2 s13  }
0x15: {  	s15 =	smov.u32 @p2 s7;
	p2 =	sgt.s32 s17, $0x3FF  }
0x16: {  	s17 =	smov.u32 @p2 s3;
	p2 =	sne.s32 s12, s8  }
.Ltmp1:
0x17: {  	p1 =	slt.u32 s12, $0x2;
	(pc) =	sbr.rel @!p2 .LBB1_6-.Ltmp1, $4  }
0x18: {  	s16 =	simm.s32 @!p1 $0x2  }
0x19: {  	s14 =	smov.u32 s11;
	p0 =	por !p0, !p0;
	_ =	swait.ge @!p1 [sflag:s16], $0x2000  }
0x1a: {  	s13 =	smov.u32 s10;
	[sflag:s16] =	ssyncset.done @!p1 $0x0;
	s10 =	smov.u32 s15  }
0x1b: {  	s12 =	sadd.s32 $0x1, s12;
	[sflag:s16] =	ssyncadd.s32 @!p1 $0xFFFFE000;
	s11 =	smov.u32 s17  }
.LBB1_1:
0x1c: {  	p1 =	sge.u32 s12, s5  }
0x1d: {  	s15 =	sand.u32 @!p1 $0x1FFFFFF, s10  }
0x1e: {  	s16 =	smulhi.u32 @!p1 $0x147AE15, s15;
	_ =	sdelay $0x1  }
0x1f: {  	s16 =	smul.u32 @!p1 $0xC8, s16  }
0x20: {  	s17 =	sxor.u32 @!p1 $0xFFFFFFFF, s12;
	s18 =	smul.u32 @!p1 $0xC80, s11  }
0x21: {  	s31 =	sadd.s32 $0xFFFFFFFF, s12;
	s17 =	sshll.u32 @!p1 s17, $0xD;
	s15 =	ssub.s32 @!p1 s15, s16  }
0x22: {  	s16 =	sand.u32 @!p1 $0x2000, s17;
	s17 =	sadd.s32 @!p1 s6, s18;
	s15 =	sshll.u32 @!p1 s15, $0x4  }
0x23: {  	s18 =	simm.s32 @!p1 $0x6400;
	s15 =	sadd.s32 @!p1 s15, s17;
	s17 =	simm.s32 @!p1 $0x40  }
0x24: {  	[tilespmem:s16], [sflag:$0x1] =	stream.strided.gather @!p1 [hbm4b:s15+s17], $0x2000, s18, s17, $0x38;
	[tilespmem:$0x8080] =	vst v63  }
0x25: {  	p1 =	sge.u32 s31, s5  }
.Ltmp2:
0x26: {  	_ = 	snop;
	(pc) =	sbr.rel @p1 .LBB1_5-.Ltmp2, $1  }
0x27: {  	_ =	sdelay $0x3  }
0x28: {  	s15 =	simm.s32 $0x1  }
0x29: {  	_ =	swait.ge [sflag:s4], $0x2000;
	s15 =	simm.s32 @!p0 $0x0  }
0x2a: {  	[sflag:s4] =	ssyncset.done $0x0;
	s16 =	sshll.u32 s15, $0xD  }
0x2b: {  	[sflag:s4] =	ssyncadd.s32 $0xFFFFE000;
	s19 =	sor.u32 $0x20, s16  }
0x2c: {  	s15 =	smul.u32 $0x8100, s15;
	v3 =	vld [tilespmem:s19+$0x10]  }
0x2d: {  	s30 =	sand.u32 $0x1, s12;
	v2 =	vld [tilespmem:s19+$0xFFFFFFF0]  }
0x2e: {  	s16 =	smul.u32 $0x8100, s30;
	s15 =	sshrl.u32 s15, $0x2;
	v0 =	vld [tilespmem:s19+$0x0]  }
0x2f: {  	v1 =	vld [tilespmem:s19+$0xFFFFFFE0];
	s17 =	sor.u32 $0x4000, s15  }
0x30: {  	s31 =	sshrl.u32 s16, $0x2;
	s16 =	sadd.s32 $0x0, s17  }
0x31: {  	s18 =	simm.s32 $0x4;
	s19 =	sadd.s32 $0x40, s19;
	s15 =	sor.u32 $0x4000, s31;
	[tilespmem:s16+$0x1830 ss:$0x81] =	vst.msk $0xffff, v3  }
.LBB1_3:
0x32: {  	v3 =	vld [tilespmem:s19+$0x10];
	p1 =	sne.s32 s18, $0x1FC;
	[tilespmem:s16+$0x810 ss:$0x81] =	vst.msk $0xffff, v2;
	s20 =	smov.u32 s18;
	s18 =	sadd.s32 $0x4, s18  }
.Ltmp3:
0x33: {  	v2 =	vld [tilespmem:s19+$0xFFFFFFF0];
	[tilespmem:s16+$0x1020 ss:$0x81] =	vst.msk $0xffff, v0;
	(pc) =	sbr.rel @p1 .LBB1_3-.Ltmp3, $4  }
0x34: {  	v0 =	vld [tilespmem:s19+$0x0];
	[tilespmem:s16+$0x0 ss:$0x81] =	vst.msk $0xffff, v1  }
0x35: {  	s16 =	sshra.s32 s20, $0x2;
	v1 =	vld [tilespmem:s19+$0xFFFFFFE0]  }
0x36: {  	s16 =	sadd.s32 s16, s17  }
0x37: {  	s19 =	sadd.s32 $0x40, s19;
	[tilespmem:s16+$0x1830 ss:$0x81] =	vst.msk $0xffff, v3  }
.Ltmp4:
0x38: {  	_ = 	snop;
	(pc) =	sbr.rel .LBB1_4-.Ltmp4, $1  }
0x39: {  	_ =	sdelay $0x3  }
.LBB1_6:
0x3a: {  	_ =	sfence.sel $0x180000  }
0x3b: {  	s2 =	simm.s32 $0x1;
	[bflag:$0x0] =	sbarrier.arrive $0xFFFF  }
0x3c: {  	s31 =	simm.s32 $0x2;
	[sflag:s2] =	ssyncpa.u1 $0x1  }
0x3d: {  	[sflag:s31] =	ssyncpa.u1 $0x1  }
0x3e: {  	p0 =	sne.s32 s0, $0x0;
	_ =	strace $0x9000004A  }
0x3f: {  	s0 =	sadd.s32 @!p0 $0x100000, s1;
	[bflag:$0x2] =	sbarrier.arrive $0xFFFF  }
0x40: {  	[sflag:s0] =	ssyncadd.tile.s32 @!p0 $0x1;
	_ =	shalt  }
.Lfunc_end1:
_tile_overlayer_lowered:
.L_overlay_start_2:
0x41: {  	(tag) =	ssettag $0x2  }
0x42: {  	s0 =	rddreg [dreg:$0x0];
	s2 =	stileid.u32  }
0x43: {  	s1 =	rddreg [dreg:$0x1];
	p0 =	sne.s32 s2, $0x0  }
0x44: {  	s3 =	rddreg [dreg:$0x2];
	[bflag:$0x3] =	sbarrier.arrive $0xFFFF;
	s2 =	simm.s32 @!p0 $0x1C01  }
0x45: {  	[timem:s3], [sflag:s2] =	dma.local @!p0 [hbm:s0], s1  }
0x46: {  	s0 =	simm.s32 @!p0 $0x1  }
0x47: {  	_ =	swait.ge @!p0 [sflag:s0], s1  }
0x48: {  	s1 =	ssub.s32 @!p0 $0x0, s1;
	[sflag:s0] =	ssyncset.done @!p0 $0x0  }
0x49: {  	[sflag:s0] =	ssyncadd.s32 @!p0 s1  }
0x4a: {  	[bflag:$0x3] =	sbarrier.arrive $0xFFFF  }
0x4b: {  	_ =	shalt  }

</sc_bundles>
